<compile_context>
chip_gen: v7x
topology: tpu7x:2x2x1
jax: 0.10.2.dev20260603
libtpu: 0.0.44.dev20260713+nightly
codegen_flags: <defaults>
</compile_context>

<pallas_src>
import functools

import jax
import jax.numpy as jnp
from jax import lax
from jax.experimental import pallas as pl
from jax.experimental.pallas import tpu as pltpu
from jax.experimental.pallas import tpu_sc as plsc

_GAMMA = 12.0
_D = 128
_NEG = 200
_NEGP = 208
_B = 4096
_NC = 2
_NS = 16
_NW = _NC * _NS
_BPW = _B // _NW
_L = 16
_L2 = 32
_DW = _D // 2


def _pack_pairs(s):
    bits = jax.lax.bitcast_convert_type(s, jnp.uint32)
    half = jnp.uint32(0x8000)
    lo = jax.lax.shift_right_logical(bits[:, :_DW] + half, jnp.uint32(16))
    hi = (bits[:, _DW:] + half) & jnp.uint32(0xFFFF0000)
    return jax.lax.bitcast_convert_type(hi | lo, jnp.float32)


def _combine_body(a_ref, b_ref, o_ref):
    o_ref[...] = _pack_pairs(a_ref[...] + b_ref[...])


def _combine(a, b):
    rows = a.shape[0]
    blk = 2000
    return pl.pallas_call(
        _combine_body,
        grid=(rows // blk,),
        in_specs=[pl.BlockSpec((blk, _D), lambda i: (i, 0))] * 2,
        out_specs=pl.BlockSpec((blk, _DW), lambda i: (i, 0)),
        out_shape=jax.ShapeDtypeStruct((rows, _DW), jnp.float32),
    )(a, b)


def _cast_body(a_ref, o_ref):
    o_ref[...] = _pack_pairs(a_ref[...])


def _cast_rel(a):
    rows = a.shape[0]
    return pl.pallas_call(
        _cast_body,
        grid=(1,),
        in_specs=[pl.BlockSpec((rows, _D), lambda i: (0, 0))],
        out_specs=pl.BlockSpec((rows, _DW), lambda i: (0, 0)),
        out_shape=jax.ShapeDtypeStruct((rows, _DW), jnp.float32),
    )(a)


def _bf(x):
    return plsc.bitcast(x, jnp.bfloat16)


def _score_body(pos0_hbm, pos1_hbm, neg_hbm, comb_hbm, rel_hbm, out_hbm,
                negv, hrv, tba, tbb, sca, scb, redv, p0v, p1v,
                sem0, sem1, semo):
    cid = lax.axis_index("c")
    sid = lax.axis_index("s")
    wid = sid * _NC + cid
    base = wid * _BPW

    pltpu.sync_copy(pos0_hbm.at[pl.ds(base, _BPW)], p0v)
    pltpu.sync_copy(pos1_hbm.at[pl.ds(base, _BPW)], p1v)
    pltpu.async_copy(comb_hbm.at[p0v], tba.at[pl.ds(0, _BPW)], sem0).wait()
    pltpu.async_copy(rel_hbm.at[p1v], tbb.at[pl.ds(0, _BPW)], sem0).wait()

    def _add_body(r, carry):
        for c in range(_DW // _L):
            sl = pl.ds(c * _L, _L)
            s = _bf(tba[r, sl]) + _bf(tbb[r, sl])
            hrv[r, sl] = plsc.bitcast(s, jnp.float32)
        return carry
    lax.fori_loop(0, _BPW, _add_body, 0)

    pltpu.sync_copy(neg_hbm.at[pl.ds(base, _BPW)], negv)

    lane = lax.iota(jnp.int32, _L)
    col_base = lane * _L
    half = _NEGP // 2

    def _issue(b, buf, sem):
        pltpu.async_copy(comb_hbm.at[negv.at[b, 0]], buf.at[pl.ds(0, half)],
                         sem)
        pltpu.async_copy(comb_hbm.at[negv.at[b, 1]],
                         buf.at[pl.ds(half, half)], sem)

    def _drain(b, buf, sem):
        pltpu.make_async_copy(comb_hbm.at[negv.at[b, 0]],
                              buf.at[pl.ds(0, half)], sem).wait()
        pltpu.make_async_copy(comb_hbm.at[negv.at[b, 1]],
                              buf.at[pl.ds(half, half)], sem).wait()

    def _compute(b, buf, sc):
        hch = [_bf(hrv[b, pl.ds(c * _L, _L)]) for c in range(_D // _L2)]

        def _g_body(g, carry2):
            for j in range(_L):
                row = g * _L + j
                acc = jnp.abs(_bf(buf[row, pl.ds(0, _L)]) - hch[0])
                for c in range(1, _D // _L2):
                    acc = acc + jnp.abs(_bf(buf[row, pl.ds(c * _L, _L)])
                                        - hch[c])
                lo, hi = plsc.unpack(acc, format=plsc.PackFormat.INTERLEAVED)
                redv[pl.ds(j * _L, _L)] = lo + hi
            tot = plsc.load_gather(redv, [col_base])
            for c in range(1, _L):
                tot = tot + plsc.load_gather(redv, [col_base + c])
            sc[pl.ds(g * _L, _L)] = _GAMMA - tot
            return carry2
        lax.fori_loop(0, _NEGP // _L, _g_body, 0)

    _issue(0, tba, sem0)

    def _pair_body(i, carry):
        b0 = 2 * i
        _issue(b0 + 1, tbb, sem1)
        _drain(b0, tba, sem0)

        @pl.when(i > 0)
        def _():
            pltpu.make_async_copy(sca, out_hbm.at[base + b0 - 2], semo).wait()
            pltpu.make_async_copy(scb, out_hbm.at[base + b0 - 1], semo).wait()
        _compute(b0, tba, sca)
        pltpu.async_copy(sca, out_hbm.at[base + b0], semo)

        @pl.when(b0 + 2 < _BPW)
        def _():
            _issue(b0 + 2, tba, sem0)
        _drain(b0 + 1, tbb, sem1)
        _compute(b0 + 1, tbb, scb)
        pltpu.async_copy(scb, out_hbm.at[base + b0 + 1], semo)
        return carry
    lax.fori_loop(0, _BPW // 2, _pair_body, 0)
    pltpu.make_async_copy(sca, out_hbm.at[base + _BPW - 2], semo).wait()
    pltpu.make_async_copy(scb, out_hbm.at[base + _BPW - 1], semo).wait()


@functools.partial(
    pl.kernel,
    out_type=jax.ShapeDtypeStruct((_B, _NEGP), jnp.float32),
    mesh=plsc.VectorSubcoreMesh(core_axis_name="c", subcore_axis_name="s",
                                num_cores=_NC, num_subcores=_NS),
    compiler_params=pltpu.CompilerParams(needs_layout_passes=False,
                                         use_tc_tiling_on_sc=False),
    scratch_types=[
        pltpu.VMEM((_BPW, 2, _NEGP // 2), jnp.int32),
        pltpu.VMEM((_BPW, _DW), jnp.float32),
        pltpu.VMEM((_NEGP, _DW), jnp.float32),
        pltpu.VMEM((_NEGP, _DW), jnp.float32),
        pltpu.VMEM((_NEGP,), jnp.float32),
        pltpu.VMEM((_NEGP,), jnp.float32),
        pltpu.VMEM((_L * _L,), jnp.float32),
        pltpu.VMEM((_BPW,), jnp.int32),
        pltpu.VMEM((_BPW,), jnp.int32),
        pltpu.SemaphoreType.DMA,
        pltpu.SemaphoreType.DMA,
        pltpu.SemaphoreType.DMA,
    ],
)
def _score(pos0_hbm, pos1_hbm, neg_hbm, comb_hbm, rel_hbm, out_hbm,
           negv, hrv, tba, tbb, sca, scb, redv, p0v, p1v, sem0, sem1, semo):
    _score_body(pos0_hbm, pos1_hbm, neg_hbm, comb_hbm, rel_hbm, out_hbm,
                negv, hrv, tba, tbb, sca, scb, redv, p0v, p1v,
                sem0, sem1, semo)


def kernel(positive_sample, negative_sample, entity_static_embeddings,
           entity_dynamic_embeddings, relation_embeddings):
    pos0 = positive_sample[:, 0].astype(jnp.int32)
    pos1 = positive_sample[:, 1].astype(jnp.int32)
    neg = jnp.pad(negative_sample.astype(jnp.int32),
                  ((0, 0), (0, _NEGP - _NEG)))
    neg3 = neg.reshape(_B, 2, _NEGP // 2)
    comb = _combine(entity_static_embeddings, entity_dynamic_embeddings)
    rel_bf = _cast_rel(relation_embeddings)
    out = _score(pos0, pos1, neg3, comb, rel_bf)
    return out[:, :_NEG]

# --- scband reference (transcript-rebuilt; emitter-appended) ---
"""Pipeline reference for scband-sslp-59493886984245 (READ-ONLY COPY).

The authoritative reference and input builder live on the scoring server;
editing this copy changes nothing except your own understanding.
"""

import jax, jax.numpy as jnp
import numpy as np

NUM_ENTITIES = 100000
NUM_RELATIONS = 1000
HIDDEN_DIM = 128
BATCH = 4096
NEG = 200
GAMMA = 12.0


def setup_inputs(seed: int = 0) -> dict:
    key = jax.random.key(seed)
    k0, k1, k2, k3, k4 = jax.random.split(key, 5)
    positive_sample = jax.random.randint(k0, (BATCH, 3), 0, 1000, dtype=jnp.int64 if jax.config.jax_enable_x64 else jnp.int32)
    negative_sample = jax.random.randint(k1, (BATCH, NEG), 0, NUM_ENTITIES, dtype=jnp.int64 if jax.config.jax_enable_x64 else jnp.int32)
    entity_static_embeddings = jax.random.normal(k2, (NUM_ENTITIES, HIDDEN_DIM), dtype=jnp.float32) * 0.02
    entity_dynamic_embeddings = jax.random.normal(k3, (NUM_ENTITIES, HIDDEN_DIM), dtype=jnp.float32) * 0.02
    relation_embeddings = jax.random.normal(k4, (NUM_RELATIONS, HIDDEN_DIM), dtype=jnp.float32) * 0.02
    return {
        "positive_sample": positive_sample,
        "negative_sample": negative_sample,
        "entity_static_embeddings": entity_static_embeddings,
        "entity_dynamic_embeddings": entity_dynamic_embeddings,
        "relation_embeddings": relation_embeddings,
    }


def reference(positive_sample, negative_sample, entity_static_embeddings,
              entity_dynamic_embeddings, relation_embeddings):
    # TAIL_BATCH forward path of KGEModelWithMultiInput / SSLP
    batch_size, negative_sample_size = negative_sample.shape
    h_static = jnp.take(entity_static_embeddings, positive_sample[:, 0], axis=0)[:, None, :]
    h_dynamic = jnp.take(entity_dynamic_embeddings, positive_sample[:, 0], axis=0)[:, None, :]
    relation = jnp.take(relation_embeddings, positive_sample[:, 1], axis=0)[:, None, :]
    t_static = jnp.take(entity_static_embeddings, negative_sample.reshape(-1), axis=0).reshape(batch_size, negative_sample_size, -1)
    t_dynamic = jnp.take(entity_dynamic_embeddings, negative_sample.reshape(-1), axis=0).reshape(batch_size, negative_sample_size, -1)
    # predict(): translational score combining static + dynamic (literal) parts
    h = h_static + h_dynamic
    t = t_static + t_dynamic
    score = GAMMA - jnp.sum(jnp.abs(h + relation - t), axis=-1)
    return score

if __name__ == "__main__":
    import jax
    _d = setup_inputs()
    print(jax.jit(kernel)(*tuple(_d.values())))

</pallas_src>

<mosaic_0001>
#map = affine_map<(d0, d1) -> (0)>
#map1 = affine_map<(d0, d1) -> (0, 0, 0)>
#map2 = affine_map<(d0, d1) -> (0, 0)>
module attributes {stable_mosaic.version = 14 : i64} {
  func.func @_score(%arg0: i32, %arg1: i32, %arg2: memref<4096xi32, #tpu.memory_space<hbm>>, %arg3: memref<4096xi32, #tpu.memory_space<hbm>>, %arg4: memref<4096x2x104xi32, #tpu.memory_space<hbm>>, %arg5: memref<100000x64xf32, #tpu.memory_space<hbm>>, %arg6: memref<1000x64xf32, #tpu.memory_space<hbm>>, %arg7: memref<4096x208xf32, #tpu.memory_space<hbm>>, %arg8: memref<128x2x104xi32, #tpu.memory_space<vmem>>, %arg9: memref<128x64xf32, #tpu.memory_space<vmem>>, %arg10: memref<208x64xf32, #tpu.memory_space<vmem>>, %arg11: memref<208x64xf32, #tpu.memory_space<vmem>>, %arg12: memref<208xf32, #tpu.memory_space<vmem>>, %arg13: memref<208xf32, #tpu.memory_space<vmem>>, %arg14: memref<256xf32, #tpu.memory_space<vmem>>, %arg15: memref<128xi32, #tpu.memory_space<vmem>>, %arg16: memref<128xi32, #tpu.memory_space<vmem>>, %arg17: memref<!tpu.dma_semaphore, #tpu.memory_space<semaphore_mem>>, %arg18: memref<!tpu.dma_semaphore, #tpu.memory_space<semaphore_mem>>, %arg19: memref<!tpu.dma_semaphore, #tpu.memory_space<semaphore_mem>>) attributes {dimension_semantics = [#tpu.dimension_semantics<core_parallel>, #tpu.dimension_semantics<subcore_parallel>], iteration_bounds = array<i64: 2, 16>, scalar_prefetch = 0 : i64, scratch_operands = 12 : i64, tpu.core_type = #tpu.core_type<sc_vector_subcore>, window_params = [{transform_indices = #map}, {transform_indices = #map}, {transform_indices = #map1}, {transform_indices = #map2}, {transform_indices = #map2}, {transform_indices = #map2}]} {
    %mul3A = arith.constant 2 : i32
    %mul3A_0 = arith.muli %arg1, %mul3A : i32
    %add3A = arith.addi %mul3A_0, %arg0 : i32
    %mul3A_1 = arith.constant 128 : i32
    %mul3A_2 = arith.muli %add3A, %mul3A_1 : i32
    "tpu.region"() ({
      %run_scoped3A = tpu.sem_alloc : memref<!tpu.dma_semaphore, #tpu.memory_space<semaphore_mem>>
      %dma_start3A_80 = tpu.memref_slice %arg2[%mul3A_2] : memref<4096xi32, #tpu.memory_space<hbm>> -> memref<128xi32, #tpu.memory_space<hbm>>
      %dma_start3A_81 = tpu.memref_slice %arg2[%mul3A_2] : memref<4096xi32, #tpu.memory_space<hbm>> -> memref<128xi32, #tpu.memory_space<hbm>>
      tpu.enqueue_dma source(%dma_start3A_81 : memref<128xi32, #tpu.memory_space<hbm>>) target(%arg15 : memref<128xi32, #tpu.memory_space<vmem>>) target_semaphore(%run_scoped3A : memref<!tpu.dma_semaphore, #tpu.memory_space<semaphore_mem>>)
      %dma_wait3A_82 = tpu.memref_slice %arg2[%mul3A_2] : memref<4096xi32, #tpu.memory_space<hbm>> -> memref<128xi32, #tpu.memory_space<hbm>>
      %dma_wait3A_83 = tpu.memref_slice %arg2[%mul3A_2] : memref<4096xi32, #tpu.memory_space<hbm>> -> memref<128xi32, #tpu.memory_space<hbm>>
      tpu.wait_dma2 semaphore(%run_scoped3A : memref<!tpu.dma_semaphore, #tpu.memory_space<semaphore_mem>>) src(%dma_wait3A_83 : memref<128xi32, #tpu.memory_space<hbm>>) dst(%arg15 : memref<128xi32, #tpu.memory_space<vmem>>)
      tpu.yield
    }) : () -> ()
    "tpu.region"() ({
      %run_scoped3A = tpu.sem_alloc : memref<!tpu.dma_semaphore, #tpu.memory_space<semaphore_mem>>
      %dma_start3A_80 = tpu.memref_slice %arg3[%mul3A_2] : memref<4096xi32, #tpu.memory_space<hbm>> -> memref<128xi32, #tpu.memory_space<hbm>>
      %dma_start3A_81 = tpu.memref_slice %arg3[%mul3A_2] : memref<4096xi32, #tpu.memory_space<hbm>> -> memref<128xi32, #tpu.memory_space<hbm>>
      tpu.enqueue_dma source(%dma_start3A_81 : memref<128xi32, #tpu.memory_space<hbm>>) target(%arg16 : memref<128xi32, #tpu.memory_space<vmem>>) target_semaphore(%run_scoped3A : memref<!tpu.dma_semaphore, #tpu.memory_space<semaphore_mem>>)
      %dma_wait3A_82 = tpu.memref_slice %arg3[%mul3A_2] : memref<4096xi32, #tpu.memory_space<hbm>> -> memref<128xi32, #tpu.memory_space<hbm>>
      %dma_wait3A_83 = tpu.memref_slice %arg3[%mul3A_2] : memref<4096xi32, #tpu.memory_space<hbm>> -> memref<128xi32, #tpu.memory_space<hbm>>
      tpu.wait_dma2 semaphore(%run_scoped3A : memref<!tpu.dma_semaphore, #tpu.memory_space<semaphore_mem>>) src(%dma_wait3A_83 : memref<128xi32, #tpu.memory_space<hbm>>) dst(%arg16 : memref<128xi32, #tpu.memory_space<vmem>>)
      tpu.yield
    }) : () -> ()
    %dma_start3A = arith.constant 0 : i32
    %dma_start3A_3 = arith.constant 0 : i32
    %dma_start3A_4 = tpu.memref_slice %arg10[%dma_start3A, %dma_start3A_3] : memref<208x64xf32, #tpu.memory_space<vmem>> -> memref<128x64xf32, #tpu.memory_space<vmem>>
    %dma_start3A_5 = arith.constant 0 : i32
    %dma_start3A_6 = arith.constant 0 : i32
    %dma_start3A_7 = tpu.memref_slice %arg5[%dma_start3A_5, %dma_start3A_6] : memref<100000x64xf32, #tpu.memory_space<hbm>> -> memref<100000x64xf32, #tpu.memory_space<hbm>>
    tpu.enqueue_indirect_dma source(%dma_start3A_7 : memref<100000x64xf32, #tpu.memory_space<hbm>>) target(%dma_start3A_4 : memref<128x64xf32, #tpu.memory_space<vmem>>) offsets(%arg15 : memref<128xi32, #tpu.memory_space<vmem>>) semaphore(%arg17 : memref<!tpu.dma_semaphore, #tpu.memory_space<semaphore_mem>>)
    %dma_wait3A = arith.constant 0 : i32
    %dma_wait3A_8 = arith.constant 0 : i32
    %dma_wait3A_9 = tpu.memref_slice %arg10[%dma_wait3A, %dma_wait3A_8] : memref<208x64xf32, #tpu.memory_space<vmem>> -> memref<128x64xf32, #tpu.memory_space<vmem>>
    %dma_wait3A_10 = arith.constant 0 : i32
    %dma_wait3A_11 = arith.constant 0 : i32
    %dma_wait3A_12 = tpu.memref_slice %arg5[%dma_wait3A_10, %dma_wait3A_11] : memref<100000x64xf32, #tpu.memory_space<hbm>> -> memref<100000x64xf32, #tpu.memory_space<hbm>>
    tpu.wait_indirect_dma semaphore(%arg17 : memref<!tpu.dma_semaphore, #tpu.memory_space<semaphore_mem>>) src(%dma_wait3A_12 : memref<100000x64xf32, #tpu.memory_space<hbm>>) dst(%dma_wait3A_9 : memref<128x64xf32, #tpu.memory_space<vmem>>)
    %dma_start3A_13 = arith.constant 0 : i32
    %dma_start3A_14 = arith.constant 0 : i32
    %dma_start3A_15 = tpu.memref_slice %arg11[%dma_start3A_13, %dma_start3A_14] : memref<208x64xf32, #tpu.memory_space<vmem>> -> memref<128x64xf32, #tpu.memory_space<vmem>>
    %dma_start3A_16 = arith.constant 0 : i32
    %dma_start3A_17 = arith.constant 0 : i32
    %dma_start3A_18 = tpu.memref_slice %arg6[%dma_start3A_16, %dma_start3A_17] : memref<1000x64xf32, #tpu.memory_space<hbm>> -> memref<1000x64xf32, #tpu.memory_space<hbm>>
    tpu.enqueue_indirect_dma source(%dma_start3A_18 : memref<1000x64xf32, #tpu.memory_space<hbm>>) target(%dma_start3A_15 : memref<128x64xf32, #tpu.memory_space<vmem>>) offsets(%arg16 : memref<128xi32, #tpu.memory_space<vmem>>) semaphore(%arg17 : memref<!tpu.dma_semaphore, #tpu.memory_space<semaphore_mem>>)
    %dma_wait3A_19 = arith.constant 0 : i32
    %dma_wait3A_20 = arith.constant 0 : i32
    %dma_wait3A_21 = tpu.memref_slice %arg11[%dma_wait3A_19, %dma_wait3A_20] : memref<208x64xf32, #tpu.memory_space<vmem>> -> memref<128x64xf32, #tpu.memory_space<vmem>>
    %dma_wait3A_22 = arith.constant 0 : i32
    %dma_wait3A_23 = arith.constant 0 : i32
    %dma_wait3A_24 = tpu.memref_slice %arg6[%dma_wait3A_22, %dma_wait3A_23] : memref<1000x64xf32, #tpu.memory_space<hbm>> -> memref<1000x64xf32, #tpu.memory_space<hbm>>
    tpu.wait_indirect_dma semaphore(%arg17 : memref<!tpu.dma_semaphore, #tpu.memory_space<semaphore_mem>>) src(%dma_wait3A_24 : memref<1000x64xf32, #tpu.memory_space<hbm>>) dst(%dma_wait3A_21 : memref<128x64xf32, #tpu.memory_space<vmem>>)
    %scan3A = arith.constant 0 : i32
    %scan3A_25 = arith.constant 0 : i32
    %scan3A_26 = arith.constant 128 : i32
    %scan3A_27 = arith.addi %scan3A_25, %scan3A_26 : i32
    %scan3A_28 = arith.constant 1 : i32
    scf.for %scan3A_80 = %scan3A_25 to %scan3A_27 step %scan3A_28  : i32 {
      %get3A = arith.index_cast %scan3A_80 : i32 to index
      %get3A_81 = arith.constant 0 : index
      %get3A_82 = tpu.vector_load %arg10[%get3A, %get3A_81] {strides = array<i32>} : memref<208x64xf32, #tpu.memory_space<vmem>>, vector<16xf32>,
      %bitcast3A = vector.bitcast %get3A_82 : vector<16xf32> to vector<32xbf16>
      %get3A_83 = arith.index_cast %scan3A_80 : i32 to index
      %get3A_84 = arith.constant 0 : index
      %get3A_85 = tpu.vector_load %arg11[%get3A_83, %get3A_84] {strides = array<i32>} : memref<208x64xf32, #tpu.memory_space<vmem>>, vector<16xf32>,
      %bitcast3A_86 = vector.bitcast %get3A_85 : vector<16xf32> to vector<32xbf16>
      %add3A_87 = arith.addf %bitcast3A, %bitcast3A_86 : vector<32xbf16>
      %bitcast3A_88 = vector.bitcast %add3A_87 : vector<32xbf16> to vector<16xf32>
      %swap3A = arith.index_cast %scan3A_80 : i32 to index
      %swap3A_89 = arith.constant 0 : index
      %swap3A_90 = tpu.vector_load %arg9[%swap3A, %swap3A_89] {strides = array<i32>} : memref<128x64xf32, #tpu.memory_space<vmem>>, vector<16xf32>,
      tpu.vector_store %arg9[%swap3A, %swap3A_89], %bitcast3A_88 {strides = array<i32>} : memref<128x64xf32, #tpu.memory_space<vmem>>, vector<16xf32>,
      %get3A_91 = arith.index_cast %scan3A_80 : i32 to index
      %get3A_92 = arith.constant 16 : index
      %get3A_93 = tpu.vector_load %arg10[%get3A_91, %get3A_92] {strides = array<i32>} : memref<208x64xf32, #tpu.memory_space<vmem>>, vector<16xf32>,
      %bitcast3A_94 = vector.bitcast %get3A_93 : vector<16xf32> to vector<32xbf16>
      %get3A_95 = arith.index_cast %scan3A_80 : i32 to index
      %get3A_96 = arith.constant 16 : index
      %get3A_97 = tpu.vector_load %arg11[%get3A_95, %get3A_96] {strides = array<i32>} : memref<208x64xf32, #tpu.memory_space<vmem>>, vector<16xf32>,
      %bitcast3A_98 = vector.bitcast %get3A_97 : vector<16xf32> to vector<32xbf16>
      %add3A_99 = arith.addf %bitcast3A_94, %bitcast3A_98 : vector<32xbf16>
      %bitcast3A_100 = vector.bitcast %add3A_99 : vector<32xbf16> to vector<16xf32>
      %swap3A_101 = arith.index_cast %scan3A_80 : i32 to index
      %swap3A_102 = arith.constant 16 : index
      %swap3A_103 = tpu.vector_load %arg9[%swap3A_101, %swap3A_102] {strides = array<i32>} : memref<128x64xf32, #tpu.memory_space<vmem>>, vector<16xf32>,
      tpu.vector_store %arg9[%swap3A_101, %swap3A_102], %bitcast3A_100 {strides = array<i32>} : memref<128x64xf32, #tpu.memory_space<vmem>>, vector<16xf32>,
      %get3A_104 = arith.index_cast %scan3A_80 : i32 to index
      %get3A_105 = arith.constant 32 : index
      %get3A_106 = tpu.vector_load %arg10[%get3A_104, %get3A_105] {strides = array<i32>} : memref<208x64xf32, #tpu.memory_space<vmem>>, vector<16xf32>,
      %bitcast3A_107 = vector.bitcast %get3A_106 : vector<16xf32> to vector<32xbf16>
      %get3A_108 = arith.index_cast %scan3A_80 : i32 to index
      %get3A_109 = arith.constant 32 : index
      %get3A_110 = tpu.vector_load %arg11[%get3A_108, %get3A_109] {strides = array<i32>} : memref<208x64xf32, #tpu.memory_space<vmem>>, vector<16xf32>,
      %bitcast3A_111 = vector.bitcast %get3A_110 : vector<16xf32> to vector<32xbf16>
      %add3A_112 = arith.addf %bitcast3A_107, %bitcast3A_111 : vector<32xbf16>
      %bitcast3A_113 = vector.bitcast %add3A_112 : vector<32xbf16> to vector<16xf32>
      %swap3A_114 = arith.index_cast %scan3A_80 : i32 to index
      %swap3A_115 = arith.constant 32 : index
      %swap3A_116 = tpu.vector_load %arg9[%swap3A_114, %swap3A_115] {strides = array<i32>} : memref<128x64xf32, #tpu.memory_space<vmem>>, vector<16xf32>,
      tpu.vector_store %arg9[%swap3A_114, %swap3A_115], %bitcast3A_113 {strides = array<i32>} : memref<128x64xf32, #tpu.memory_space<vmem>>, vector<16xf32>,
      %get3A_117 = arith.index_cast %scan3A_80 : i32 to index
      %get3A_118 = arith.constant 48 : index
      %get3A_119 = tpu.vector_load %arg10[%get3A_117, %get3A_118] {strides = array<i32>} : memref<208x64xf32, #tpu.memory_space<vmem>>, vector<16xf32>,
      %bitcast3A_120 = vector.bitcast %get3A_119 : vector<16xf32> to vector<32xbf16>
      %get3A_121 = arith.index_cast %scan3A_80 : i32 to index
      %get3A_122 = arith.constant 48 : index
      %get3A_123 = tpu.vector_load %arg11[%get3A_121, %get3A_122] {strides = array<i32>} : memref<208x64xf32, #tpu.memory_space<vmem>>, vector<16xf32>,
      %bitcast3A_124 = vector.bitcast %get3A_123 : vector<16xf32> to vector<32xbf16>
      %add3A_125 = arith.addf %bitcast3A_120, %bitcast3A_124 : vector<32xbf16>
      %bitcast3A_126 = vector.bitcast %add3A_125 : vector<32xbf16> to vector<16xf32>
      %swap3A_127 = arith.index_cast %scan3A_80 : i32 to index
      %swap3A_128 = arith.constant 48 : index
      %swap3A_129 = tpu.vector_load %arg9[%swap3A_127, %swap3A_128] {strides = array<i32>} : memref<128x64xf32, #tpu.memory_space<vmem>>, vector<16xf32>,
      tpu.vector_store %arg9[%swap3A_127, %swap3A_128], %bitcast3A_126 {strides = array<i32>} : memref<128x64xf32, #tpu.memory_space<vmem>>, vector<16xf32>,
    }
    %scan3A_29 = arith.constant 128 : i32
    "tpu.region"() ({
      %run_scoped3A = tpu.sem_alloc : memref<!tpu.dma_semaphore, #tpu.memory_space<semaphore_mem>>
      %dma_start3A_80 = arith.constant 0 : i32
      %dma_start3A_81 = arith.constant 0 : i32
      %dma_start3A_82 = tpu.memref_slice %arg4[%mul3A_2, %dma_start3A_80, %dma_start3A_81] : memref<4096x2x104xi32, #tpu.memory_space<hbm>> -> memref<128x2x104xi32, #tpu.memory_space<hbm>>
      %dma_start3A_83 = arith.constant 0 : i32
      %dma_start3A_84 = arith.constant 0 : i32
      %dma_start3A_85 = tpu.memref_slice %arg4[%mul3A_2, %dma_start3A_83, %dma_start3A_84] : memref<4096x2x104xi32, #tpu.memory_space<hbm>> -> memref<128x2x104xi32, #tpu.memory_space<hbm>>
      tpu.enqueue_dma source(%dma_start3A_85 : memref<128x2x104xi32, #tpu.memory_space<hbm>>) target(%arg8 : memref<128x2x104xi32, #tpu.memory_space<vmem>>) target_semaphore(%run_scoped3A : memref<!tpu.dma_semaphore, #tpu.memory_space<semaphore_mem>>)
      %dma_wait3A_86 = arith.constant 0 : i32
      %dma_wait3A_87 = arith.constant 0 : i32
      %dma_wait3A_88 = tpu.memref_slice %arg4[%mul3A_2, %dma_wait3A_86, %dma_wait3A_87] : memref<4096x2x104xi32, #tpu.memory_space<hbm>> -> memref<128x2x104xi32, #tpu.memory_space<hbm>>
      %dma_wait3A_89 = arith.constant 0 : i32
      %dma_wait3A_90 = arith.constant 0 : i32
      %dma_wait3A_91 = tpu.memref_slice %arg4[%mul3A_2, %dma_wait3A_89, %dma_wait3A_90] : memref<4096x2x104xi32, #tpu.memory_space<hbm>> -> memref<128x2x104xi32, #tpu.memory_space<hbm>>
      tpu.wait_dma2 semaphore(%run_scoped3A : memref<!tpu.dma_semaphore, #tpu.memory_space<semaphore_mem>>) src(%dma_wait3A_91 : memref<128x2x104xi32, #tpu.memory_space<hbm>>) dst(%arg8 : memref<128x2x104xi32, #tpu.memory_space<vmem>>)
      tpu.yield
    }) : () -> ()
    %iota3A = tpu.iota {dimensions = array<i32: 0>} : vector<16xi32>
    %mul3A_30 = arith.constant 16 : i32
    %mul3A_31 = vector.broadcast %mul3A_30 : i32 to vector<16xi32>
    %mul3A_32 = arith.muli %iota3A, %mul3A_31 : vector<16xi32>
    %dma_start3A_33 = arith.constant 0 : i32
    %dma_start3A_34 = arith.constant 0 : i32
    %dma_start3A_35 = arith.constant 0 : i32
    %dma_start3A_36 = arith.constant 0 : i32
    %dma_start3A_37 = tpu.memref_slice %arg10[%dma_start3A_35, %dma_start3A_36] : memref<208x64xf32, #tpu.memory_space<vmem>> -> memref<104x64xf32, #tpu.memory_space<vmem>>
    %dma_start3A_38 = arith.constant 0 : i32
    %dma_start3A_39 = tpu.memref_slice %arg8[%dma_start3A_33, %dma_start3A_34, %dma_start3A_38] : memref<128x2x104xi32, #tpu.memory_space<vmem>> -> memref<1x1x104xi32, #tpu.memory_space<vmem>>
    %dma_start3A_40 = tpu.memref_squeeze %dma_start3A_39 : memref<1x1x104xi32, #tpu.memory_space<vmem>> -> memref<104xi32, #tpu.memory_space<vmem>>
    %dma_start3A_41 = arith.constant 0 : i32
    %dma_start3A_42 = arith.constant 0 : i32
    %dma_start3A_43 = tpu.memref_slice %arg5[%dma_start3A_41, %dma_start3A_42] : memref<100000x64xf32, #tpu.memory_space<hbm>> -> memref<100000x64xf32, #tpu.memory_space<hbm>>
    tpu.enqueue_indirect_dma source(%dma_start3A_43 : memref<100000x64xf32, #tpu.memory_space<hbm>>) target(%dma_start3A_37 : memref<104x64xf32, #tpu.memory_space<vmem>>) offsets(%dma_start3A_40 : memref<104xi32, #tpu.memory_space<vmem>>) semaphore(%arg17 : memref<!tpu.dma_semaphore, #tpu.memory_space<semaphore_mem>>)
    %dma_start3A_44 = arith.constant 0 : i32
    %dma_start3A_45 = arith.constant 1 : i32
    %dma_start3A_46 = arith.constant 104 : i32
    %dma_start3A_47 = arith.constant 0 : i32
    %dma_start3A_48 = tpu.memref_slice %arg10[%dma_start3A_46, %dma_start3A_47] : memref<208x64xf32, #tpu.memory_space<vmem>> -> memref<104x64xf32, #tpu.memory_space<vmem>>
    %dma_start3A_49 = arith.constant 0 : i32
    %dma_start3A_50 = tpu.memref_slice %arg8[%dma_start3A_44, %dma_start3A_45, %dma_start3A_49] : memref<128x2x104xi32, #tpu.memory_space<vmem>> -> memref<1x1x104xi32, #tpu.memory_space<vmem>>
    %dma_start3A_51 = tpu.memref_squeeze %dma_start3A_50 : memref<1x1x104xi32, #tpu.memory_space<vmem>> -> memref<104xi32, #tpu.memory_space<vmem>>
    %dma_start3A_52 = arith.constant 0 : i32
    %dma_start3A_53 = arith.constant 0 : i32
    %dma_start3A_54 = tpu.memref_slice %arg5[%dma_start3A_52, %dma_start3A_53] : memref<100000x64xf32, #tpu.memory_space<hbm>> -> memref<100000x64xf32, #tpu.memory_space<hbm>>
    tpu.enqueue_indirect_dma source(%dma_start3A_54 : memref<100000x64xf32, #tpu.memory_space<hbm>>) target(%dma_start3A_48 : memref<104x64xf32, #tpu.memory_space<vmem>>) offsets(%dma_start3A_51 : memref<104xi32, #tpu.memory_space<vmem>>) semaphore(%arg17 : memref<!tpu.dma_semaphore, #tpu.memory_space<semaphore_mem>>)
    %scan3A_55 = arith.constant 0 : i32
    %scan3A_56 = arith.constant 0 : i32
    %scan3A_57 = arith.constant 64 : i32
    %scan3A_58 = arith.addi %scan3A_56, %scan3A_57 : i32
    %scan3A_59 = arith.constant 1 : i32
    scf.for %scan3A_80 = %scan3A_56 to %scan3A_58 step %scan3A_59  : i32 {
      %mul3A_81 = arith.constant 2 : i32
      %mul3A_82 = arith.muli %mul3A_81, %scan3A_80 : i32
      %add3A_83 = arith.constant 1 : i32
      %add3A_84 = arith.addi %mul3A_82, %add3A_83 : i32
      %dma_start3A_85 = arith.constant 0 : i32
      %dma_start3A_86 = arith.constant 0 : i32
      %dma_start3A_87 = arith.constant 0 : i32
      %dma_start3A_88 = tpu.memref_slice %arg11[%dma_start3A_86, %dma_start3A_87] : memref<208x64xf32, #tpu.memory_space<vmem>> -> memref<104x64xf32, #tpu.memory_space<vmem>>
      %dma_start3A_89 = arith.constant 0 : i32
      %dma_start3A_90 = tpu.memref_slice %arg8[%add3A_84, %dma_start3A_85, %dma_start3A_89] : memref<128x2x104xi32, #tpu.memory_space<vmem>> -> memref<1x1x104xi32, #tpu.memory_space<vmem>>
      %dma_start3A_91 = tpu.memref_squeeze %dma_start3A_90 : memref<1x1x104xi32, #tpu.memory_space<vmem>> -> memref<104xi32, #tpu.memory_space<vmem>>
      %dma_start3A_92 = arith.constant 0 : i32
      %dma_start3A_93 = arith.constant 0 : i32
      %dma_start3A_94 = tpu.memref_slice %arg5[%dma_start3A_92, %dma_start3A_93] : memref<100000x64xf32, #tpu.memory_space<hbm>> -> memref<100000x64xf32, #tpu.memory_space<hbm>>
      tpu.enqueue_indirect_dma source(%dma_start3A_94 : memref<100000x64xf32, #tpu.memory_space<hbm>>) target(%dma_start3A_88 : memref<104x64xf32, #tpu.memory_space<vmem>>) offsets(%dma_start3A_91 : memref<104xi32, #tpu.memory_space<vmem>>) semaphore(%arg18 : memref<!tpu.dma_semaphore, #tpu.memory_space<semaphore_mem>>)
      %dma_start3A_95 = arith.constant 1 : i32
      %dma_start3A_96 = arith.constant 104 : i32
      %dma_start3A_97 = arith.constant 0 : i32
      %dma_start3A_98 = tpu.memref_slice %arg11[%dma_start3A_96, %dma_start3A_97] : memref<208x64xf32, #tpu.memory_space<vmem>> -> memref<104x64xf32, #tpu.memory_space<vmem>>
      %dma_start3A_99 = arith.constant 0 : i32
      %dma_start3A_100 = tpu.memref_slice %arg8[%add3A_84, %dma_start3A_95, %dma_start3A_99] : memref<128x2x104xi32, #tpu.memory_space<vmem>> -> memref<1x1x104xi32, #tpu.memory_space<vmem>>
      %dma_start3A_101 = tpu.memref_squeeze %dma_start3A_100 : memref<1x1x104xi32, #tpu.memory_space<vmem>> -> memref<104xi32, #tpu.memory_space<vmem>>
      %dma_start3A_102 = arith.constant 0 : i32
      %dma_start3A_103 = arith.constant 0 : i32
      %dma_start3A_104 = tpu.memref_slice %arg5[%dma_start3A_102, %dma_start3A_103] : memref<100000x64xf32, #tpu.memory_space<hbm>> -> memref<100000x64xf32, #tpu.memory_space<hbm>>
      tpu.enqueue_indirect_dma source(%dma_start3A_104 : memref<100000x64xf32, #tpu.memory_space<hbm>>) target(%dma_start3A_98 : memref<104x64xf32, #tpu.memory_space<vmem>>) offsets(%dma_start3A_101 : memref<104xi32, #tpu.memory_space<vmem>>) semaphore(%arg18 : memref<!tpu.dma_semaphore, #tpu.memory_space<semaphore_mem>>)
      %dma_wait3A_105 = arith.constant 0 : i32
      %dma_wait3A_106 = arith.constant 0 : i32
      %dma_wait3A_107 = arith.constant 0 : i32
      %dma_wait3A_108 = tpu.memref_slice %arg10[%dma_wait3A_106, %dma_wait3A_107] : memref<208x64xf32, #tpu.memory_space<vmem>> -> memref<104x64xf32, #tpu.memory_space<vmem>>
      %dma_wait3A_109 = arith.constant 0 : i32
      %dma_wait3A_110 = tpu.memref_slice %arg8[%mul3A_82, %dma_wait3A_105, %dma_wait3A_109] : memref<128x2x104xi32, #tpu.memory_space<vmem>> -> memref<1x1x104xi32, #tpu.memory_space<vmem>>
      %dma_wait3A_111 = tpu.memref_squeeze %dma_wait3A_110 : memref<1x1x104xi32, #tpu.memory_space<vmem>> -> memref<104xi32, #tpu.memory_space<vmem>>
      %dma_wait3A_112 = arith.constant 0 : i32
      %dma_wait3A_113 = arith.constant 0 : i32
      %dma_wait3A_114 = tpu.memref_slice %arg5[%dma_wait3A_112, %dma_wait3A_113] : memref<100000x64xf32, #tpu.memory_space<hbm>> -> memref<100000x64xf32, #tpu.memory_space<hbm>>
      tpu.wait_indirect_dma semaphore(%arg17 : memref<!tpu.dma_semaphore, #tpu.memory_space<semaphore_mem>>) src(%dma_wait3A_114 : memref<100000x64xf32, #tpu.memory_space<hbm>>) dst(%dma_wait3A_108 : memref<104x64xf32, #tpu.memory_space<vmem>>)
      %dma_wait3A_115 = arith.constant 1 : i32
      %dma_wait3A_116 = arith.constant 104 : i32
      %dma_wait3A_117 = arith.constant 0 : i32
      %dma_wait3A_118 = tpu.memref_slice %arg10[%dma_wait3A_116, %dma_wait3A_117] : memref<208x64xf32, #tpu.memory_space<vmem>> -> memref<104x64xf32, #tpu.memory_space<vmem>>
      %dma_wait3A_119 = arith.constant 0 : i32
      %dma_wait3A_120 = tpu.memref_slice %arg8[%mul3A_82, %dma_wait3A_115, %dma_wait3A_119] : memref<128x2x104xi32, #tpu.memory_space<vmem>> -> memref<1x1x104xi32, #tpu.memory_space<vmem>>
      %dma_wait3A_121 = tpu.memref_squeeze %dma_wait3A_120 : memref<1x1x104xi32, #tpu.memory_space<vmem>> -> memref<104xi32, #tpu.memory_space<vmem>>
      %dma_wait3A_122 = arith.constant 0 : i32
      %dma_wait3A_123 = arith.constant 0 : i32
      %dma_wait3A_124 = tpu.memref_slice %arg5[%dma_wait3A_122, %dma_wait3A_123] : memref<100000x64xf32, #tpu.memory_space<hbm>> -> memref<100000x64xf32, #tpu.memory_space<hbm>>
      tpu.wait_indirect_dma semaphore(%arg17 : memref<!tpu.dma_semaphore, #tpu.memory_space<semaphore_mem>>) src(%dma_wait3A_124 : memref<100000x64xf32, #tpu.memory_space<hbm>>) dst(%dma_wait3A_118 : memref<104x64xf32, #tpu.memory_space<vmem>>)
      %gt3A = arith.constant 0 : i32
      %gt3A_125 = arith.cmpi sgt, %scan3A_80, %gt3A : i32
      %convert_element_type3A = arith.extui %gt3A_125 : i1 to i32
      %cond3A = arith.constant 0 : i32
      %cond3A_126 = arith.cmpi ne, %convert_element_type3A, %cond3A : i32
      scf.if %cond3A_126 {
        %add3A_215 = arith.addi %mul3A_2, %mul3A_82 : i32
        %sub3A_216 = arith.constant 2 : i32
        %sub3A_217 = arith.subi %add3A_215, %sub3A_216 : i32
        %dma_wait3A_218 = arith.constant 0 : i32
        %dma_wait3A_219 = tpu.memref_slice %arg7[%sub3A_217, %dma_wait3A_218] : memref<4096x208xf32, #tpu.memory_space<hbm>> -> memref<1x208xf32, #tpu.memory_space<hbm>>
        %dma_wait3A_220 = tpu.memref_squeeze %dma_wait3A_219 : memref<1x208xf32, #tpu.memory_space<hbm>> -> memref<208xf32, #tpu.memory_space<hbm>>
        %dma_wait3A_221 = arith.constant 0 : i32
        %dma_wait3A_222 = tpu.memref_slice %arg7[%sub3A_217, %dma_wait3A_221] : memref<4096x208xf32, #tpu.memory_space<hbm>> -> memref<1x208xf32, #tpu.memory_space<hbm>>
        %dma_wait3A_223 = tpu.memref_squeeze %dma_wait3A_222 : memref<1x208xf32, #tpu.memory_space<hbm>> -> memref<208xf32, #tpu.memory_space<hbm>>
        tpu.wait_dma2 semaphore(%arg19 : memref<!tpu.dma_semaphore, #tpu.memory_space<semaphore_mem>>) src(%arg12 : memref<208xf32, #tpu.memory_space<vmem>>) dst(%dma_wait3A_223 : memref<208xf32, #tpu.memory_space<hbm>>)
        %add3A_224 = arith.addi %mul3A_2, %mul3A_82 : i32
        %sub3A_225 = arith.constant 1 : i32
        %sub3A_226 = arith.subi %add3A_224, %sub3A_225 : i32
        %dma_wait3A_227 = arith.constant 0 : i32
        %dma_wait3A_228 = tpu.memref_slice %arg7[%sub3A_226, %dma_wait3A_227] : memref<4096x208xf32, #tpu.memory_space<hbm>> -> memref<1x208xf32, #tpu.memory_space<hbm>>
        %dma_wait3A_229 = tpu.memref_squeeze %dma_wait3A_228 : memref<1x208xf32, #tpu.memory_space<hbm>> -> memref<208xf32, #tpu.memory_space<hbm>>
        %dma_wait3A_230 = arith.constant 0 : i32
        %dma_wait3A_231 = tpu.memref_slice %arg7[%sub3A_226, %dma_wait3A_230] : memref<4096x208xf32, #tpu.memory_space<hbm>> -> memref<1x208xf32, #tpu.memory_space<hbm>>
        %dma_wait3A_232 = tpu.memref_squeeze %dma_wait3A_231 : memref<1x208xf32, #tpu.memory_space<hbm>> -> memref<208xf32, #tpu.memory_space<hbm>>
        tpu.wait_dma2 semaphore(%arg19 : memref<!tpu.dma_semaphore, #tpu.memory_space<semaphore_mem>>) src(%arg13 : memref<208xf32, #tpu.memory_space<vmem>>) dst(%dma_wait3A_232 : memref<208xf32, #tpu.memory_space<hbm>>)
      } else {
      }
      %get3A = arith.index_cast %mul3A_82 : i32 to index
      %get3A_127 = arith.constant 0 : index
      %get3A_128 = tpu.vector_load %arg9[%get3A, %get3A_127] {strides = array<i32>} : memref<128x64xf32, #tpu.memory_space<vmem>>, vector<16xf32>,
      %bitcast3A = vector.bitcast %get3A_128 : vector<16xf32> to vector<32xbf16>
      %get3A_129 = arith.index_cast %mul3A_82 : i32 to index
      %get3A_130 = arith.constant 16 : index
      %get3A_131 = tpu.vector_load %arg9[%get3A_129, %get3A_130] {strides = array<i32>} : memref<128x64xf32, #tpu.memory_space<vmem>>, vector<16xf32>,
      %bitcast3A_132 = vector.bitcast %get3A_131 : vector<16xf32> to vector<32xbf16>
      %get3A_133 = arith.index_cast %mul3A_82 : i32 to index
      %get3A_134 = arith.constant 32 : index
      %get3A_135 = tpu.vector_load %arg9[%get3A_133, %get3A_134] {strides = array<i32>} : memref<128x64xf32, #tpu.memory_space<vmem>>, vector<16xf32>,
      %bitcast3A_136 = vector.bitcast %get3A_135 : vector<16xf32> to vector<32xbf16>
      %get3A_137 = arith.index_cast %mul3A_82 : i32 to index
      %get3A_138 = arith.constant 48 : index
      %get3A_139 = tpu.vector_load %arg9[%get3A_137, %get3A_138] {strides = array<i32>} : memref<128x64xf32, #tpu.memory_space<vmem>>, vector<16xf32>,
      %bitcast3A_140 = vector.bitcast %get3A_139 : vector<16xf32> to vector<32xbf16>
      %scan3A_141 = arith.constant 0 : i32
      %scan3A_142 = arith.constant 0 : i32
      %scan3A_143 = arith.constant 13 : i32
      %scan3A_144 = arith.addi %scan3A_142, %scan3A_143 : i32
      %scan3A_145 = arith.constant 1 : i32
      scf.for %scan3A_215 = %scan3A_142 to %scan3A_144 step %scan3A_145  : i32 {
        %mul3A_216 = arith.constant 16 : i32
        %mul3A_217 = arith.muli %scan3A_215, %mul3A_216 : i32
        %add3A_218 = arith.constant 0 : i32
        %add3A_219 = arith.addi %mul3A_217, %add3A_218 : i32
        %get3A_220 = arith.index_cast %add3A_219 : i32 to index
        %get3A_221 = arith.constant 0 : index
        %get3A_222 = tpu.vector_load %arg10[%get3A_220, %get3A_221] {strides = array<i32>} : memref<208x64xf32, #tpu.memory_space<vmem>>, vector<16xf32>,
        %bitcast3A_223 = vector.bitcast %get3A_222 : vector<16xf32> to vector<32xbf16>
        %sub3A_224 = arith.subf %bitcast3A_223, %bitcast3A : vector<32xbf16>
        %abs3A = math.absf %sub3A_224 : vector<32xbf16>
        %get3A_225 = arith.index_cast %add3A_219 : i32 to index
        %get3A_226 = arith.constant 16 : index
        %get3A_227 = tpu.vector_load %arg10[%get3A_225, %get3A_226] {strides = array<i32>} : memref<208x64xf32, #tpu.memory_space<vmem>>, vector<16xf32>,
        %bitcast3A_228 = vector.bitcast %get3A_227 : vector<16xf32> to vector<32xbf16>
        %sub3A_229 = arith.subf %bitcast3A_228, %bitcast3A_132 : vector<32xbf16>
        %abs3A_230 = math.absf %sub3A_229 : vector<32xbf16>
        %add3A_231 = arith.addf %abs3A, %abs3A_230 : vector<32xbf16>
        %get3A_232 = arith.index_cast %add3A_219 : i32 to index
        %get3A_233 = arith.constant 32 : index
        %get3A_234 = tpu.vector_load %arg10[%get3A_232, %get3A_233] {strides = array<i32>} : memref<208x64xf32, #tpu.memory_space<vmem>>, vector<16xf32>,
        %bitcast3A_235 = vector.bitcast %get3A_234 : vector<16xf32> to vector<32xbf16>
        %sub3A_236 = arith.subf %bitcast3A_235, %bitcast3A_136 : vector<32xbf16>
        %abs3A_237 = math.absf %sub3A_236 : vector<32xbf16>
        %add3A_238 = arith.addf %add3A_231, %abs3A_237 : vector<32xbf16>
        %get3A_239 = arith.index_cast %add3A_219 : i32 to index
        %get3A_240 = arith.constant 48 : index
        %get3A_241 = tpu.vector_load %arg10[%get3A_239, %get3A_240] {strides = array<i32>} : memref<208x64xf32, #tpu.memory_space<vmem>>, vector<16xf32>,
        %bitcast3A_242 = vector.bitcast %get3A_241 : vector<16xf32> to vector<32xbf16>
        %sub3A_243 = arith.subf %bitcast3A_242, %bitcast3A_140 : vector<32xbf16>
        %abs3A_244 = math.absf %sub3A_243 : vector<32xbf16>
        %add3A_245 = arith.addf %add3A_238, %abs3A_244 : vector<32xbf16>
        %unpack3A = tpu.unpack_subelements %add3A_245, 0 {pack_format = #tpu.pack_format<interleaved>} : vector<32xbf16> -> vector<16xf32>
        %unpack3A_246 = tpu.unpack_subelements %add3A_245, 1 {pack_format = #tpu.pack_format<interleaved>} : vector<32xbf16> -> vector<16xf32>
        %add3A_247 = arith.addf %unpack3A, %unpack3A_246 : vector<16xf32>
        %swap3A = arith.constant 0 : index
        %swap3A_248 = tpu.vector_load %arg14[%swap3A] {strides = array<i32>} : memref<256xf32, #tpu.memory_space<vmem>>, vector<16xf32>,
        tpu.vector_store %arg14[%swap3A], %add3A_247 {strides = array<i32>} : memref<256xf32, #tpu.memory_space<vmem>>, vector<16xf32>,
        %mul3A_249 = arith.constant 16 : i32
        %mul3A_250 = arith.muli %scan3A_215, %mul3A_249 : i32
        %add3A_251 = arith.constant 1 : i32
        %add3A_252 = arith.addi %mul3A_250, %add3A_251 : i32
        %get3A_253 = arith.index_cast %add3A_252 : i32 to index
        %get3A_254 = arith.constant 0 : index
        %get3A_255 = tpu.vector_load %arg10[%get3A_253, %get3A_254] {strides = array<i32>} : memref<208x64xf32, #tpu.memory_space<vmem>>, vector<16xf32>,
        %bitcast3A_256 = vector.bitcast %get3A_255 : vector<16xf32> to vector<32xbf16>
        %sub3A_257 = arith.subf %bitcast3A_256, %bitcast3A : vector<32xbf16>
        %abs3A_258 = math.absf %sub3A_257 : vector<32xbf16>
        %get3A_259 = arith.index_cast %add3A_252 : i32 to index
        %get3A_260 = arith.constant 16 : index
        %get3A_261 = tpu.vector_load %arg10[%get3A_259, %get3A_260] {strides = array<i32>} : memref<208x64xf32, #tpu.memory_space<vmem>>, vector<16xf32>,
        %bitcast3A_262 = vector.bitcast %get3A_261 : vector<16xf32> to vector<32xbf16>
        %sub3A_263 = arith.subf %bitcast3A_262, %bitcast3A_132 : vector<32xbf16>
        %abs3A_264 = math.absf %sub3A_263 : vector<32xbf16>
        %add3A_265 = arith.addf %abs3A_258, %abs3A_264 : vector<32xbf16>
        %get3A_266 = arith.index_cast %add3A_252 : i32 to index
        %get3A_267 = arith.constant 32 : index
        %get3A_268 = tpu.vector_load %arg10[%get3A_266, %get3A_267] {strides = array<i32>} : memref<208x64xf32, #tpu.memory_space<vmem>>, vector<16xf32>,
        %bitcast3A_269 = vector.bitcast %get3A_268 : vector<16xf32> to vector<32xbf16>
        %sub3A_270 = arith.subf %bitcast3A_269, %bitcast3A_136 : vector<32xbf16>
        %abs3A_271 = math.absf %sub3A_270 : vector<32xbf16>
        %add3A_272 = arith.addf %add3A_265, %abs3A_271 : vector<32xbf16>
        %get3A_273 = arith.index_cast %add3A_252 : i32 to index
        %get3A_274 = arith.constant 48 : index
        %get3A_275 = tpu.vector_load %arg10[%get3A_273, %get3A_274] {strides = array<i32>} : memref<208x64xf32, #tpu.memory_space<vmem>>, vector<16xf32>,
        %bitcast3A_276 = vector.bitcast %get3A_275 : vector<16xf32> to vector<32xbf16>
        %sub3A_277 = arith.subf %bitcast3A_276, %bitcast3A_140 : vector<32xbf16>
        %abs3A_278 = math.absf %sub3A_277 : vector<32xbf16>
        %add3A_279 = arith.addf %add3A_272, %abs3A_278 : vector<32xbf16>
        %unpack3A_280 = tpu.unpack_subelements %add3A_279, 0 {pack_format = #tpu.pack_format<interleaved>} : vector<32xbf16> -> vector<16xf32>
        %unpack3A_281 = tpu.unpack_subelements %add3A_279, 1 {pack_format = #tpu.pack_format<interleaved>} : vector<32xbf16> -> vector<16xf32>
        %add3A_282 = arith.addf %unpack3A_280, %unpack3A_281 : vector<16xf32>
        %swap3A_283 = arith.constant 16 : index
        %swap3A_284 = tpu.vector_load %arg14[%swap3A_283] {strides = array<i32>} : memref<256xf32, #tpu.memory_space<vmem>>, vector<16xf32>,
        tpu.vector_store %arg14[%swap3A_283], %add3A_282 {strides = array<i32>} : memref<256xf32, #tpu.memory_space<vmem>>, vector<16xf32>,
        %mul3A_285 = arith.constant 16 : i32
        %mul3A_286 = arith.muli %scan3A_215, %mul3A_285 : i32
        %add3A_287 = arith.constant 2 : i32
        %add3A_288 = arith.addi %mul3A_286, %add3A_287 : i32
        %get3A_289 = arith.index_cast %add3A_288 : i32 to index
        %get3A_290 = arith.constant 0 : index
        %get3A_291 = tpu.vector_load %arg10[%get3A_289, %get3A_290] {strides = array<i32>} : memref<208x64xf32, #tpu.memory_space<vmem>>, vector<16xf32>,
        %bitcast3A_292 = vector.bitcast %get3A_291 : vector<16xf32> to vector<32xbf16>
        %sub3A_293 = arith.subf %bitcast3A_292, %bitcast3A : vector<32xbf16>
        %abs3A_294 = math.absf %sub3A_293 : vector<32xbf16>
        %get3A_295 = arith.index_cast %add3A_288 : i32 to index
        %get3A_296 = arith.constant 16 : index
        %get3A_297 = tpu.vector_load %arg10[%get3A_295, %get3A_296] {strides = array<i32>} : memref<208x64xf32, #tpu.memory_space<vmem>>, vector<16xf32>,
        %bitcast3A_298 = vector.bitcast %get3A_297 : vector<16xf32> to vector<32xbf16>
        %sub3A_299 = arith.subf %bitcast3A_298, %bitcast3A_132 : vector<32xbf16>
        %abs3A_300 = math.absf %sub3A_299 : vector<32xbf16>
        %add3A_301 = arith.addf %abs3A_294, %abs3A_300 : vector<32xbf16>
        %get3A_302 = arith.index_cast %add3A_288 : i32 to index
        %get3A_303 = arith.constant 32 : index
        %get3A_304 = tpu.vector_load %arg10[%get3A_302, %get3A_303] {strides = array<i32>} : memref<208x64xf32, #tpu.memory_space<vmem>>, vector<16xf32>,
        %bitcast3A_305 = vector.bitcast %get3A_304 : vector<16xf32> to vector<32xbf16>
        %sub3A_306 = arith.subf %bitcast3A_305, %bitcast3A_136 : vector<32xbf16>
        %abs3A_307 = math.absf %sub3A_306 : vector<32xbf16>
        %add3A_308 = arith.addf %add3A_301, %abs3A_307 : vector<32xbf16>
        %get3A_309 = arith.index_cast %add3A_288 : i32 to index
        %get3A_310 = arith.constant 48 : index
        %get3A_311 = tpu.vector_load %arg10[%get3A_309, %get3A_310] {strides = array<i32>} : memref<208x64xf32, #tpu.memory_space<vmem>>, vector<16xf32>,
        %bitcast3A_312 = vector.bitcast %get3A_311 : vector<16xf32> to vector<32xbf16>
        %sub3A_313 = arith.subf %bitcast3A_312, %bitcast3A_140 : vector<32xbf16>
        %abs3A_314 = math.absf %sub3A_313 : vector<32xbf16>
        %add3A_315 = arith.addf %add3A_308, %abs3A_314 : vector<32xbf16>
        %unpack3A_316 = tpu.unpack_subelements %add3A_315, 0 {pack_format = #tpu.pack_format<interleaved>} : vector<32xbf16> -> vector<16xf32>
        %unpack3A_317 = tpu.unpack_subelements %add3A_315, 1 {pack_format = #tpu.pack_format<interleaved>} : vector<32xbf16> -> vector<16xf32>
        %add3A_318 = arith.addf %unpack3A_316, %unpack3A_317 : vector<16xf32>
        %swap3A_319 = arith.constant 32 : index
        %swap3A_320 = tpu.vector_load %arg14[%swap3A_319] {strides = array<i32>} : memref<256xf32, #tpu.memory_space<vmem>>, vector<16xf32>,
        tpu.vector_store %arg14[%swap3A_319], %add3A_318 {strides = array<i32>} : memref<256xf32, #tpu.memory_space<vmem>>, vector<16xf32>,
        %mul3A_321 = arith.constant 16 : i32
        %mul3A_322 = arith.muli %scan3A_215, %mul3A_321 : i32
        %add3A_323 = arith.constant 3 : i32
        %add3A_324 = arith.addi %mul3A_322, %add3A_323 : i32
        %get3A_325 = arith.index_cast %add3A_324 : i32 to index
        %get3A_326 = arith.constant 0 : index
        %get3A_327 = tpu.vector_load %arg10[%get3A_325, %get3A_326] {strides = array<i32>} : memref<208x64xf32, #tpu.memory_space<vmem>>, vector<16xf32>,
        %bitcast3A_328 = vector.bitcast %get3A_327 : vector<16xf32> to vector<32xbf16>
        %sub3A_329 = arith.subf %bitcast3A_328, %bitcast3A : vector<32xbf16>
        %abs3A_330 = math.absf %sub3A_329 : vector<32xbf16>
        %get3A_331 = arith.index_cast %add3A_324 : i32 to index
        %get3A_332 = arith.constant 16 : index
        %get3A_333 = tpu.vector_load %arg10[%get3A_331, %get3A_332] {strides = array<i32>} : memref<208x64xf32, #tpu.memory_space<vmem>>, vector<16xf32>,
        %bitcast3A_334 = vector.bitcast %get3A_333 : vector<16xf32> to vector<32xbf16>
        %sub3A_335 = arith.subf %bitcast3A_334, %bitcast3A_132 : vector<32xbf16>
        %abs3A_336 = math.absf %sub3A_335 : vector<32xbf16>
        %add3A_337 = arith.addf %abs3A_330, %abs3A_336 : vector<32xbf16>
        %get3A_338 = arith.index_cast %add3A_324 : i32 to index
        %get3A_339 = arith.constant 32 : index
        %get3A_340 = tpu.vector_load %arg10[%get3A_338, %get3A_339] {strides = array<i32>} : memref<208x64xf32, #tpu.memory_space<vmem>>, vector<16xf32>,
        %bitcast3A_341 = vector.bitcast %get3A_340 : vector<16xf32> to vector<32xbf16>
        %sub3A_342 = arith.subf %bitcast3A_341, %bitcast3A_136 : vector<32xbf16>
        %abs3A_343 = math.absf %sub3A_342 : vector<32xbf16>
        %add3A_344 = arith.addf %add3A_337, %abs3A_343 : vector<32xbf16>
        %get3A_345 = arith.index_cast %add3A_324 : i32 to index
        %get3A_346 = arith.constant 48 : index
        %get3A_347 = tpu.vector_load %arg10[%get3A_345, %get3A_346] {strides = array<i32>} : memref<208x64xf32, #tpu.memory_space<vmem>>, vector<16xf32>,
        %bitcast3A_348 = vector.bitcast %get3A_347 : vector<16xf32> to vector<32xbf16>
        %sub3A_349 = arith.subf %bitcast3A_348, %bitcast3A_140 : vector<32xbf16>
        %abs3A_350 = math.absf %sub3A_349 : vector<32xbf16>
        %add3A_351 = arith.addf %add3A_344, %abs3A_350 : vector<32xbf16>
        %unpack3A_352 = tpu.unpack_subelements %add3A_351, 0 {pack_format = #tpu.pack_format<interleaved>} : vector<32xbf16> -> vector<16xf32>
        %unpack3A_353 = tpu.unpack_subelements %add3A_351, 1 {pack_format = #tpu.pack_format<interleaved>} : vector<32xbf16> -> vector<16xf32>
        %add3A_354 = arith.addf %unpack3A_352, %unpack3A_353 : vector<16xf32>
        %swap3A_355 = arith.constant 48 : index
        %swap3A_356 = tpu.vector_load %arg14[%swap3A_355] {strides = array<i32>} : memref<256xf32, #tpu.memory_space<vmem>>, vector<16xf32>,
        tpu.vector_store %arg14[%swap3A_355], %add3A_354 {strides = array<i32>} : memref<256xf32, #tpu.memory_space<vmem>>, vector<16xf32>,
        %mul3A_357 = arith.constant 16 : i32
        %mul3A_358 = arith.muli %scan3A_215, %mul3A_357 : i32
        %add3A_359 = arith.constant 4 : i32
        %add3A_360 = arith.addi %mul3A_358, %add3A_359 : i32
        %get3A_361 = arith.index_cast %add3A_360 : i32 to index
        %get3A_362 = arith.constant 0 : index
        %get3A_363 = tpu.vector_load %arg10[%get3A_361, %get3A_362] {strides = array<i32>} : memref<208x64xf32, #tpu.memory_space<vmem>>, vector<16xf32>,
        %bitcast3A_364 = vector.bitcast %get3A_363 : vector<16xf32> to vector<32xbf16>
        %sub3A_365 = arith.subf %bitcast3A_364, %bitcast3A : vector<32xbf16>
        %abs3A_366 = math.absf %sub3A_365 : vector<32xbf16>
        %get3A_367 = arith.index_cast %add3A_360 : i32 to index
        %get3A_368 = arith.constant 16 : index
        %get3A_369 = tpu.vector_load %arg10[%get3A_367, %get3A_368] {strides = array<i32>} : memref<208x64xf32, #tpu.memory_space<vmem>>, vector<16xf32>,
        %bitcast3A_370 = vector.bitcast %get3A_369 : vector<16xf32> to vector<32xbf16>
        %sub3A_371 = arith.subf %bitcast3A_370, %bitcast3A_132 : vector<32xbf16>
        %abs3A_372 = math.absf %sub3A_371 : vector<32xbf16>
        %add3A_373 = arith.addf %abs3A_366, %abs3A_372 : vector<32xbf16>
        %get3A_374 = arith.index_cast %add3A_360 : i32 to index
        %get3A_375 = arith.constant 32 : index
        %get3A_376 = tpu.vector_load %arg10[%get3A_374, %get3A_375] {strides = array<i32>} : memref<208x64xf32, #tpu.memory_space<vmem>>, vector<16xf32>,
        %bitcast3A_377 = vector.bitcast %get3A_376 : vector<16xf32> to vector<32xbf16>
        %sub3A_378 = arith.subf %bitcast3A_377, %bitcast3A_136 : vector<32xbf16>
        %abs3A_379 = math.absf %sub3A_378 : vector<32xbf16>
        %add3A_380 = arith.addf %add3A_373, %abs3A_379 : vector<32xbf16>
        %get3A_381 = arith.index_cast %add3A_360 : i32 to index
        %get3A_382 = arith.constant 48 : index
        %get3A_383 = tpu.vector_load %arg10[%get3A_381, %get3A_382] {strides = array<i32>} : memref<208x64xf32, #tpu.memory_space<vmem>>, vector<16xf32>,
        %bitcast3A_384 = vector.bitcast %get3A_383 : vector<16xf32> to vector<32xbf16>
        %sub3A_385 = arith.subf %bitcast3A_384, %bitcast3A_140 : vector<32xbf16>
        %abs3A_386 = math.absf %sub3A_385 : vector<32xbf16>
        %add3A_387 = arith.addf %add3A_380, %abs3A_386 : vector<32xbf16>
        %unpack3A_388 = tpu.unpack_subelements %add3A_387, 0 {pack_format = #tpu.pack_format<interleaved>} : vector<32xbf16> -> vector<16xf32>
        %unpack3A_389 = tpu.unpack_subelements %add3A_387, 1 {pack_format = #tpu.pack_format<interleaved>} : vector<32xbf16> -> vector<16xf32>
        %add3A_390 = arith.addf %unpack3A_388, %unpack3A_389 : vector<16xf32>
        %swap3A_391 = arith.constant 64 : index
        %swap3A_392 = tpu.vector_load %arg14[%swap3A_391] {strides = array<i32>} : memref<256xf32, #tpu.memory_space<vmem>>, vector<16xf32>,
        tpu.vector_store %arg14[%swap3A_391], %add3A_390 {strides = array<i32>} : memref<256xf32, #tpu.memory_space<vmem>>, vector<16xf32>,
        %mul3A_393 = arith.constant 16 : i32
        %mul3A_394 = arith.muli %scan3A_215, %mul3A_393 : i32
        %add3A_395 = arith.constant 5 : i32
        %add3A_396 = arith.addi %mul3A_394, %add3A_395 : i32
        %get3A_397 = arith.index_cast %add3A_396 : i32 to index
        %get3A_398 = arith.constant 0 : index
        %get3A_399 = tpu.vector_load %arg10[%get3A_397, %get3A_398] {strides = array<i32>} : memref<208x64xf32, #tpu.memory_space<vmem>>, vector<16xf32>,
        %bitcast3A_400 = vector.bitcast %get3A_399 : vector<16xf32> to vector<32xbf16>
        %sub3A_401 = arith.subf %bitcast3A_400, %bitcast3A : vector<32xbf16>
        %abs3A_402 = math.absf %sub3A_401 : vector<32xbf16>
        %get3A_403 = arith.index_cast %add3A_396 : i32 to index
        %get3A_404 = arith.constant 16 : index
        %get3A_405 = tpu.vector_load %arg10[%get3A_403, %get3A_404] {strides = array<i32>} : memref<208x64xf32, #tpu.memory_space<vmem>>, vector<16xf32>,
        %bitcast3A_406 = vector.bitcast %get3A_405 : vector<16xf32> to vector<32xbf16>
        %sub3A_407 = arith.subf %bitcast3A_406, %bitcast3A_132 : vector<32xbf16>
        %abs3A_408 = math.absf %sub3A_407 : vector<32xbf16>
        %add3A_409 = arith.addf %abs3A_402, %abs3A_408 : vector<32xbf16>
        %get3A_410 = arith.index_cast %add3A_396 : i32 to index
        %get3A_411 = arith.constant 32 : index
        %get3A_412 = tpu.vector_load %arg10[%get3A_410, %get3A_411] {strides = array<i32>} : memref<208x64xf32, #tpu.memory_space<vmem>>, vector<16xf32>,
        %bitcast3A_413 = vector.bitcast %get3A_412 : vector<16xf32> to vector<32xbf16>
        %sub3A_414 = arith.subf %bitcast3A_413, %bitcast3A_136 : vector<32xbf16>
        %abs3A_415 = math.absf %sub3A_414 : vector<32xbf16>
        %add3A_416 = arith.addf %add3A_409, %abs3A_415 : vector<32xbf16>
        %get3A_417 = arith.index_cast %add3A_396 : i32 to index
        %get3A_418 = arith.constant 48 : index
        %get3A_419 = tpu.vector_load %arg10[%get3A_417, %get3A_418] {strides = array<i32>} : memref<208x64xf32, #tpu.memory_space<vmem>>, vector<16xf32>,
        %bitcast3A_420 = vector.bitcast %get3A_419 : vector<16xf32> to vector<32xbf16>
        %sub3A_421 = arith.subf %bitcast3A_420, %bitcast3A_140 : vector<32xbf16>
        %abs3A_422 = math.absf %sub3A_421 : vector<32xbf16>
        %add3A_423 = arith.addf %add3A_416, %abs3A_422 : vector<32xbf16>
        %unpack3A_424 = tpu.unpack_subelements %add3A_423, 0 {pack_format = #tpu.pack_format<interleaved>} : vector<32xbf16> -> vector<16xf32>
        %unpack3A_425 = tpu.unpack_subelements %add3A_423, 1 {pack_format = #tpu.pack_format<interleaved>} : vector<32xbf16> -> vector<16xf32>
        %add3A_426 = arith.addf %unpack3A_424, %unpack3A_425 : vector<16xf32>
        %swap3A_427 = arith.constant 80 : index
        %swap3A_428 = tpu.vector_load %arg14[%swap3A_427] {strides = array<i32>} : memref<256xf32, #tpu.memory_space<vmem>>, vector<16xf32>,
        tpu.vector_store %arg14[%swap3A_427], %add3A_426 {strides = array<i32>} : memref<256xf32, #tpu.memory_space<vmem>>, vector<16xf32>,
        %mul3A_429 = arith.constant 16 : i32
        %mul3A_430 = arith.muli %scan3A_215, %mul3A_429 : i32
        %add3A_431 = arith.constant 6 : i32
        %add3A_432 = arith.addi %mul3A_430, %add3A_431 : i32
        %get3A_433 = arith.index_cast %add3A_432 : i32 to index
        %get3A_434 = arith.constant 0 : index
        %get3A_435 = tpu.vector_load %arg10[%get3A_433, %get3A_434] {strides = array<i32>} : memref<208x64xf32, #tpu.memory_space<vmem>>, vector<16xf32>,
        %bitcast3A_436 = vector.bitcast %get3A_435 : vector<16xf32> to vector<32xbf16>
        %sub3A_437 = arith.subf %bitcast3A_436, %bitcast3A : vector<32xbf16>
        %abs3A_438 = math.absf %sub3A_437 : vector<32xbf16>
        %get3A_439 = arith.index_cast %add3A_432 : i32 to index
        %get3A_440 = arith.constant 16 : index
        %get3A_441 = tpu.vector_load %arg10[%get3A_439, %get3A_440] {strides = array<i32>} : memref<208x64xf32, #tpu.memory_space<vmem>>, vector<16xf32>,
        %bitcast3A_442 = vector.bitcast %get3A_441 : vector<16xf32> to vector<32xbf16>
        %sub3A_443 = arith.subf %bitcast3A_442, %bitcast3A_132 : vector<32xbf16>
        %abs3A_444 = math.absf %sub3A_443 : vector<32xbf16>
        %add3A_445 = arith.addf %abs3A_438, %abs3A_444 : vector<32xbf16>
        %get3A_446 = arith.index_cast %add3A_432 : i32 to index
        %get3A_447 = arith.constant 32 : index
        %get3A_448 = tpu.vector_load %arg10[%get3A_446, %get3A_447] {strides = array<i32>} : memref<208x64xf32, #tpu.memory_space<vmem>>, vector<16xf32>,
        %bitcast3A_449 = vector.bitcast %get3A_448 : vector<16xf32> to vector<32xbf16>
        %sub3A_450 = arith.subf %bitcast3A_449, %bitcast3A_136 : vector<32xbf16>
        %abs3A_451 = math.absf %sub3A_450 : vector<32xbf16>
        %add3A_452 = arith.addf %add3A_445, %abs3A_451 : vector<32xbf16>
        %get3A_453 = arith.index_cast %add3A_432 : i32 to index
        %get3A_454 = arith.constant 48 : index
        %get3A_455 = tpu.vector_load %arg10[%get3A_453, %get3A_454] {strides = array<i32>} : memref<208x64xf32, #tpu.memory_space<vmem>>, vector<16xf32>,
        %bitcast3A_456 = vector.bitcast %get3A_455 : vector<16xf32> to vector<32xbf16>
        %sub3A_457 = arith.subf %bitcast3A_456, %bitcast3A_140 : vector<32xbf16>
        %abs3A_458 = math.absf %sub3A_457 : vector<32xbf16>
        %add3A_459 = arith.addf %add3A_452, %abs3A_458 : vector<32xbf16>
        %unpack3A_460 = tpu.unpack_subelements %add3A_459, 0 {pack_format = #tpu.pack_format<interleaved>} : vector<32xbf16> -> vector<16xf32>
        %unpack3A_461 = tpu.unpack_subelements %add3A_459, 1 {pack_format = #tpu.pack_format<interleaved>} : vector<32xbf16> -> vector<16xf32>
        %add3A_462 = arith.addf %unpack3A_460, %unpack3A_461 : vector<16xf32>
        %swap3A_463 = arith.constant 96 : index
        %swap3A_464 = tpu.vector_load %arg14[%swap3A_463] {strides = array<i32>} : memref<256xf32, #tpu.memory_space<vmem>>, vector<16xf32>,
        tpu.vector_store %arg14[%swap3A_463], %add3A_462 {strides = array<i32>} : memref<256xf32, #tpu.memory_space<vmem>>, vector<16xf32>,
        %mul3A_465 = arith.constant 16 : i32
        %mul3A_466 = arith.muli %scan3A_215, %mul3A_465 : i32
        %add3A_467 = arith.constant 7 : i32
        %add3A_468 = arith.addi %mul3A_466, %add3A_467 : i32
        %get3A_469 = arith.index_cast %add3A_468 : i32 to index
        %get3A_470 = arith.constant 0 : index
        %get3A_471 = tpu.vector_load %arg10[%get3A_469, %get3A_470] {strides = array<i32>} : memref<208x64xf32, #tpu.memory_space<vmem>>, vector<16xf32>,
        %bitcast3A_472 = vector.bitcast %get3A_471 : vector<16xf32> to vector<32xbf16>
        %sub3A_473 = arith.subf %bitcast3A_472, %bitcast3A : vector<32xbf16>
        %abs3A_474 = math.absf %sub3A_473 : vector<32xbf16>
        %get3A_475 = arith.index_cast %add3A_468 : i32 to index
        %get3A_476 = arith.constant 16 : index
        %get3A_477 = tpu.vector_load %arg10[%get3A_475, %get3A_476] {strides = array<i32>} : memref<208x64xf32, #tpu.memory_space<vmem>>, vector<16xf32>,
        %bitcast3A_478 = vector.bitcast %get3A_477 : vector<16xf32> to vector<32xbf16>
        %sub3A_479 = arith.subf %bitcast3A_478, %bitcast3A_132 : vector<32xbf16>
        %abs3A_480 = math.absf %sub3A_479 : vector<32xbf16>
        %add3A_481 = arith.addf %abs3A_474, %abs3A_480 : vector<32xbf16>
        %get3A_482 = arith.index_cast %add3A_468 : i32 to index
        %get3A_483 = arith.constant 32 : index
        %get3A_484 = tpu.vector_load %arg10[%get3A_482, %get3A_483] {strides = array<i32>} : memref<208x64xf32, #tpu.memory_space<vmem>>, vector<16xf32>,
        %bitcast3A_485 = vector.bitcast %get3A_484 : vector<16xf32> to vector<32xbf16>
        %sub3A_486 = arith.subf %bitcast3A_485, %bitcast3A_136 : vector<32xbf16>
        %abs3A_487 = math.absf %sub3A_486 : vector<32xbf16>
        %add3A_488 = arith.addf %add3A_481, %abs3A_487 : vector<32xbf16>
        %get3A_489 = arith.index_cast %add3A_468 : i32 to index
        %get3A_490 = arith.constant 48 : index
        %get3A_491 = tpu.vector_load %arg10[%get3A_489, %get3A_490] {strides = array<i32>} : memref<208x64xf32, #tpu.memory_space<vmem>>, vector<16xf32>,
        %bitcast3A_492 = vector.bitcast %get3A_491 : vector<16xf32> to vector<32xbf16>
        %sub3A_493 = arith.subf %bitcast3A_492, %bitcast3A_140 : vector<32xbf16>
        %abs3A_494 = math.absf %sub3A_493 : vector<32xbf16>
        %add3A_495 = arith.addf %add3A_488, %abs3A_494 : vector<32xbf16>
        %unpack3A_496 = tpu.unpack_subelements %add3A_495, 0 {pack_format = #tpu.pack_format<interleaved>} : vector<32xbf16> -> vector<16xf32>
        %unpack3A_497 = tpu.unpack_subelements %add3A_495, 1 {pack_format = #tpu.pack_format<interleaved>} : vector<32xbf16> -> vector<16xf32>
        %add3A_498 = arith.addf %unpack3A_496, %unpack3A_497 : vector<16xf32>
        %swap3A_499 = arith.constant 112 : index
        %swap3A_500 = tpu.vector_load %arg14[%swap3A_499] {strides = array<i32>} : memref<256xf32, #tpu.memory_space<vmem>>, vector<16xf32>,
        tpu.vector_store %arg14[%swap3A_499], %add3A_498 {strides = array<i32>} : memref<256xf32, #tpu.memory_space<vmem>>, vector<16xf32>,
        %mul3A_501 = arith.constant 16 : i32
        %mul3A_502 = arith.muli %scan3A_215, %mul3A_501 : i32
        %add3A_503 = arith.constant 8 : i32
        %add3A_504 = arith.addi %mul3A_502, %add3A_503 : i32
        %get3A_505 = arith.index_cast %add3A_504 : i32 to index
        %get3A_506 = arith.constant 0 : index
        %get3A_507 = tpu.vector_load %arg10[%get3A_505, %get3A_506] {strides = array<i32>} : memref<208x64xf32, #tpu.memory_space<vmem>>, vector<16xf32>,
        %bitcast3A_508 = vector.bitcast %get3A_507 : vector<16xf32> to vector<32xbf16>
        %sub3A_509 = arith.subf %bitcast3A_508, %bitcast3A : vector<32xbf16>
        %abs3A_510 = math.absf %sub3A_509 : vector<32xbf16>
        %get3A_511 = arith.index_cast %add3A_504 : i32 to index
        %get3A_512 = arith.constant 16 : index
        %get3A_513 = tpu.vector_load %arg10[%get3A_511, %get3A_512] {strides = array<i32>} : memref<208x64xf32, #tpu.memory_space<vmem>>, vector<16xf32>,
        %bitcast3A_514 = vector.bitcast %get3A_513 : vector<16xf32> to vector<32xbf16>
        %sub3A_515 = arith.subf %bitcast3A_514, %bitcast3A_132 : vector<32xbf16>
        %abs3A_516 = math.absf %sub3A_515 : vector<32xbf16>
        %add3A_517 = arith.addf %abs3A_510, %abs3A_516 : vector<32xbf16>
        %get3A_518 = arith.index_cast %add3A_504 : i32 to index
        %get3A_519 = arith.constant 32 : index
        %get3A_520 = tpu.vector_load %arg10[%get3A_518, %get3A_519] {strides = array<i32>} : memref<208x64xf32, #tpu.memory_space<vmem>>, vector<16xf32>,
        %bitcast3A_521 = vector.bitcast %get3A_520 : vector<16xf32> to vector<32xbf16>
        %sub3A_522 = arith.subf %bitcast3A_521, %bitcast3A_136 : vector<32xbf16>
        %abs3A_523 = math.absf %sub3A_522 : vector<32xbf16>
        %add3A_524 = arith.addf %add3A_517, %abs3A_523 : vector<32xbf16>
        %get3A_525 = arith.index_cast %add3A_504 : i32 to index
        %get3A_526 = arith.constant 48 : index
        %get3A_527 = tpu.vector_load %arg10[%get3A_525, %get3A_526] {strides = array<i32>} : memref<208x64xf32, #tpu.memory_space<vmem>>, vector<16xf32>,
        %bitcast3A_528 = vector.bitcast %get3A_527 : vector<16xf32> to vector<32xbf16>
        %sub3A_529 = arith.subf %bitcast3A_528, %bitcast3A_140 : vector<32xbf16>
        %abs3A_530 = math.absf %sub3A_529 : vector<32xbf16>
        %add3A_531 = arith.addf %add3A_524, %abs3A_530 : vector<32xbf16>
        %unpack3A_532 = tpu.unpack_subelements %add3A_531, 0 {pack_format = #tpu.pack_format<interleaved>} : vector<32xbf16> -> vector<16xf32>
        %unpack3A_533 = tpu.unpack_subelements %add3A_531, 1 {pack_format = #tpu.pack_format<interleaved>} : vector<32xbf16> -> vector<16xf32>
        %add3A_534 = arith.addf %unpack3A_532, %unpack3A_533 : vector<16xf32>
        %swap3A_535 = arith.constant 128 : index
        %swap3A_536 = tpu.vector_load %arg14[%swap3A_535] {strides = array<i32>} : memref<256xf32, #tpu.memory_space<vmem>>, vector<16xf32>,
        tpu.vector_store %arg14[%swap3A_535], %add3A_534 {strides = array<i32>} : memref<256xf32, #tpu.memory_space<vmem>>, vector<16xf32>,
        %mul3A_537 = arith.constant 16 : i32
        %mul3A_538 = arith.muli %scan3A_215, %mul3A_537 : i32
        %add3A_539 = arith.constant 9 : i32
        %add3A_540 = arith.addi %mul3A_538, %add3A_539 : i32
        %get3A_541 = arith.index_cast %add3A_540 : i32 to index
        %get3A_542 = arith.constant 0 : index
        %get3A_543 = tpu.vector_load %arg10[%get3A_541, %get3A_542] {strides = array<i32>} : memref<208x64xf32, #tpu.memory_space<vmem>>, vector<16xf32>,
        %bitcast3A_544 = vector.bitcast %get3A_543 : vector<16xf32> to vector<32xbf16>
        %sub3A_545 = arith.subf %bitcast3A_544, %bitcast3A : vector<32xbf16>
        %abs3A_546 = math.absf %sub3A_545 : vector<32xbf16>
        %get3A_547 = arith.index_cast %add3A_540 : i32 to index
        %get3A_548 = arith.constant 16 : index
        %get3A_549 = tpu.vector_load %arg10[%get3A_547, %get3A_548] {strides = array<i32>} : memref<208x64xf32, #tpu.memory_space<vmem>>, vector<16xf32>,
        %bitcast3A_550 = vector.bitcast %get3A_549 : vector<16xf32> to vector<32xbf16>
        %sub3A_551 = arith.subf %bitcast3A_550, %bitcast3A_132 : vector<32xbf16>
        %abs3A_552 = math.absf %sub3A_551 : vector<32xbf16>
        %add3A_553 = arith.addf %abs3A_546, %abs3A_552 : vector<32xbf16>
        %get3A_554 = arith.index_cast %add3A_540 : i32 to index
        %get3A_555 = arith.constant 32 : index
        %get3A_556 = tpu.vector_load %arg10[%get3A_554, %get3A_555] {strides = array<i32>} : memref<208x64xf32, #tpu.memory_space<vmem>>, vector<16xf32>,
        %bitcast3A_557 = vector.bitcast %get3A_556 : vector<16xf32> to vector<32xbf16>
        %sub3A_558 = arith.subf %bitcast3A_557, %bitcast3A_136 : vector<32xbf16>
        %abs3A_559 = math.absf %sub3A_558 : vector<32xbf16>
        %add3A_560 = arith.addf %add3A_553, %abs3A_559 : vector<32xbf16>
        %get3A_561 = arith.index_cast %add3A_540 : i32 to index
        %get3A_562 = arith.constant 48 : index
        %get3A_563 = tpu.vector_load %arg10[%get3A_561, %get3A_562] {strides = array<i32>} : memref<208x64xf32, #tpu.memory_space<vmem>>, vector<16xf32>,
        %bitcast3A_564 = vector.bitcast %get3A_563 : vector<16xf32> to vector<32xbf16>
        %sub3A_565 = arith.subf %bitcast3A_564, %bitcast3A_140 : vector<32xbf16>
        %abs3A_566 = math.absf %sub3A_565 : vector<32xbf16>
        %add3A_567 = arith.addf %add3A_560, %abs3A_566 : vector<32xbf16>
        %unpack3A_568 = tpu.unpack_subelements %add3A_567, 0 {pack_format = #tpu.pack_format<interleaved>} : vector<32xbf16> -> vector<16xf32>
        %unpack3A_569 = tpu.unpack_subelements %add3A_567, 1 {pack_format = #tpu.pack_format<interleaved>} : vector<32xbf16> -> vector<16xf32>
        %add3A_570 = arith.addf %unpack3A_568, %unpack3A_569 : vector<16xf32>
        %swap3A_571 = arith.constant 144 : index
        %swap3A_572 = tpu.vector_load %arg14[%swap3A_571] {strides = array<i32>} : memref<256xf32, #tpu.memory_space<vmem>>, vector<16xf32>,
        tpu.vector_store %arg14[%swap3A_571], %add3A_570 {strides = array<i32>} : memref<256xf32, #tpu.memory_space<vmem>>, vector<16xf32>,
        %mul3A_573 = arith.constant 16 : i32
        %mul3A_574 = arith.muli %scan3A_215, %mul3A_573 : i32
        %add3A_575 = arith.constant 10 : i32
        %add3A_576 = arith.addi %mul3A_574, %add3A_575 : i32
        %get3A_577 = arith.index_cast %add3A_576 : i32 to index
        %get3A_578 = arith.constant 0 : index
        %get3A_579 = tpu.vector_load %arg10[%get3A_577, %get3A_578] {strides = array<i32>} : memref<208x64xf32, #tpu.memory_space<vmem>>, vector<16xf32>,
        %bitcast3A_580 = vector.bitcast %get3A_579 : vector<16xf32> to vector<32xbf16>
        %sub3A_581 = arith.subf %bitcast3A_580, %bitcast3A : vector<32xbf16>
        %abs3A_582 = math.absf %sub3A_581 : vector<32xbf16>
        %get3A_583 = arith.index_cast %add3A_576 : i32 to index
        %get3A_584 = arith.constant 16 : index
        %get3A_585 = tpu.vector_load %arg10[%get3A_583, %get3A_584] {strides = array<i32>} : memref<208x64xf32, #tpu.memory_space<vmem>>, vector<16xf32>,
        %bitcast3A_586 = vector.bitcast %get3A_585 : vector<16xf32> to vector<32xbf16>
        %sub3A_587 = arith.subf %bitcast3A_586, %bitcast3A_132 : vector<32xbf16>
        %abs3A_588 = math.absf %sub3A_587 : vector<32xbf16>
        %add3A_589 = arith.addf %abs3A_582, %abs3A_588 : vector<32xbf16>
        %get3A_590 = arith.index_cast %add3A_576 : i32 to index
        %get3A_591 = arith.constant 32 : index
        %get3A_592 = tpu.vector_load %arg10[%get3A_590, %get3A_591] {strides = array<i32>} : memref<208x64xf32, #tpu.memory_space<vmem>>, vector<16xf32>,
        %bitcast3A_593 = vector.bitcast %get3A_592 : vector<16xf32> to vector<32xbf16>
        %sub3A_594 = arith.subf %bitcast3A_593, %bitcast3A_136 : vector<32xbf16>
        %abs3A_595 = math.absf %sub3A_594 : vector<32xbf16>
        %add3A_596 = arith.addf %add3A_589, %abs3A_595 : vector<32xbf16>
        %get3A_597 = arith.index_cast %add3A_576 : i32 to index
        %get3A_598 = arith.constant 48 : index
        %get3A_599 = tpu.vector_load %arg10[%get3A_597, %get3A_598] {strides = array<i32>} : memref<208x64xf32, #tpu.memory_space<vmem>>, vector<16xf32>,
        %bitcast3A_600 = vector.bitcast %get3A_599 : vector<16xf32> to vector<32xbf16>
        %sub3A_601 = arith.subf %bitcast3A_600, %bitcast3A_140 : vector<32xbf16>
        %abs3A_602 = math.absf %sub3A_601 : vector<32xbf16>
        %add3A_603 = arith.addf %add3A_596, %abs3A_602 : vector<32xbf16>
        %unpack3A_604 = tpu.unpack_subelements %add3A_603, 0 {pack_format = #tpu.pack_format<interleaved>} : vector<32xbf16> -> vector<16xf32>
        %unpack3A_605 = tpu.unpack_subelements %add3A_603, 1 {pack_format = #tpu.pack_format<interleaved>} : vector<32xbf16> -> vector<16xf32>
        %add3A_606 = arith.addf %unpack3A_604, %unpack3A_605 : vector<16xf32>
        %swap3A_607 = arith.constant 160 : index
        %swap3A_608 = tpu.vector_load %arg14[%swap3A_607] {strides = array<i32>} : memref<256xf32, #tpu.memory_space<vmem>>, vector<16xf32>,
        tpu.vector_store %arg14[%swap3A_607], %add3A_606 {strides = array<i32>} : memref<256xf32, #tpu.memory_space<vmem>>, vector<16xf32>,
        %mul3A_609 = arith.constant 16 : i32
        %mul3A_610 = arith.muli %scan3A_215, %mul3A_609 : i32
        %add3A_611 = arith.constant 11 : i32
        %add3A_612 = arith.addi %mul3A_610, %add3A_611 : i32
        %get3A_613 = arith.index_cast %add3A_612 : i32 to index
        %get3A_614 = arith.constant 0 : index
        %get3A_615 = tpu.vector_load %arg10[%get3A_613, %get3A_614] {strides = array<i32>} : memref<208x64xf32, #tpu.memory_space<vmem>>, vector<16xf32>,
        %bitcast3A_616 = vector.bitcast %get3A_615 : vector<16xf32> to vector<32xbf16>
        %sub3A_617 = arith.subf %bitcast3A_616, %bitcast3A : vector<32xbf16>
        %abs3A_618 = math.absf %sub3A_617 : vector<32xbf16>
        %get3A_619 = arith.index_cast %add3A_612 : i32 to index
        %get3A_620 = arith.constant 16 : index
        %get3A_621 = tpu.vector_load %arg10[%get3A_619, %get3A_620] {strides = array<i32>} : memref<208x64xf32, #tpu.memory_space<vmem>>, vector<16xf32>,
        %bitcast3A_622 = vector.bitcast %get3A_621 : vector<16xf32> to vector<32xbf16>
        %sub3A_623 = arith.subf %bitcast3A_622, %bitcast3A_132 : vector<32xbf16>
        %abs3A_624 = math.absf %sub3A_623 : vector<32xbf16>
        %add3A_625 = arith.addf %abs3A_618, %abs3A_624 : vector<32xbf16>
        %get3A_626 = arith.index_cast %add3A_612 : i32 to index
        %get3A_627 = arith.constant 32 : index
        %get3A_628 = tpu.vector_load %arg10[%get3A_626, %get3A_627] {strides = array<i32>} : memref<208x64xf32, #tpu.memory_space<vmem>>, vector<16xf32>,
        %bitcast3A_629 = vector.bitcast %get3A_628 : vector<16xf32> to vector<32xbf16>
        %sub3A_630 = arith.subf %bitcast3A_629, %bitcast3A_136 : vector<32xbf16>
        %abs3A_631 = math.absf %sub3A_630 : vector<32xbf16>
        %add3A_632 = arith.addf %add3A_625, %abs3A_631 : vector<32xbf16>
        %get3A_633 = arith.index_cast %add3A_612 : i32 to index
        %get3A_634 = arith.constant 48 : index
        %get3A_635 = tpu.vector_load %arg10[%get3A_633, %get3A_634] {strides = array<i32>} : memref<208x64xf32, #tpu.memory_space<vmem>>, vector<16xf32>,
        %bitcast3A_636 = vector.bitcast %get3A_635 : vector<16xf32> to vector<32xbf16>
        %sub3A_637 = arith.subf %bitcast3A_636, %bitcast3A_140 : vector<32xbf16>
        %abs3A_638 = math.absf %sub3A_637 : vector<32xbf16>
        %add3A_639 = arith.addf %add3A_632, %abs3A_638 : vector<32xbf16>
        %unpack3A_640 = tpu.unpack_subelements %add3A_639, 0 {pack_format = #tpu.pack_format<interleaved>} : vector<32xbf16> -> vector<16xf32>
        %unpack3A_641 = tpu.unpack_subelements %add3A_639, 1 {pack_format = #tpu.pack_format<interleaved>} : vector<32xbf16> -> vector<16xf32>
        %add3A_642 = arith.addf %unpack3A_640, %unpack3A_641 : vector<16xf32>
        %swap3A_643 = arith.constant 176 : index
        %swap3A_644 = tpu.vector_load %arg14[%swap3A_643] {strides = array<i32>} : memref<256xf32, #tpu.memory_space<vmem>>, vector<16xf32>,
        tpu.vector_store %arg14[%swap3A_643], %add3A_642 {strides = array<i32>} : memref<256xf32, #tpu.memory_space<vmem>>, vector<16xf32>,
        %mul3A_645 = arith.constant 16 : i32
        %mul3A_646 = arith.muli %scan3A_215, %mul3A_645 : i32
        %add3A_647 = arith.constant 12 : i32
        %add3A_648 = arith.addi %mul3A_646, %add3A_647 : i32
        %get3A_649 = arith.index_cast %add3A_648 : i32 to index
        %get3A_650 = arith.constant 0 : index
        %get3A_651 = tpu.vector_load %arg10[%get3A_649, %get3A_650] {strides = array<i32>} : memref<208x64xf32, #tpu.memory_space<vmem>>, vector<16xf32>,
        %bitcast3A_652 = vector.bitcast %get3A_651 : vector<16xf32> to vector<32xbf16>
        %sub3A_653 = arith.subf %bitcast3A_652, %bitcast3A : vector<32xbf16>
        %abs3A_654 = math.absf %sub3A_653 : vector<32xbf16>
        %get3A_655 = arith.index_cast %add3A_648 : i32 to index
        %get3A_656 = arith.constant 16 : index
        %get3A_657 = tpu.vector_load %arg10[%get3A_655, %get3A_656] {strides = array<i32>} : memref<208x64xf32, #tpu.memory_space<vmem>>, vector<16xf32>,
        %bitcast3A_658 = vector.bitcast %get3A_657 : vector<16xf32> to vector<32xbf16>
        %sub3A_659 = arith.subf %bitcast3A_658, %bitcast3A_132 : vector<32xbf16>
        %abs3A_660 = math.absf %sub3A_659 : vector<32xbf16>
        %add3A_661 = arith.addf %abs3A_654, %abs3A_660 : vector<32xbf16>
        %get3A_662 = arith.index_cast %add3A_648 : i32 to index
        %get3A_663 = arith.constant 32 : index
        %get3A_664 = tpu.vector_load %arg10[%get3A_662, %get3A_663] {strides = array<i32>} : memref<208x64xf32, #tpu.memory_space<vmem>>, vector<16xf32>,
        %bitcast3A_665 = vector.bitcast %get3A_664 : vector<16xf32> to vector<32xbf16>
        %sub3A_666 = arith.subf %bitcast3A_665, %bitcast3A_136 : vector<32xbf16>
        %abs3A_667 = math.absf %sub3A_666 : vector<32xbf16>
        %add3A_668 = arith.addf %add3A_661, %abs3A_667 : vector<32xbf16>
        %get3A_669 = arith.index_cast %add3A_648 : i32 to index
        %get3A_670 = arith.constant 48 : index
        %get3A_671 = tpu.vector_load %arg10[%get3A_669, %get3A_670] {strides = array<i32>} : memref<208x64xf32, #tpu.memory_space<vmem>>, vector<16xf32>,
        %bitcast3A_672 = vector.bitcast %get3A_671 : vector<16xf32> to vector<32xbf16>
        %sub3A_673 = arith.subf %bitcast3A_672, %bitcast3A_140 : vector<32xbf16>
        %abs3A_674 = math.absf %sub3A_673 : vector<32xbf16>
        %add3A_675 = arith.addf %add3A_668, %abs3A_674 : vector<32xbf16>
        %unpack3A_676 = tpu.unpack_subelements %add3A_675, 0 {pack_format = #tpu.pack_format<interleaved>} : vector<32xbf16> -> vector<16xf32>
        %unpack3A_677 = tpu.unpack_subelements %add3A_675, 1 {pack_format = #tpu.pack_format<interleaved>} : vector<32xbf16> -> vector<16xf32>
        %add3A_678 = arith.addf %unpack3A_676, %unpack3A_677 : vector<16xf32>
        %swap3A_679 = arith.constant 192 : index
        %swap3A_680 = tpu.vector_load %arg14[%swap3A_679] {strides = array<i32>} : memref<256xf32, #tpu.memory_space<vmem>>, vector<16xf32>,
        tpu.vector_store %arg14[%swap3A_679], %add3A_678 {strides = array<i32>} : memref<256xf32, #tpu.memory_space<vmem>>, vector<16xf32>,
        %mul3A_681 = arith.constant 16 : i32
        %mul3A_682 = arith.muli %scan3A_215, %mul3A_681 : i32
        %add3A_683 = arith.constant 13 : i32
        %add3A_684 = arith.addi %mul3A_682, %add3A_683 : i32
        %get3A_685 = arith.index_cast %add3A_684 : i32 to index
        %get3A_686 = arith.constant 0 : index
        %get3A_687 = tpu.vector_load %arg10[%get3A_685, %get3A_686] {strides = array<i32>} : memref<208x64xf32, #tpu.memory_space<vmem>>, vector<16xf32>,
        %bitcast3A_688 = vector.bitcast %get3A_687 : vector<16xf32> to vector<32xbf16>
        %sub3A_689 = arith.subf %bitcast3A_688, %bitcast3A : vector<32xbf16>
        %abs3A_690 = math.absf %sub3A_689 : vector<32xbf16>
        %get3A_691 = arith.index_cast %add3A_684 : i32 to index
        %get3A_692 = arith.constant 16 : index
        %get3A_693 = tpu.vector_load %arg10[%get3A_691, %get3A_692] {strides = array<i32>} : memref<208x64xf32, #tpu.memory_space<vmem>>, vector<16xf32>,
        %bitcast3A_694 = vector.bitcast %get3A_693 : vector<16xf32> to vector<32xbf16>
        %sub3A_695 = arith.subf %bitcast3A_694, %bitcast3A_132 : vector<32xbf16>
        %abs3A_696 = math.absf %sub3A_695 : vector<32xbf16>
        %add3A_697 = arith.addf %abs3A_690, %abs3A_696 : vector<32xbf16>
        %get3A_698 = arith.index_cast %add3A_684 : i32 to index
        %get3A_699 = arith.constant 32 : index
        %get3A_700 = tpu.vector_load %arg10[%get3A_698, %get3A_699] {strides = array<i32>} : memref<208x64xf32, #tpu.memory_space<vmem>>, vector<16xf32>,
        %bitcast3A_701 = vector.bitcast %get3A_700 : vector<16xf32> to vector<32xbf16>
        %sub3A_702 = arith.subf %bitcast3A_701, %bitcast3A_136 : vector<32xbf16>
        %abs3A_703 = math.absf %sub3A_702 : vector<32xbf16>
        %add3A_704 = arith.addf %add3A_697, %abs3A_703 : vector<32xbf16>
        %get3A_705 = arith.index_cast %add3A_684 : i32 to index
        %get3A_706 = arith.constant 48 : index
        %get3A_707 = tpu.vector_load %arg10[%get3A_705, %get3A_706] {strides = array<i32>} : memref<208x64xf32, #tpu.memory_space<vmem>>, vector<16xf32>,
        %bitcast3A_708 = vector.bitcast %get3A_707 : vector<16xf32> to vector<32xbf16>
        %sub3A_709 = arith.subf %bitcast3A_708, %bitcast3A_140 : vector<32xbf16>
        %abs3A_710 = math.absf %sub3A_709 : vector<32xbf16>
        %add3A_711 = arith.addf %add3A_704, %abs3A_710 : vector<32xbf16>
        %unpack3A_712 = tpu.unpack_subelements %add3A_711, 0 {pack_format = #tpu.pack_format<interleaved>} : vector<32xbf16> -> vector<16xf32>
        %unpack3A_713 = tpu.unpack_subelements %add3A_711, 1 {pack_format = #tpu.pack_format<interleaved>} : vector<32xbf16> -> vector<16xf32>
        %add3A_714 = arith.addf %unpack3A_712, %unpack3A_713 : vector<16xf32>
        %swap3A_715 = arith.constant 208 : index
        %swap3A_716 = tpu.vector_load %arg14[%swap3A_715] {strides = array<i32>} : memref<256xf32, #tpu.memory_space<vmem>>, vector<16xf32>,
        tpu.vector_store %arg14[%swap3A_715], %add3A_714 {strides = array<i32>} : memref<256xf32, #tpu.memory_space<vmem>>, vector<16xf32>,
        %mul3A_717 = arith.constant 16 : i32
        %mul3A_718 = arith.muli %scan3A_215, %mul3A_717 : i32
        %add3A_719 = arith.constant 14 : i32
        %add3A_720 = arith.addi %mul3A_718, %add3A_719 : i32
        %get3A_721 = arith.index_cast %add3A_720 : i32 to index
        %get3A_722 = arith.constant 0 : index
        %get3A_723 = tpu.vector_load %arg10[%get3A_721, %get3A_722] {strides = array<i32>} : memref<208x64xf32, #tpu.memory_space<vmem>>, vector<16xf32>,
        %bitcast3A_724 = vector.bitcast %get3A_723 : vector<16xf32> to vector<32xbf16>
        %sub3A_725 = arith.subf %bitcast3A_724, %bitcast3A : vector<32xbf16>
        %abs3A_726 = math.absf %sub3A_725 : vector<32xbf16>
        %get3A_727 = arith.index_cast %add3A_720 : i32 to index
        %get3A_728 = arith.constant 16 : index
        %get3A_729 = tpu.vector_load %arg10[%get3A_727, %get3A_728] {strides = array<i32>} : memref<208x64xf32, #tpu.memory_space<vmem>>, vector<16xf32>,
        %bitcast3A_730 = vector.bitcast %get3A_729 : vector<16xf32> to vector<32xbf16>
        %sub3A_731 = arith.subf %bitcast3A_730, %bitcast3A_132 : vector<32xbf16>
        %abs3A_732 = math.absf %sub3A_731 : vector<32xbf16>
        %add3A_733 = arith.addf %abs3A_726, %abs3A_732 : vector<32xbf16>
        %get3A_734 = arith.index_cast %add3A_720 : i32 to index
        %get3A_735 = arith.constant 32 : index
        %get3A_736 = tpu.vector_load %arg10[%get3A_734, %get3A_735] {strides = array<i32>} : memref<208x64xf32, #tpu.memory_space<vmem>>, vector<16xf32>,
        %bitcast3A_737 = vector.bitcast %get3A_736 : vector<16xf32> to vector<32xbf16>
        %sub3A_738 = arith.subf %bitcast3A_737, %bitcast3A_136 : vector<32xbf16>
        %abs3A_739 = math.absf %sub3A_738 : vector<32xbf16>
        %add3A_740 = arith.addf %add3A_733, %abs3A_739 : vector<32xbf16>
        %get3A_741 = arith.index_cast %add3A_720 : i32 to index
        %get3A_742 = arith.constant 48 : index
        %get3A_743 = tpu.vector_load %arg10[%get3A_741, %get3A_742] {strides = array<i32>} : memref<208x64xf32, #tpu.memory_space<vmem>>, vector<16xf32>,
        %bitcast3A_744 = vector.bitcast %get3A_743 : vector<16xf32> to vector<32xbf16>
        %sub3A_745 = arith.subf %bitcast3A_744, %bitcast3A_140 : vector<32xbf16>
        %abs3A_746 = math.absf %sub3A_745 : vector<32xbf16>
        %add3A_747 = arith.addf %add3A_740, %abs3A_746 : vector<32xbf16>
        %unpack3A_748 = tpu.unpack_subelements %add3A_747, 0 {pack_format = #tpu.pack_format<interleaved>} : vector<32xbf16> -> vector<16xf32>
        %unpack3A_749 = tpu.unpack_subelements %add3A_747, 1 {pack_format = #tpu.pack_format<interleaved>} : vector<32xbf16> -> vector<16xf32>
        %add3A_750 = arith.addf %unpack3A_748, %unpack3A_749 : vector<16xf32>
        %swap3A_751 = arith.constant 224 : index
        %swap3A_752 = tpu.vector_load %arg14[%swap3A_751] {strides = array<i32>} : memref<256xf32, #tpu.memory_space<vmem>>, vector<16xf32>,
        tpu.vector_store %arg14[%swap3A_751], %add3A_750 {strides = array<i32>} : memref<256xf32, #tpu.memory_space<vmem>>, vector<16xf32>,
        %mul3A_753 = arith.constant 16 : i32
        %mul3A_754 = arith.muli %scan3A_215, %mul3A_753 : i32
        %add3A_755 = arith.constant 15 : i32
        %add3A_756 = arith.addi %mul3A_754, %add3A_755 : i32
        %get3A_757 = arith.index_cast %add3A_756 : i32 to index
        %get3A_758 = arith.constant 0 : index
        %get3A_759 = tpu.vector_load %arg10[%get3A_757, %get3A_758] {strides = array<i32>} : memref<208x64xf32, #tpu.memory_space<vmem>>, vector<16xf32>,
        %bitcast3A_760 = vector.bitcast %get3A_759 : vector<16xf32> to vector<32xbf16>
        %sub3A_761 = arith.subf %bitcast3A_760, %bitcast3A : vector<32xbf16>
        %abs3A_762 = math.absf %sub3A_761 : vector<32xbf16>
        %get3A_763 = arith.index_cast %add3A_756 : i32 to index
        %get3A_764 = arith.constant 16 : index
        %get3A_765 = tpu.vector_load %arg10[%get3A_763, %get3A_764] {strides = array<i32>} : memref<208x64xf32, #tpu.memory_space<vmem>>, vector<16xf32>,
        %bitcast3A_766 = vector.bitcast %get3A_765 : vector<16xf32> to vector<32xbf16>
        %sub3A_767 = arith.subf %bitcast3A_766, %bitcast3A_132 : vector<32xbf16>
        %abs3A_768 = math.absf %sub3A_767 : vector<32xbf16>
        %add3A_769 = arith.addf %abs3A_762, %abs3A_768 : vector<32xbf16>
        %get3A_770 = arith.index_cast %add3A_756 : i32 to index
        %get3A_771 = arith.constant 32 : index
        %get3A_772 = tpu.vector_load %arg10[%get3A_770, %get3A_771] {strides = array<i32>} : memref<208x64xf32, #tpu.memory_space<vmem>>, vector<16xf32>,
        %bitcast3A_773 = vector.bitcast %get3A_772 : vector<16xf32> to vector<32xbf16>
        %sub3A_774 = arith.subf %bitcast3A_773, %bitcast3A_136 : vector<32xbf16>
        %abs3A_775 = math.absf %sub3A_774 : vector<32xbf16>
        %add3A_776 = arith.addf %add3A_769, %abs3A_775 : vector<32xbf16>
        %get3A_777 = arith.index_cast %add3A_756 : i32 to index
        %get3A_778 = arith.constant 48 : index
        %get3A_779 = tpu.vector_load %arg10[%get3A_777, %get3A_778] {strides = array<i32>} : memref<208x64xf32, #tpu.memory_space<vmem>>, vector<16xf32>,
        %bitcast3A_780 = vector.bitcast %get3A_779 : vector<16xf32> to vector<32xbf16>
        %sub3A_781 = arith.subf %bitcast3A_780, %bitcast3A_140 : vector<32xbf16>
        %abs3A_782 = math.absf %sub3A_781 : vector<32xbf16>
        %add3A_783 = arith.addf %add3A_776, %abs3A_782 : vector<32xbf16>
        %unpack3A_784 = tpu.unpack_subelements %add3A_783, 0 {pack_format = #tpu.pack_format<interleaved>} : vector<32xbf16> -> vector<16xf32>
        %unpack3A_785 = tpu.unpack_subelements %add3A_783, 1 {pack_format = #tpu.pack_format<interleaved>} : vector<32xbf16> -> vector<16xf32>
        %add3A_786 = arith.addf %unpack3A_784, %unpack3A_785 : vector<16xf32>
        %swap3A_787 = arith.constant 240 : index
        %swap3A_788 = tpu.vector_load %arg14[%swap3A_787] {strides = array<i32>} : memref<256xf32, #tpu.memory_space<vmem>>, vector<16xf32>,
        tpu.vector_store %arg14[%swap3A_787], %add3A_786 {strides = array<i32>} : memref<256xf32, #tpu.memory_space<vmem>>, vector<16xf32>,
        %gather3A = tpu.vector_load_idx %arg14[%mul3A_32] : memref<256xf32, #tpu.memory_space<vmem>>[vector<16xi32>], vector<16xf32>,
        %add3A_789 = arith.constant 1 : i32
        %add3A_790 = vector.broadcast %add3A_789 : i32 to vector<16xi32>
        %add3A_791 = arith.addi %mul3A_32, %add3A_790 : vector<16xi32>
        %gather3A_792 = tpu.vector_load_idx %arg14[%add3A_791] : memref<256xf32, #tpu.memory_space<vmem>>[vector<16xi32>], vector<16xf32>,
        %add3A_793 = arith.addf %gather3A, %gather3A_792 : vector<16xf32>
        %add3A_794 = arith.constant 2 : i32
        %add3A_795 = vector.broadcast %add3A_794 : i32 to vector<16xi32>
        %add3A_796 = arith.addi %mul3A_32, %add3A_795 : vector<16xi32>
        %gather3A_797 = tpu.vector_load_idx %arg14[%add3A_796] : memref<256xf32, #tpu.memory_space<vmem>>[vector<16xi32>], vector<16xf32>,
        %add3A_798 = arith.addf %add3A_793, %gather3A_797 : vector<16xf32>
        %add3A_799 = arith.constant 3 : i32
        %add3A_800 = vector.broadcast %add3A_799 : i32 to vector<16xi32>
        %add3A_801 = arith.addi %mul3A_32, %add3A_800 : vector<16xi32>
        %gather3A_802 = tpu.vector_load_idx %arg14[%add3A_801] : memref<256xf32, #tpu.memory_space<vmem>>[vector<16xi32>], vector<16xf32>,
        %add3A_803 = arith.addf %add3A_798, %gather3A_802 : vector<16xf32>
        %add3A_804 = arith.constant 4 : i32
        %add3A_805 = vector.broadcast %add3A_804 : i32 to vector<16xi32>
        %add3A_806 = arith.addi %mul3A_32, %add3A_805 : vector<16xi32>
        %gather3A_807 = tpu.vector_load_idx %arg14[%add3A_806] : memref<256xf32, #tpu.memory_space<vmem>>[vector<16xi32>], vector<16xf32>,
        %add3A_808 = arith.addf %add3A_803, %gather3A_807 : vector<16xf32>
        %add3A_809 = arith.constant 5 : i32
        %add3A_810 = vector.broadcast %add3A_809 : i32 to vector<16xi32>
        %add3A_811 = arith.addi %mul3A_32, %add3A_810 : vector<16xi32>
        %gather3A_812 = tpu.vector_load_idx %arg14[%add3A_811] : memref<256xf32, #tpu.memory_space<vmem>>[vector<16xi32>], vector<16xf32>,
        %add3A_813 = arith.addf %add3A_808, %gather3A_812 : vector<16xf32>
        %add3A_814 = arith.constant 6 : i32
        %add3A_815 = vector.broadcast %add3A_814 : i32 to vector<16xi32>
        %add3A_816 = arith.addi %mul3A_32, %add3A_815 : vector<16xi32>
        %gather3A_817 = tpu.vector_load_idx %arg14[%add3A_816] : memref<256xf32, #tpu.memory_space<vmem>>[vector<16xi32>], vector<16xf32>,
        %add3A_818 = arith.addf %add3A_813, %gather3A_817 : vector<16xf32>
        %add3A_819 = arith.constant 7 : i32
        %add3A_820 = vector.broadcast %add3A_819 : i32 to vector<16xi32>
        %add3A_821 = arith.addi %mul3A_32, %add3A_820 : vector<16xi32>
        %gather3A_822 = tpu.vector_load_idx %arg14[%add3A_821] : memref<256xf32, #tpu.memory_space<vmem>>[vector<16xi32>], vector<16xf32>,
        %add3A_823 = arith.addf %add3A_818, %gather3A_822 : vector<16xf32>
        %add3A_824 = arith.constant 8 : i32
        %add3A_825 = vector.broadcast %add3A_824 : i32 to vector<16xi32>
        %add3A_826 = arith.addi %mul3A_32, %add3A_825 : vector<16xi32>
        %gather3A_827 = tpu.vector_load_idx %arg14[%add3A_826] : memref<256xf32, #tpu.memory_space<vmem>>[vector<16xi32>], vector<16xf32>,
        %add3A_828 = arith.addf %add3A_823, %gather3A_827 : vector<16xf32>
        %add3A_829 = arith.constant 9 : i32
        %add3A_830 = vector.broadcast %add3A_829 : i32 to vector<16xi32>
        %add3A_831 = arith.addi %mul3A_32, %add3A_830 : vector<16xi32>
        %gather3A_832 = tpu.vector_load_idx %arg14[%add3A_831] : memref<256xf32, #tpu.memory_space<vmem>>[vector<16xi32>], vector<16xf32>,
        %add3A_833 = arith.addf %add3A_828, %gather3A_832 : vector<16xf32>
        %add3A_834 = arith.constant 10 : i32
        %add3A_835 = vector.broadcast %add3A_834 : i32 to vector<16xi32>
        %add3A_836 = arith.addi %mul3A_32, %add3A_835 : vector<16xi32>
        %gather3A_837 = tpu.vector_load_idx %arg14[%add3A_836] : memref<256xf32, #tpu.memory_space<vmem>>[vector<16xi32>], vector<16xf32>,
        %add3A_838 = arith.addf %add3A_833, %gather3A_837 : vector<16xf32>
        %add3A_839 = arith.constant 11 : i32
        %add3A_840 = vector.broadcast %add3A_839 : i32 to vector<16xi32>
        %add3A_841 = arith.addi %mul3A_32, %add3A_840 : vector<16xi32>
        %gather3A_842 = tpu.vector_load_idx %arg14[%add3A_841] : memref<256xf32, #tpu.memory_space<vmem>>[vector<16xi32>], vector<16xf32>,
        %add3A_843 = arith.addf %add3A_838, %gather3A_842 : vector<16xf32>
        %add3A_844 = arith.constant 12 : i32
        %add3A_845 = vector.broadcast %add3A_844 : i32 to vector<16xi32>
        %add3A_846 = arith.addi %mul3A_32, %add3A_845 : vector<16xi32>
        %gather3A_847 = tpu.vector_load_idx %arg14[%add3A_846] : memref<256xf32, #tpu.memory_space<vmem>>[vector<16xi32>], vector<16xf32>,
        %add3A_848 = arith.addf %add3A_843, %gather3A_847 : vector<16xf32>
        %add3A_849 = arith.constant 13 : i32
        %add3A_850 = vector.broadcast %add3A_849 : i32 to vector<16xi32>
        %add3A_851 = arith.addi %mul3A_32, %add3A_850 : vector<16xi32>
        %gather3A_852 = tpu.vector_load_idx %arg14[%add3A_851] : memref<256xf32, #tpu.memory_space<vmem>>[vector<16xi32>], vector<16xf32>,
        %add3A_853 = arith.addf %add3A_848, %gather3A_852 : vector<16xf32>
        %add3A_854 = arith.constant 14 : i32
        %add3A_855 = vector.broadcast %add3A_854 : i32 to vector<16xi32>
        %add3A_856 = arith.addi %mul3A_32, %add3A_855 : vector<16xi32>
        %gather3A_857 = tpu.vector_load_idx %arg14[%add3A_856] : memref<256xf32, #tpu.memory_space<vmem>>[vector<16xi32>], vector<16xf32>,
        %add3A_858 = arith.addf %add3A_853, %gather3A_857 : vector<16xf32>
        %add3A_859 = arith.constant 15 : i32
        %add3A_860 = vector.broadcast %add3A_859 : i32 to vector<16xi32>
        %add3A_861 = arith.addi %mul3A_32, %add3A_860 : vector<16xi32>
        %gather3A_862 = tpu.vector_load_idx %arg14[%add3A_861] : memref<256xf32, #tpu.memory_space<vmem>>[vector<16xi32>], vector<16xf32>,
        %add3A_863 = arith.addf %add3A_858, %gather3A_862 : vector<16xf32>
        %sub3A_864 = arith.constant 1.200000e+01 : f32
        %sub3A_865 = vector.broadcast %sub3A_864 : f32 to vector<16xf32>
        %sub3A_866 = arith.subf %sub3A_865, %add3A_863 : vector<16xf32>
        %mul3A_867 = arith.constant 16 : i32
        %mul3A_868 = arith.muli %scan3A_215, %mul3A_867 : i32
        %swap3A_869 = arith.index_cast %mul3A_868 : i32 to index
        %swap3A_870 = tpu.vector_load %arg12[%swap3A_869] {strides = array<i32>} : memref<208xf32, #tpu.memory_space<vmem>>, vector<16xf32>,
        tpu.vector_store %arg12[%swap3A_869], %sub3A_866 {strides = array<i32>} : memref<208xf32, #tpu.memory_space<vmem>>, vector<16xf32>,
      }
      %scan3A_146 = arith.constant 13 : i32
      %add3A_147 = arith.addi %mul3A_2, %mul3A_82 : i32
      %dma_start3A_148 = arith.constant 0 : i32
      %dma_start3A_149 = tpu.memref_slice %arg7[%add3A_147, %dma_start3A_148] : memref<4096x208xf32, #tpu.memory_space<hbm>> -> memref<1x208xf32, #tpu.memory_space<hbm>>
      %dma_start3A_150 = tpu.memref_squeeze %dma_start3A_149 : memref<1x208xf32, #tpu.memory_space<hbm>> -> memref<208xf32, #tpu.memory_space<hbm>>
      %dma_start3A_151 = arith.constant 0 : i32
      %dma_start3A_152 = tpu.memref_slice %arg7[%add3A_147, %dma_start3A_151] : memref<4096x208xf32, #tpu.memory_space<hbm>> -> memref<1x208xf32, #tpu.memory_space<hbm>>
      %dma_start3A_153 = tpu.memref_squeeze %dma_start3A_152 : memref<1x208xf32, #tpu.memory_space<hbm>> -> memref<208xf32, #tpu.memory_space<hbm>>
      tpu.enqueue_dma source(%arg12 : memref<208xf32, #tpu.memory_space<vmem>>) target(%dma_start3A_153 : memref<208xf32, #tpu.memory_space<hbm>>) target_semaphore(%arg19 : memref<!tpu.dma_semaphore, #tpu.memory_space<semaphore_mem>>)
      %add3A_154 = arith.constant 2 : i32
      %add3A_155 = arith.addi %mul3A_82, %add3A_154 : i32
      %lt3A = arith.constant 128 : i32
      %lt3A_156 = arith.cmpi slt, %add3A_155, %lt3A : i32
      %convert_element_type3A_157 = arith.extui %lt3A_156 : i1 to i32
      %cond3A_158 = arith.constant 0 : i32
      %cond3A_159 = arith.cmpi ne, %convert_element_type3A_157, %cond3A_158 : i32
      scf.if %cond3A_159 {
        %add3A_215 = arith.constant 2 : i32
        %add3A_216 = arith.addi %mul3A_82, %add3A_215 : i32
        %dma_start3A_217 = arith.constant 0 : i32
        %dma_start3A_218 = arith.constant 0 : i32
        %dma_start3A_219 = arith.constant 0 : i32
        %dma_start3A_220 = tpu.memref_slice %arg10[%dma_start3A_218, %dma_start3A_219] : memref<208x64xf32, #tpu.memory_space<vmem>> -> memref<104x64xf32, #tpu.memory_space<vmem>>
        %dma_start3A_221 = arith.constant 0 : i32
        %dma_start3A_222 = tpu.memref_slice %arg8[%add3A_216, %dma_start3A_217, %dma_start3A_221] : memref<128x2x104xi32, #tpu.memory_space<vmem>> -> memref<1x1x104xi32, #tpu.memory_space<vmem>>
        %dma_start3A_223 = tpu.memref_squeeze %dma_start3A_222 : memref<1x1x104xi32, #tpu.memory_space<vmem>> -> memref<104xi32, #tpu.memory_space<vmem>>
        %dma_start3A_224 = arith.constant 0 : i32
        %dma_start3A_225 = arith.constant 0 : i32
        %dma_start3A_226 = tpu.memref_slice %arg5[%dma_start3A_224, %dma_start3A_225] : memref<100000x64xf32, #tpu.memory_space<hbm>> -> memref<100000x64xf32, #tpu.memory_space<hbm>>
        tpu.enqueue_indirect_dma source(%dma_start3A_226 : memref<100000x64xf32, #tpu.memory_space<hbm>>) target(%dma_start3A_220 : memref<104x64xf32, #tpu.memory_space<vmem>>) offsets(%dma_start3A_223 : memref<104xi32, #tpu.memory_space<vmem>>) semaphore(%arg17 : memref<!tpu.dma_semaphore, #tpu.memory_space<semaphore_mem>>)
        %dma_start3A_227 = arith.constant 1 : i32
        %dma_start3A_228 = arith.constant 104 : i32
        %dma_start3A_229 = arith.constant 0 : i32
        %dma_start3A_230 = tpu.memref_slice %arg10[%dma_start3A_228, %dma_start3A_229] : memref<208x64xf32, #tpu.memory_space<vmem>> -> memref<104x64xf32, #tpu.memory_space<vmem>>
        %dma_start3A_231 = arith.constant 0 : i32
        %dma_start3A_232 = tpu.memref_slice %arg8[%add3A_216, %dma_start3A_227, %dma_start3A_231] : memref<128x2x104xi32, #tpu.memory_space<vmem>> -> memref<1x1x104xi32, #tpu.memory_space<vmem>>
        %dma_start3A_233 = tpu.memref_squeeze %dma_start3A_232 : memref<1x1x104xi32, #tpu.memory_space<vmem>> -> memref<104xi32, #tpu.memory_space<vmem>>
        %dma_start3A_234 = arith.constant 0 : i32
        %dma_start3A_235 = arith.constant 0 : i32
        %dma_start3A_236 = tpu.memref_slice %arg5[%dma_start3A_234, %dma_start3A_235] : memref<100000x64xf32, #tpu.memory_space<hbm>> -> memref<100000x64xf32, #tpu.memory_space<hbm>>
        tpu.enqueue_indirect_dma source(%dma_start3A_236 : memref<100000x64xf32, #tpu.memory_space<hbm>>) target(%dma_start3A_230 : memref<104x64xf32, #tpu.memory_space<vmem>>) offsets(%dma_start3A_233 : memref<104xi32, #tpu.memory_space<vmem>>) semaphore(%arg17 : memref<!tpu.dma_semaphore, #tpu.memory_space<semaphore_mem>>)
      } else {
      }
      %add3A_160 = arith.constant 1 : i32
      %add3A_161 = arith.addi %mul3A_82, %add3A_160 : i32
      %dma_wait3A_162 = arith.constant 0 : i32
      %dma_wait3A_163 = arith.constant 0 : i32
      %dma_wait3A_164 = arith.constant 0 : i32
      %dma_wait3A_165 = tpu.memref_slice %arg11[%dma_wait3A_163, %dma_wait3A_164] : memref<208x64xf32, #tpu.memory_space<vmem>> -> memref<104x64xf32, #tpu.memory_space<vmem>>
      %dma_wait3A_166 = arith.constant 0 : i32
      %dma_wait3A_167 = tpu.memref_slice %arg8[%add3A_161, %dma_wait3A_162, %dma_wait3A_166] : memref<128x2x104xi32, #tpu.memory_space<vmem>> -> memref<1x1x104xi32, #tpu.memory_space<vmem>>
      %dma_wait3A_168 = tpu.memref_squeeze %dma_wait3A_167 : memref<1x1x104xi32, #tpu.memory_space<vmem>> -> memref<104xi32, #tpu.memory_space<vmem>>
      %dma_wait3A_169 = arith.constant 0 : i32
      %dma_wait3A_170 = arith.constant 0 : i32
      %dma_wait3A_171 = tpu.memref_slice %arg5[%dma_wait3A_169, %dma_wait3A_170] : memref<100000x64xf32, #tpu.memory_space<hbm>> -> memref<100000x64xf32, #tpu.memory_space<hbm>>
      tpu.wait_indirect_dma semaphore(%arg18 : memref<!tpu.dma_semaphore, #tpu.memory_space<semaphore_mem>>) src(%dma_wait3A_171 : memref<100000x64xf32, #tpu.memory_space<hbm>>) dst(%dma_wait3A_165 : memref<104x64xf32, #tpu.memory_space<vmem>>)
      %dma_wait3A_172 = arith.constant 1 : i32
      %dma_wait3A_173 = arith.constant 104 : i32
      %dma_wait3A_174 = arith.constant 0 : i32
      %dma_wait3A_175 = tpu.memref_slice %arg11[%dma_wait3A_173, %dma_wait3A_174] : memref<208x64xf32, #tpu.memory_space<vmem>> -> memref<104x64xf32, #tpu.memory_space<vmem>>
      %dma_wait3A_176 = arith.constant 0 : i32
      %dma_wait3A_177 = tpu.memref_slice %arg8[%add3A_161, %dma_wait3A_172, %dma_wait3A_176] : memref<128x2x104xi32, #tpu.memory_space<vmem>> -> memref<1x1x104xi32, #tpu.memory_space<vmem>>
      %dma_wait3A_178 = tpu.memref_squeeze %dma_wait3A_177 : memref<1x1x104xi32, #tpu.memory_space<vmem>> -> memref<104xi32, #tpu.memory_space<vmem>>
      %dma_wait3A_179 = arith.constant 0 : i32
      %dma_wait3A_180 = arith.constant 0 : i32
      %dma_wait3A_181 = tpu.memref_slice %arg5[%dma_wait3A_179, %dma_wait3A_180] : memref<100000x64xf32, #tpu.memory_space<hbm>> -> memref<100000x64xf32, #tpu.memory_space<hbm>>
      tpu.wait_indirect_dma semaphore(%arg18 : memref<!tpu.dma_semaphore, #tpu.memory_space<semaphore_mem>>) src(%dma_wait3A_181 : memref<100000x64xf32, #tpu.memory_space<hbm>>) dst(%dma_wait3A_175 : memref<104x64xf32, #tpu.memory_space<vmem>>)
      %add3A_182 = arith.constant 1 : i32
      %add3A_183 = arith.addi %mul3A_82, %add3A_182 : i32
      %get3A_184 = arith.index_cast %add3A_183 : i32 to index
      %get3A_185 = arith.constant 0 : index
      %get3A_186 = tpu.vector_load %arg9[%get3A_184, %get3A_185] {strides = array<i32>} : memref<128x64xf32, #tpu.memory_space<vmem>>, vector<16xf32>,
      %bitcast3A_187 = vector.bitcast %get3A_186 : vector<16xf32> to vector<32xbf16>
      %get3A_188 = arith.index_cast %add3A_183 : i32 to index
      %get3A_189 = arith.constant 16 : index
      %get3A_190 = tpu.vector_load %arg9[%get3A_188, %get3A_189] {strides = array<i32>} : memref<128x64xf32, #tpu.memory_space<vmem>>, vector<16xf32>,
      %bitcast3A_191 = vector.bitcast %get3A_190 : vector<16xf32> to vector<32xbf16>
      %get3A_192 = arith.index_cast %add3A_183 : i32 to index
      %get3A_193 = arith.constant 32 : index
      %get3A_194 = tpu.vector_load %arg9[%get3A_192, %get3A_193] {strides = array<i32>} : memref<128x64xf32, #tpu.memory_space<vmem>>, vector<16xf32>,
      %bitcast3A_195 = vector.bitcast %get3A_194 : vector<16xf32> to vector<32xbf16>
      %get3A_196 = arith.index_cast %add3A_183 : i32 to index
      %get3A_197 = arith.constant 48 : index
      %get3A_198 = tpu.vector_load %arg9[%get3A_196, %get3A_197] {strides = array<i32>} : memref<128x64xf32, #tpu.memory_space<vmem>>, vector<16xf32>,
      %bitcast3A_199 = vector.bitcast %get3A_198 : vector<16xf32> to vector<32xbf16>
      %scan3A_200 = arith.constant 0 : i32
      %scan3A_201 = arith.constant 0 : i32
      %scan3A_202 = arith.constant 13 : i32
      %scan3A_203 = arith.addi %scan3A_201, %scan3A_202 : i32
      %scan3A_204 = arith.constant 1 : i32
      scf.for %scan3A_215 = %scan3A_201 to %scan3A_203 step %scan3A_204  : i32 {
        %mul3A_216 = arith.constant 16 : i32
        %mul3A_217 = arith.muli %scan3A_215, %mul3A_216 : i32
        %add3A_218 = arith.constant 0 : i32
        %add3A_219 = arith.addi %mul3A_217, %add3A_218 : i32
        %get3A_220 = arith.index_cast %add3A_219 : i32 to index
        %get3A_221 = arith.constant 0 : index
        %get3A_222 = tpu.vector_load %arg11[%get3A_220, %get3A_221] {strides = array<i32>} : memref<208x64xf32, #tpu.memory_space<vmem>>, vector<16xf32>,
        %bitcast3A_223 = vector.bitcast %get3A_222 : vector<16xf32> to vector<32xbf16>
        %sub3A_224 = arith.subf %bitcast3A_223, %bitcast3A_187 : vector<32xbf16>
        %abs3A = math.absf %sub3A_224 : vector<32xbf16>
        %get3A_225 = arith.index_cast %add3A_219 : i32 to index
        %get3A_226 = arith.constant 16 : index
        %get3A_227 = tpu.vector_load %arg11[%get3A_225, %get3A_226] {strides = array<i32>} : memref<208x64xf32, #tpu.memory_space<vmem>>, vector<16xf32>,
        %bitcast3A_228 = vector.bitcast %get3A_227 : vector<16xf32> to vector<32xbf16>
        %sub3A_229 = arith.subf %bitcast3A_228, %bitcast3A_191 : vector<32xbf16>
        %abs3A_230 = math.absf %sub3A_229 : vector<32xbf16>
        %add3A_231 = arith.addf %abs3A, %abs3A_230 : vector<32xbf16>
        %get3A_232 = arith.index_cast %add3A_219 : i32 to index
        %get3A_233 = arith.constant 32 : index
        %get3A_234 = tpu.vector_load %arg11[%get3A_232, %get3A_233] {strides = array<i32>} : memref<208x64xf32, #tpu.memory_space<vmem>>, vector<16xf32>,
        %bitcast3A_235 = vector.bitcast %get3A_234 : vector<16xf32> to vector<32xbf16>
        %sub3A_236 = arith.subf %bitcast3A_235, %bitcast3A_195 : vector<32xbf16>
        %abs3A_237 = math.absf %sub3A_236 : vector<32xbf16>
        %add3A_238 = arith.addf %add3A_231, %abs3A_237 : vector<32xbf16>
        %get3A_239 = arith.index_cast %add3A_219 : i32 to index
        %get3A_240 = arith.constant 48 : index
        %get3A_241 = tpu.vector_load %arg11[%get3A_239, %get3A_240] {strides = array<i32>} : memref<208x64xf32, #tpu.memory_space<vmem>>, vector<16xf32>,
        %bitcast3A_242 = vector.bitcast %get3A_241 : vector<16xf32> to vector<32xbf16>
        %sub3A_243 = arith.subf %bitcast3A_242, %bitcast3A_199 : vector<32xbf16>
        %abs3A_244 = math.absf %sub3A_243 : vector<32xbf16>
        %add3A_245 = arith.addf %add3A_238, %abs3A_244 : vector<32xbf16>
        %unpack3A = tpu.unpack_subelements %add3A_245, 0 {pack_format = #tpu.pack_format<interleaved>} : vector<32xbf16> -> vector<16xf32>
        %unpack3A_246 = tpu.unpack_subelements %add3A_245, 1 {pack_format = #tpu.pack_format<interleaved>} : vector<32xbf16> -> vector<16xf32>
        %add3A_247 = arith.addf %unpack3A, %unpack3A_246 : vector<16xf32>
        %swap3A = arith.constant 0 : index
        %swap3A_248 = tpu.vector_load %arg14[%swap3A] {strides = array<i32>} : memref<256xf32, #tpu.memory_space<vmem>>, vector<16xf32>,
        tpu.vector_store %arg14[%swap3A], %add3A_247 {strides = array<i32>} : memref<256xf32, #tpu.memory_space<vmem>>, vector<16xf32>,
        %mul3A_249 = arith.constant 16 : i32
        %mul3A_250 = arith.muli %scan3A_215, %mul3A_249 : i32
        %add3A_251 = arith.constant 1 : i32
        %add3A_252 = arith.addi %mul3A_250, %add3A_251 : i32
        %get3A_253 = arith.index_cast %add3A_252 : i32 to index
        %get3A_254 = arith.constant 0 : index
        %get3A_255 = tpu.vector_load %arg11[%get3A_253, %get3A_254] {strides = array<i32>} : memref<208x64xf32, #tpu.memory_space<vmem>>, vector<16xf32>,
        %bitcast3A_256 = vector.bitcast %get3A_255 : vector<16xf32> to vector<32xbf16>
        %sub3A_257 = arith.subf %bitcast3A_256, %bitcast3A_187 : vector<32xbf16>
        %abs3A_258 = math.absf %sub3A_257 : vector<32xbf16>
        %get3A_259 = arith.index_cast %add3A_252 : i32 to index
        %get3A_260 = arith.constant 16 : index
        %get3A_261 = tpu.vector_load %arg11[%get3A_259, %get3A_260] {strides = array<i32>} : memref<208x64xf32, #tpu.memory_space<vmem>>, vector<16xf32>,
        %bitcast3A_262 = vector.bitcast %get3A_261 : vector<16xf32> to vector<32xbf16>
        %sub3A_263 = arith.subf %bitcast3A_262, %bitcast3A_191 : vector<32xbf16>
        %abs3A_264 = math.absf %sub3A_263 : vector<32xbf16>
        %add3A_265 = arith.addf %abs3A_258, %abs3A_264 : vector<32xbf16>
        %get3A_266 = arith.index_cast %add3A_252 : i32 to index
        %get3A_267 = arith.constant 32 : index
        %get3A_268 = tpu.vector_load %arg11[%get3A_266, %get3A_267] {strides = array<i32>} : memref<208x64xf32, #tpu.memory_space<vmem>>, vector<16xf32>,
        %bitcast3A_269 = vector.bitcast %get3A_268 : vector<16xf32> to vector<32xbf16>
        %sub3A_270 = arith.subf %bitcast3A_269, %bitcast3A_195 : vector<32xbf16>
        %abs3A_271 = math.absf %sub3A_270 : vector<32xbf16>
        %add3A_272 = arith.addf %add3A_265, %abs3A_271 : vector<32xbf16>
        %get3A_273 = arith.index_cast %add3A_252 : i32 to index
        %get3A_274 = arith.constant 48 : index
        %get3A_275 = tpu.vector_load %arg11[%get3A_273, %get3A_274] {strides = array<i32>} : memref<208x64xf32, #tpu.memory_space<vmem>>, vector<16xf32>,
        %bitcast3A_276 = vector.bitcast %get3A_275 : vector<16xf32> to vector<32xbf16>
        %sub3A_277 = arith.subf %bitcast3A_276, %bitcast3A_199 : vector<32xbf16>
        %abs3A_278 = math.absf %sub3A_277 : vector<32xbf16>
        %add3A_279 = arith.addf %add3A_272, %abs3A_278 : vector<32xbf16>
        %unpack3A_280 = tpu.unpack_subelements %add3A_279, 0 {pack_format = #tpu.pack_format<interleaved>} : vector<32xbf16> -> vector<16xf32>
        %unpack3A_281 = tpu.unpack_subelements %add3A_279, 1 {pack_format = #tpu.pack_format<interleaved>} : vector<32xbf16> -> vector<16xf32>
        %add3A_282 = arith.addf %unpack3A_280, %unpack3A_281 : vector<16xf32>
        %swap3A_283 = arith.constant 16 : index
        %swap3A_284 = tpu.vector_load %arg14[%swap3A_283] {strides = array<i32>} : memref<256xf32, #tpu.memory_space<vmem>>, vector<16xf32>,
        tpu.vector_store %arg14[%swap3A_283], %add3A_282 {strides = array<i32>} : memref<256xf32, #tpu.memory_space<vmem>>, vector<16xf32>,
        %mul3A_285 = arith.constant 16 : i32
        %mul3A_286 = arith.muli %scan3A_215, %mul3A_285 : i32
        %add3A_287 = arith.constant 2 : i32
        %add3A_288 = arith.addi %mul3A_286, %add3A_287 : i32
        %get3A_289 = arith.index_cast %add3A_288 : i32 to index
        %get3A_290 = arith.constant 0 : index
        %get3A_291 = tpu.vector_load %arg11[%get3A_289, %get3A_290] {strides = array<i32>} : memref<208x64xf32, #tpu.memory_space<vmem>>, vector<16xf32>,
        %bitcast3A_292 = vector.bitcast %get3A_291 : vector<16xf32> to vector<32xbf16>
        %sub3A_293 = arith.subf %bitcast3A_292, %bitcast3A_187 : vector<32xbf16>
        %abs3A_294 = math.absf %sub3A_293 : vector<32xbf16>
        %get3A_295 = arith.index_cast %add3A_288 : i32 to index
        %get3A_296 = arith.constant 16 : index
        %get3A_297 = tpu.vector_load %arg11[%get3A_295, %get3A_296] {strides = array<i32>} : memref<208x64xf32, #tpu.memory_space<vmem>>, vector<16xf32>,
        %bitcast3A_298 = vector.bitcast %get3A_297 : vector<16xf32> to vector<32xbf16>
        %sub3A_299 = arith.subf %bitcast3A_298, %bitcast3A_191 : vector<32xbf16>
        %abs3A_300 = math.absf %sub3A_299 : vector<32xbf16>
        %add3A_301 = arith.addf %abs3A_294, %abs3A_300 : vector<32xbf16>
        %get3A_302 = arith.index_cast %add3A_288 : i32 to index
        %get3A_303 = arith.constant 32 : index
        %get3A_304 = tpu.vector_load %arg11[%get3A_302, %get3A_303] {strides = array<i32>} : memref<208x64xf32, #tpu.memory_space<vmem>>, vector<16xf32>,
        %bitcast3A_305 = vector.bitcast %get3A_304 : vector<16xf32> to vector<32xbf16>
        %sub3A_306 = arith.subf %bitcast3A_305, %bitcast3A_195 : vector<32xbf16>
        %abs3A_307 = math.absf %sub3A_306 : vector<32xbf16>
        %add3A_308 = arith.addf %add3A_301, %abs3A_307 : vector<32xbf16>
        %get3A_309 = arith.index_cast %add3A_288 : i32 to index
        %get3A_310 = arith.constant 48 : index
        %get3A_311 = tpu.vector_load %arg11[%get3A_309, %get3A_310] {strides = array<i32>} : memref<208x64xf32, #tpu.memory_space<vmem>>, vector<16xf32>,
        %bitcast3A_312 = vector.bitcast %get3A_311 : vector<16xf32> to vector<32xbf16>
        %sub3A_313 = arith.subf %bitcast3A_312, %bitcast3A_199 : vector<32xbf16>
        %abs3A_314 = math.absf %sub3A_313 : vector<32xbf16>
        %add3A_315 = arith.addf %add3A_308, %abs3A_314 : vector<32xbf16>
        %unpack3A_316 = tpu.unpack_subelements %add3A_315, 0 {pack_format = #tpu.pack_format<interleaved>} : vector<32xbf16> -> vector<16xf32>
        %unpack3A_317 = tpu.unpack_subelements %add3A_315, 1 {pack_format = #tpu.pack_format<interleaved>} : vector<32xbf16> -> vector<16xf32>
        %add3A_318 = arith.addf %unpack3A_316, %unpack3A_317 : vector<16xf32>
        %swap3A_319 = arith.constant 32 : index
        %swap3A_320 = tpu.vector_load %arg14[%swap3A_319] {strides = array<i32>} : memref<256xf32, #tpu.memory_space<vmem>>, vector<16xf32>,
        tpu.vector_store %arg14[%swap3A_319], %add3A_318 {strides = array<i32>} : memref<256xf32, #tpu.memory_space<vmem>>, vector<16xf32>,
        %mul3A_321 = arith.constant 16 : i32
        %mul3A_322 = arith.muli %scan3A_215, %mul3A_321 : i32
        %add3A_323 = arith.constant 3 : i32
        %add3A_324 = arith.addi %mul3A_322, %add3A_323 : i32
        %get3A_325 = arith.index_cast %add3A_324 : i32 to index
        %get3A_326 = arith.constant 0 : index
        %get3A_327 = tpu.vector_load %arg11[%get3A_325, %get3A_326] {strides = array<i32>} : memref<208x64xf32, #tpu.memory_space<vmem>>, vector<16xf32>,
        %bitcast3A_328 = vector.bitcast %get3A_327 : vector<16xf32> to vector<32xbf16>
        %sub3A_329 = arith.subf %bitcast3A_328, %bitcast3A_187 : vector<32xbf16>
        %abs3A_330 = math.absf %sub3A_329 : vector<32xbf16>
        %get3A_331 = arith.index_cast %add3A_324 : i32 to index
        %get3A_332 = arith.constant 16 : index
        %get3A_333 = tpu.vector_load %arg11[%get3A_331, %get3A_332] {strides = array<i32>} : memref<208x64xf32, #tpu.memory_space<vmem>>, vector<16xf32>,
        %bitcast3A_334 = vector.bitcast %get3A_333 : vector<16xf32> to vector<32xbf16>
        %sub3A_335 = arith.subf %bitcast3A_334, %bitcast3A_191 : vector<32xbf16>
        %abs3A_336 = math.absf %sub3A_335 : vector<32xbf16>
        %add3A_337 = arith.addf %abs3A_330, %abs3A_336 : vector<32xbf16>
        %get3A_338 = arith.index_cast %add3A_324 : i32 to index
        %get3A_339 = arith.constant 32 : index
        %get3A_340 = tpu.vector_load %arg11[%get3A_338, %get3A_339] {strides = array<i32>} : memref<208x64xf32, #tpu.memory_space<vmem>>, vector<16xf32>,
        %bitcast3A_341 = vector.bitcast %get3A_340 : vector<16xf32> to vector<32xbf16>
        %sub3A_342 = arith.subf %bitcast3A_341, %bitcast3A_195 : vector<32xbf16>
        %abs3A_343 = math.absf %sub3A_342 : vector<32xbf16>
        %add3A_344 = arith.addf %add3A_337, %abs3A_343 : vector<32xbf16>
        %get3A_345 = arith.index_cast %add3A_324 : i32 to index
        %get3A_346 = arith.constant 48 : index
        %get3A_347 = tpu.vector_load %arg11[%get3A_345, %get3A_346] {strides = array<i32>} : memref<208x64xf32, #tpu.memory_space<vmem>>, vector<16xf32>,
        %bitcast3A_348 = vector.bitcast %get3A_347 : vector<16xf32> to vector<32xbf16>
        %sub3A_349 = arith.subf %bitcast3A_348, %bitcast3A_199 : vector<32xbf16>
        %abs3A_350 = math.absf %sub3A_349 : vector<32xbf16>
        %add3A_351 = arith.addf %add3A_344, %abs3A_350 : vector<32xbf16>
        %unpack3A_352 = tpu.unpack_subelements %add3A_351, 0 {pack_format = #tpu.pack_format<interleaved>} : vector<32xbf16> -> vector<16xf32>
        %unpack3A_353 = tpu.unpack_subelements %add3A_351, 1 {pack_format = #tpu.pack_format<interleaved>} : vector<32xbf16> -> vector<16xf32>
        %add3A_354 = arith.addf %unpack3A_352, %unpack3A_353 : vector<16xf32>
        %swap3A_355 = arith.constant 48 : index
        %swap3A_356 = tpu.vector_load %arg14[%swap3A_355] {strides = array<i32>} : memref<256xf32, #tpu.memory_space<vmem>>, vector<16xf32>,
        tpu.vector_store %arg14[%swap3A_355], %add3A_354 {strides = array<i32>} : memref<256xf32, #tpu.memory_space<vmem>>, vector<16xf32>,
        %mul3A_357 = arith.constant 16 : i32
        %mul3A_358 = arith.muli %scan3A_215, %mul3A_357 : i32
        %add3A_359 = arith.constant 4 : i32
        %add3A_360 = arith.addi %mul3A_358, %add3A_359 : i32
        %get3A_361 = arith.index_cast %add3A_360 : i32 to index
        %get3A_362 = arith.constant 0 : index
        %get3A_363 = tpu.vector_load %arg11[%get3A_361, %get3A_362] {strides = array<i32>} : memref<208x64xf32, #tpu.memory_space<vmem>>, vector<16xf32>,
        %bitcast3A_364 = vector.bitcast %get3A_363 : vector<16xf32> to vector<32xbf16>
        %sub3A_365 = arith.subf %bitcast3A_364, %bitcast3A_187 : vector<32xbf16>
        %abs3A_366 = math.absf %sub3A_365 : vector<32xbf16>
        %get3A_367 = arith.index_cast %add3A_360 : i32 to index
        %get3A_368 = arith.constant 16 : index
        %get3A_369 = tpu.vector_load %arg11[%get3A_367, %get3A_368] {strides = array<i32>} : memref<208x64xf32, #tpu.memory_space<vmem>>, vector<16xf32>,
        %bitcast3A_370 = vector.bitcast %get3A_369 : vector<16xf32> to vector<32xbf16>
        %sub3A_371 = arith.subf %bitcast3A_370, %bitcast3A_191 : vector<32xbf16>
        %abs3A_372 = math.absf %sub3A_371 : vector<32xbf16>
        %add3A_373 = arith.addf %abs3A_366, %abs3A_372 : vector<32xbf16>
        %get3A_374 = arith.index_cast %add3A_360 : i32 to index
        %get3A_375 = arith.constant 32 : index
        %get3A_376 = tpu.vector_load %arg11[%get3A_374, %get3A_375] {strides = array<i32>} : memref<208x64xf32, #tpu.memory_space<vmem>>, vector<16xf32>,
        %bitcast3A_377 = vector.bitcast %get3A_376 : vector<16xf32> to vector<32xbf16>
        %sub3A_378 = arith.subf %bitcast3A_377, %bitcast3A_195 : vector<32xbf16>
        %abs3A_379 = math.absf %sub3A_378 : vector<32xbf16>
        %add3A_380 = arith.addf %add3A_373, %abs3A_379 : vector<32xbf16>
        %get3A_381 = arith.index_cast %add3A_360 : i32 to index
        %get3A_382 = arith.constant 48 : index
        %get3A_383 = tpu.vector_load %arg11[%get3A_381, %get3A_382] {strides = array<i32>} : memref<208x64xf32, #tpu.memory_space<vmem>>, vector<16xf32>,
        %bitcast3A_384 = vector.bitcast %get3A_383 : vector<16xf32> to vector<32xbf16>
        %sub3A_385 = arith.subf %bitcast3A_384, %bitcast3A_199 : vector<32xbf16>
        %abs3A_386 = math.absf %sub3A_385 : vector<32xbf16>
        %add3A_387 = arith.addf %add3A_380, %abs3A_386 : vector<32xbf16>
        %unpack3A_388 = tpu.unpack_subelements %add3A_387, 0 {pack_format = #tpu.pack_format<interleaved>} : vector<32xbf16> -> vector<16xf32>
        %unpack3A_389 = tpu.unpack_subelements %add3A_387, 1 {pack_format = #tpu.pack_format<interleaved>} : vector<32xbf16> -> vector<16xf32>
        %add3A_390 = arith.addf %unpack3A_388, %unpack3A_389 : vector<16xf32>
        %swap3A_391 = arith.constant 64 : index
        %swap3A_392 = tpu.vector_load %arg14[%swap3A_391] {strides = array<i32>} : memref<256xf32, #tpu.memory_space<vmem>>, vector<16xf32>,
        tpu.vector_store %arg14[%swap3A_391], %add3A_390 {strides = array<i32>} : memref<256xf32, #tpu.memory_space<vmem>>, vector<16xf32>,
        %mul3A_393 = arith.constant 16 : i32
        %mul3A_394 = arith.muli %scan3A_215, %mul3A_393 : i32
        %add3A_395 = arith.constant 5 : i32
        %add3A_396 = arith.addi %mul3A_394, %add3A_395 : i32
        %get3A_397 = arith.index_cast %add3A_396 : i32 to index
        %get3A_398 = arith.constant 0 : index
        %get3A_399 = tpu.vector_load %arg11[%get3A_397, %get3A_398] {strides = array<i32>} : memref<208x64xf32, #tpu.memory_space<vmem>>, vector<16xf32>,
        %bitcast3A_400 = vector.bitcast %get3A_399 : vector<16xf32> to vector<32xbf16>
        %sub3A_401 = arith.subf %bitcast3A_400, %bitcast3A_187 : vector<32xbf16>
        %abs3A_402 = math.absf %sub3A_401 : vector<32xbf16>
        %get3A_403 = arith.index_cast %add3A_396 : i32 to index
        %get3A_404 = arith.constant 16 : index
        %get3A_405 = tpu.vector_load %arg11[%get3A_403, %get3A_404] {strides = array<i32>} : memref<208x64xf32, #tpu.memory_space<vmem>>, vector<16xf32>,
        %bitcast3A_406 = vector.bitcast %get3A_405 : vector<16xf32> to vector<32xbf16>
        %sub3A_407 = arith.subf %bitcast3A_406, %bitcast3A_191 : vector<32xbf16>
        %abs3A_408 = math.absf %sub3A_407 : vector<32xbf16>
        %add3A_409 = arith.addf %abs3A_402, %abs3A_408 : vector<32xbf16>
        %get3A_410 = arith.index_cast %add3A_396 : i32 to index
        %get3A_411 = arith.constant 32 : index
        %get3A_412 = tpu.vector_load %arg11[%get3A_410, %get3A_411] {strides = array<i32>} : memref<208x64xf32, #tpu.memory_space<vmem>>, vector<16xf32>,
        %bitcast3A_413 = vector.bitcast %get3A_412 : vector<16xf32> to vector<32xbf16>
        %sub3A_414 = arith.subf %bitcast3A_413, %bitcast3A_195 : vector<32xbf16>
        %abs3A_415 = math.absf %sub3A_414 : vector<32xbf16>
        %add3A_416 = arith.addf %add3A_409, %abs3A_415 : vector<32xbf16>
        %get3A_417 = arith.index_cast %add3A_396 : i32 to index
        %get3A_418 = arith.constant 48 : index
        %get3A_419 = tpu.vector_load %arg11[%get3A_417, %get3A_418] {strides = array<i32>} : memref<208x64xf32, #tpu.memory_space<vmem>>, vector<16xf32>,
        %bitcast3A_420 = vector.bitcast %get3A_419 : vector<16xf32> to vector<32xbf16>
        %sub3A_421 = arith.subf %bitcast3A_420, %bitcast3A_199 : vector<32xbf16>
        %abs3A_422 = math.absf %sub3A_421 : vector<32xbf16>
        %add3A_423 = arith.addf %add3A_416, %abs3A_422 : vector<32xbf16>
        %unpack3A_424 = tpu.unpack_subelements %add3A_423, 0 {pack_format = #tpu.pack_format<interleaved>} : vector<32xbf16> -> vector<16xf32>
        %unpack3A_425 = tpu.unpack_subelements %add3A_423, 1 {pack_format = #tpu.pack_format<interleaved>} : vector<32xbf16> -> vector<16xf32>
        %add3A_426 = arith.addf %unpack3A_424, %unpack3A_425 : vector<16xf32>
        %swap3A_427 = arith.constant 80 : index
        %swap3A_428 = tpu.vector_load %arg14[%swap3A_427] {strides = array<i32>} : memref<256xf32, #tpu.memory_space<vmem>>, vector<16xf32>,
        tpu.vector_store %arg14[%swap3A_427], %add3A_426 {strides = array<i32>} : memref<256xf32, #tpu.memory_space<vmem>>, vector<16xf32>,
        %mul3A_429 = arith.constant 16 : i32
        %mul3A_430 = arith.muli %scan3A_215, %mul3A_429 : i32
        %add3A_431 = arith.constant 6 : i32
        %add3A_432 = arith.addi %mul3A_430, %add3A_431 : i32
        %get3A_433 = arith.index_cast %add3A_432 : i32 to index
        %get3A_434 = arith.constant 0 : index
        %get3A_435 = tpu.vector_load %arg11[%get3A_433, %get3A_434] {strides = array<i32>} : memref<208x64xf32, #tpu.memory_space<vmem>>, vector<16xf32>,
        %bitcast3A_436 = vector.bitcast %get3A_435 : vector<16xf32> to vector<32xbf16>
        %sub3A_437 = arith.subf %bitcast3A_436, %bitcast3A_187 : vector<32xbf16>
        %abs3A_438 = math.absf %sub3A_437 : vector<32xbf16>
        %get3A_439 = arith.index_cast %add3A_432 : i32 to index
        %get3A_440 = arith.constant 16 : index
        %get3A_441 = tpu.vector_load %arg11[%get3A_439, %get3A_440] {strides = array<i32>} : memref<208x64xf32, #tpu.memory_space<vmem>>, vector<16xf32>,
        %bitcast3A_442 = vector.bitcast %get3A_441 : vector<16xf32> to vector<32xbf16>
        %sub3A_443 = arith.subf %bitcast3A_442, %bitcast3A_191 : vector<32xbf16>
        %abs3A_444 = math.absf %sub3A_443 : vector<32xbf16>
        %add3A_445 = arith.addf %abs3A_438, %abs3A_444 : vector<32xbf16>
        %get3A_446 = arith.index_cast %add3A_432 : i32 to index
        %get3A_447 = arith.constant 32 : index
        %get3A_448 = tpu.vector_load %arg11[%get3A_446, %get3A_447] {strides = array<i32>} : memref<208x64xf32, #tpu.memory_space<vmem>>, vector<16xf32>,
        %bitcast3A_449 = vector.bitcast %get3A_448 : vector<16xf32> to vector<32xbf16>
        %sub3A_450 = arith.subf %bitcast3A_449, %bitcast3A_195 : vector<32xbf16>
        %abs3A_451 = math.absf %sub3A_450 : vector<32xbf16>
        %add3A_452 = arith.addf %add3A_445, %abs3A_451 : vector<32xbf16>
        %get3A_453 = arith.index_cast %add3A_432 : i32 to index
        %get3A_454 = arith.constant 48 : index
        %get3A_455 = tpu.vector_load %arg11[%get3A_453, %get3A_454] {strides = array<i32>} : memref<208x64xf32, #tpu.memory_space<vmem>>, vector<16xf32>,
        %bitcast3A_456 = vector.bitcast %get3A_455 : vector<16xf32> to vector<32xbf16>
        %sub3A_457 = arith.subf %bitcast3A_456, %bitcast3A_199 : vector<32xbf16>
        %abs3A_458 = math.absf %sub3A_457 : vector<32xbf16>
        %add3A_459 = arith.addf %add3A_452, %abs3A_458 : vector<32xbf16>
        %unpack3A_460 = tpu.unpack_subelements %add3A_459, 0 {pack_format = #tpu.pack_format<interleaved>} : vector<32xbf16> -> vector<16xf32>
        %unpack3A_461 = tpu.unpack_subelements %add3A_459, 1 {pack_format = #tpu.pack_format<interleaved>} : vector<32xbf16> -> vector<16xf32>
        %add3A_462 = arith.addf %unpack3A_460, %unpack3A_461 : vector<16xf32>
        %swap3A_463 = arith.constant 96 : index
        %swap3A_464 = tpu.vector_load %arg14[%swap3A_463] {strides = array<i32>} : memref<256xf32, #tpu.memory_space<vmem>>, vector<16xf32>,
        tpu.vector_store %arg14[%swap3A_463], %add3A_462 {strides = array<i32>} : memref<256xf32, #tpu.memory_space<vmem>>, vector<16xf32>,
        %mul3A_465 = arith.constant 16 : i32
        %mul3A_466 = arith.muli %scan3A_215, %mul3A_465 : i32
        %add3A_467 = arith.constant 7 : i32
        %add3A_468 = arith.addi %mul3A_466, %add3A_467 : i32
        %get3A_469 = arith.index_cast %add3A_468 : i32 to index
        %get3A_470 = arith.constant 0 : index
        %get3A_471 = tpu.vector_load %arg11[%get3A_469, %get3A_470] {strides = array<i32>} : memref<208x64xf32, #tpu.memory_space<vmem>>, vector<16xf32>,
        %bitcast3A_472 = vector.bitcast %get3A_471 : vector<16xf32> to vector<32xbf16>
        %sub3A_473 = arith.subf %bitcast3A_472, %bitcast3A_187 : vector<32xbf16>
        %abs3A_474 = math.absf %sub3A_473 : vector<32xbf16>
        %get3A_475 = arith.index_cast %add3A_468 : i32 to index
        %get3A_476 = arith.constant 16 : index
        %get3A_477 = tpu.vector_load %arg11[%get3A_475, %get3A_476] {strides = array<i32>} : memref<208x64xf32, #tpu.memory_space<vmem>>, vector<16xf32>,
        %bitcast3A_478 = vector.bitcast %get3A_477 : vector<16xf32> to vector<32xbf16>
        %sub3A_479 = arith.subf %bitcast3A_478, %bitcast3A_191 : vector<32xbf16>
        %abs3A_480 = math.absf %sub3A_479 : vector<32xbf16>
        %add3A_481 = arith.addf %abs3A_474, %abs3A_480 : vector<32xbf16>
        %get3A_482 = arith.index_cast %add3A_468 : i32 to index
        %get3A_483 = arith.constant 32 : index
        %get3A_484 = tpu.vector_load %arg11[%get3A_482, %get3A_483] {strides = array<i32>} : memref<208x64xf32, #tpu.memory_space<vmem>>, vector<16xf32>,
        %bitcast3A_485 = vector.bitcast %get3A_484 : vector<16xf32> to vector<32xbf16>
        %sub3A_486 = arith.subf %bitcast3A_485, %bitcast3A_195 : vector<32xbf16>
        %abs3A_487 = math.absf %sub3A_486 : vector<32xbf16>
        %add3A_488 = arith.addf %add3A_481, %abs3A_487 : vector<32xbf16>
        %get3A_489 = arith.index_cast %add3A_468 : i32 to index
        %get3A_490 = arith.constant 48 : index
        %get3A_491 = tpu.vector_load %arg11[%get3A_489, %get3A_490] {strides = array<i32>} : memref<208x64xf32, #tpu.memory_space<vmem>>, vector<16xf32>,
        %bitcast3A_492 = vector.bitcast %get3A_491 : vector<16xf32> to vector<32xbf16>
        %sub3A_493 = arith.subf %bitcast3A_492, %bitcast3A_199 : vector<32xbf16>
        %abs3A_494 = math.absf %sub3A_493 : vector<32xbf16>
        %add3A_495 = arith.addf %add3A_488, %abs3A_494 : vector<32xbf16>
        %unpack3A_496 = tpu.unpack_subelements %add3A_495, 0 {pack_format = #tpu.pack_format<interleaved>} : vector<32xbf16> -> vector<16xf32>
        %unpack3A_497 = tpu.unpack_subelements %add3A_495, 1 {pack_format = #tpu.pack_format<interleaved>} : vector<32xbf16> -> vector<16xf32>
        %add3A_498 = arith.addf %unpack3A_496, %unpack3A_497 : vector<16xf32>
        %swap3A_499 = arith.constant 112 : index
        %swap3A_500 = tpu.vector_load %arg14[%swap3A_499] {strides = array<i32>} : memref<256xf32, #tpu.memory_space<vmem>>, vector<16xf32>,
        tpu.vector_store %arg14[%swap3A_499], %add3A_498 {strides = array<i32>} : memref<256xf32, #tpu.memory_space<vmem>>, vector<16xf32>,
        %mul3A_501 = arith.constant 16 : i32
        %mul3A_502 = arith.muli %scan3A_215, %mul3A_501 : i32
        %add3A_503 = arith.constant 8 : i32
        %add3A_504 = arith.addi %mul3A_502, %add3A_503 : i32
        %get3A_505 = arith.index_cast %add3A_504 : i32 to index
        %get3A_506 = arith.constant 0 : index
        %get3A_507 = tpu.vector_load %arg11[%get3A_505, %get3A_506] {strides = array<i32>} : memref<208x64xf32, #tpu.memory_space<vmem>>, vector<16xf32>,
        %bitcast3A_508 = vector.bitcast %get3A_507 : vector<16xf32> to vector<32xbf16>
        %sub3A_509 = arith.subf %bitcast3A_508, %bitcast3A_187 : vector<32xbf16>
        %abs3A_510 = math.absf %sub3A_509 : vector<32xbf16>
        %get3A_511 = arith.index_cast %add3A_504 : i32 to index
        %get3A_512 = arith.constant 16 : index
        %get3A_513 = tpu.vector_load %arg11[%get3A_511, %get3A_512] {strides = array<i32>} : memref<208x64xf32, #tpu.memory_space<vmem>>, vector<16xf32>,
        %bitcast3A_514 = vector.bitcast %get3A_513 : vector<16xf32> to vector<32xbf16>
        %sub3A_515 = arith.subf %bitcast3A_514, %bitcast3A_191 : vector<32xbf16>
        %abs3A_516 = math.absf %sub3A_515 : vector<32xbf16>
        %add3A_517 = arith.addf %abs3A_510, %abs3A_516 : vector<32xbf16>
        %get3A_518 = arith.index_cast %add3A_504 : i32 to index
        %get3A_519 = arith.constant 32 : index
        %get3A_520 = tpu.vector_load %arg11[%get3A_518, %get3A_519] {strides = array<i32>} : memref<208x64xf32, #tpu.memory_space<vmem>>, vector<16xf32>,
        %bitcast3A_521 = vector.bitcast %get3A_520 : vector<16xf32> to vector<32xbf16>
        %sub3A_522 = arith.subf %bitcast3A_521, %bitcast3A_195 : vector<32xbf16>
        %abs3A_523 = math.absf %sub3A_522 : vector<32xbf16>
        %add3A_524 = arith.addf %add3A_517, %abs3A_523 : vector<32xbf16>
        %get3A_525 = arith.index_cast %add3A_504 : i32 to index
        %get3A_526 = arith.constant 48 : index
        %get3A_527 = tpu.vector_load %arg11[%get3A_525, %get3A_526] {strides = array<i32>} : memref<208x64xf32, #tpu.memory_space<vmem>>, vector<16xf32>,
        %bitcast3A_528 = vector.bitcast %get3A_527 : vector<16xf32> to vector<32xbf16>
        %sub3A_529 = arith.subf %bitcast3A_528, %bitcast3A_199 : vector<32xbf16>
        %abs3A_530 = math.absf %sub3A_529 : vector<32xbf16>
        %add3A_531 = arith.addf %add3A_524, %abs3A_530 : vector<32xbf16>
        %unpack3A_532 = tpu.unpack_subelements %add3A_531, 0 {pack_format = #tpu.pack_format<interleaved>} : vector<32xbf16> -> vector<16xf32>
        %unpack3A_533 = tpu.unpack_subelements %add3A_531, 1 {pack_format = #tpu.pack_format<interleaved>} : vector<32xbf16> -> vector<16xf32>
        %add3A_534 = arith.addf %unpack3A_532, %unpack3A_533 : vector<16xf32>
        %swap3A_535 = arith.constant 128 : index
        %swap3A_536 = tpu.vector_load %arg14[%swap3A_535] {strides = array<i32>} : memref<256xf32, #tpu.memory_space<vmem>>, vector<16xf32>,
        tpu.vector_store %arg14[%swap3A_535], %add3A_534 {strides = array<i32>} : memref<256xf32, #tpu.memory_space<vmem>>, vector<16xf32>,
        %mul3A_537 = arith.constant 16 : i32
        %mul3A_538 = arith.muli %scan3A_215, %mul3A_537 : i32
        %add3A_539 = arith.constant 9 : i32
        %add3A_540 = arith.addi %mul3A_538, %add3A_539 : i32
        %get3A_541 = arith.index_cast %add3A_540 : i32 to index
        %get3A_542 = arith.constant 0 : index
        %get3A_543 = tpu.vector_load %arg11[%get3A_541, %get3A_542] {strides = array<i32>} : memref<208x64xf32, #tpu.memory_space<vmem>>, vector<16xf32>,
        %bitcast3A_544 = vector.bitcast %get3A_543 : vector<16xf32> to vector<32xbf16>
        %sub3A_545 = arith.subf %bitcast3A_544, %bitcast3A_187 : vector<32xbf16>
        %abs3A_546 = math.absf %sub3A_545 : vector<32xbf16>
        %get3A_547 = arith.index_cast %add3A_540 : i32 to index
        %get3A_548 = arith.constant 16 : index
        %get3A_549 = tpu.vector_load %arg11[%get3A_547, %get3A_548] {strides = array<i32>} : memref<208x64xf32, #tpu.memory_space<vmem>>, vector<16xf32>,
        %bitcast3A_550 = vector.bitcast %get3A_549 : vector<16xf32> to vector<32xbf16>
        %sub3A_551 = arith.subf %bitcast3A_550, %bitcast3A_191 : vector<32xbf16>
        %abs3A_552 = math.absf %sub3A_551 : vector<32xbf16>
        %add3A_553 = arith.addf %abs3A_546, %abs3A_552 : vector<32xbf16>
        %get3A_554 = arith.index_cast %add3A_540 : i32 to index
        %get3A_555 = arith.constant 32 : index
        %get3A_556 = tpu.vector_load %arg11[%get3A_554, %get3A_555] {strides = array<i32>} : memref<208x64xf32, #tpu.memory_space<vmem>>, vector<16xf32>,
        %bitcast3A_557 = vector.bitcast %get3A_556 : vector<16xf32> to vector<32xbf16>
        %sub3A_558 = arith.subf %bitcast3A_557, %bitcast3A_195 : vector<32xbf16>
        %abs3A_559 = math.absf %sub3A_558 : vector<32xbf16>
        %add3A_560 = arith.addf %add3A_553, %abs3A_559 : vector<32xbf16>
        %get3A_561 = arith.index_cast %add3A_540 : i32 to index
        %get3A_562 = arith.constant 48 : index
        %get3A_563 = tpu.vector_load %arg11[%get3A_561, %get3A_562] {strides = array<i32>} : memref<208x64xf32, #tpu.memory_space<vmem>>, vector<16xf32>,
        %bitcast3A_564 = vector.bitcast %get3A_563 : vector<16xf32> to vector<32xbf16>
        %sub3A_565 = arith.subf %bitcast3A_564, %bitcast3A_199 : vector<32xbf16>
        %abs3A_566 = math.absf %sub3A_565 : vector<32xbf16>
        %add3A_567 = arith.addf %add3A_560, %abs3A_566 : vector<32xbf16>
        %unpack3A_568 = tpu.unpack_subelements %add3A_567, 0 {pack_format = #tpu.pack_format<interleaved>} : vector<32xbf16> -> vector<16xf32>
        %unpack3A_569 = tpu.unpack_subelements %add3A_567, 1 {pack_format = #tpu.pack_format<interleaved>} : vector<32xbf16> -> vector<16xf32>
        %add3A_570 = arith.addf %unpack3A_568, %unpack3A_569 : vector<16xf32>
        %swap3A_571 = arith.constant 144 : index
        %swap3A_572 = tpu.vector_load %arg14[%swap3A_571] {strides = array<i32>} : memref<256xf32, #tpu.memory_space<vmem>>, vector<16xf32>,
        tpu.vector_store %arg14[%swap3A_571], %add3A_570 {strides = array<i32>} : memref<256xf32, #tpu.memory_space<vmem>>, vector<16xf32>,
        %mul3A_573 = arith.constant 16 : i32
        %mul3A_574 = arith.muli %scan3A_215, %mul3A_573 : i32
        %add3A_575 = arith.constant 10 : i32
        %add3A_576 = arith.addi %mul3A_574, %add3A_575 : i32
        %get3A_577 = arith.index_cast %add3A_576 : i32 to index
        %get3A_578 = arith.constant 0 : index
        %get3A_579 = tpu.vector_load %arg11[%get3A_577, %get3A_578] {strides = array<i32>} : memref<208x64xf32, #tpu.memory_space<vmem>>, vector<16xf32>,
        %bitcast3A_580 = vector.bitcast %get3A_579 : vector<16xf32> to vector<32xbf16>
        %sub3A_581 = arith.subf %bitcast3A_580, %bitcast3A_187 : vector<32xbf16>
        %abs3A_582 = math.absf %sub3A_581 : vector<32xbf16>
        %get3A_583 = arith.index_cast %add3A_576 : i32 to index
        %get3A_584 = arith.constant 16 : index
        %get3A_585 = tpu.vector_load %arg11[%get3A_583, %get3A_584] {strides = array<i32>} : memref<208x64xf32, #tpu.memory_space<vmem>>, vector<16xf32>,
        %bitcast3A_586 = vector.bitcast %get3A_585 : vector<16xf32> to vector<32xbf16>
        %sub3A_587 = arith.subf %bitcast3A_586, %bitcast3A_191 : vector<32xbf16>
        %abs3A_588 = math.absf %sub3A_587 : vector<32xbf16>
        %add3A_589 = arith.addf %abs3A_582, %abs3A_588 : vector<32xbf16>
        %get3A_590 = arith.index_cast %add3A_576 : i32 to index
        %get3A_591 = arith.constant 32 : index
        %get3A_592 = tpu.vector_load %arg11[%get3A_590, %get3A_591] {strides = array<i32>} : memref<208x64xf32, #tpu.memory_space<vmem>>, vector<16xf32>,
        %bitcast3A_593 = vector.bitcast %get3A_592 : vector<16xf32> to vector<32xbf16>
        %sub3A_594 = arith.subf %bitcast3A_593, %bitcast3A_195 : vector<32xbf16>
        %abs3A_595 = math.absf %sub3A_594 : vector<32xbf16>
        %add3A_596 = arith.addf %add3A_589, %abs3A_595 : vector<32xbf16>
        %get3A_597 = arith.index_cast %add3A_576 : i32 to index
        %get3A_598 = arith.constant 48 : index
        %get3A_599 = tpu.vector_load %arg11[%get3A_597, %get3A_598] {strides = array<i32>} : memref<208x64xf32, #tpu.memory_space<vmem>>, vector<16xf32>,
        %bitcast3A_600 = vector.bitcast %get3A_599 : vector<16xf32> to vector<32xbf16>
        %sub3A_601 = arith.subf %bitcast3A_600, %bitcast3A_199 : vector<32xbf16>
        %abs3A_602 = math.absf %sub3A_601 : vector<32xbf16>
        %add3A_603 = arith.addf %add3A_596, %abs3A_602 : vector<32xbf16>
        %unpack3A_604 = tpu.unpack_subelements %add3A_603, 0 {pack_format = #tpu.pack_format<interleaved>} : vector<32xbf16> -> vector<16xf32>
        %unpack3A_605 = tpu.unpack_subelements %add3A_603, 1 {pack_format = #tpu.pack_format<interleaved>} : vector<32xbf16> -> vector<16xf32>
        %add3A_606 = arith.addf %unpack3A_604, %unpack3A_605 : vector<16xf32>
        %swap3A_607 = arith.constant 160 : index
        %swap3A_608 = tpu.vector_load %arg14[%swap3A_607] {strides = array<i32>} : memref<256xf32, #tpu.memory_space<vmem>>, vector<16xf32>,
        tpu.vector_store %arg14[%swap3A_607], %add3A_606 {strides = array<i32>} : memref<256xf32, #tpu.memory_space<vmem>>, vector<16xf32>,
        %mul3A_609 = arith.constant 16 : i32
        %mul3A_610 = arith.muli %scan3A_215, %mul3A_609 : i32
        %add3A_611 = arith.constant 11 : i32
        %add3A_612 = arith.addi %mul3A_610, %add3A_611 : i32
        %get3A_613 = arith.index_cast %add3A_612 : i32 to index
        %get3A_614 = arith.constant 0 : index
        %get3A_615 = tpu.vector_load %arg11[%get3A_613, %get3A_614] {strides = array<i32>} : memref<208x64xf32, #tpu.memory_space<vmem>>, vector<16xf32>,
        %bitcast3A_616 = vector.bitcast %get3A_615 : vector<16xf32> to vector<32xbf16>
        %sub3A_617 = arith.subf %bitcast3A_616, %bitcast3A_187 : vector<32xbf16>
        %abs3A_618 = math.absf %sub3A_617 : vector<32xbf16>
        %get3A_619 = arith.index_cast %add3A_612 : i32 to index
        %get3A_620 = arith.constant 16 : index
        %get3A_621 = tpu.vector_load %arg11[%get3A_619, %get3A_620] {strides = array<i32>} : memref<208x64xf32, #tpu.memory_space<vmem>>, vector<16xf32>,
        %bitcast3A_622 = vector.bitcast %get3A_621 : vector<16xf32> to vector<32xbf16>
        %sub3A_623 = arith.subf %bitcast3A_622, %bitcast3A_191 : vector<32xbf16>
        %abs3A_624 = math.absf %sub3A_623 : vector<32xbf16>
        %add3A_625 = arith.addf %abs3A_618, %abs3A_624 : vector<32xbf16>
        %get3A_626 = arith.index_cast %add3A_612 : i32 to index
        %get3A_627 = arith.constant 32 : index
        %get3A_628 = tpu.vector_load %arg11[%get3A_626, %get3A_627] {strides = array<i32>} : memref<208x64xf32, #tpu.memory_space<vmem>>, vector<16xf32>,
        %bitcast3A_629 = vector.bitcast %get3A_628 : vector<16xf32> to vector<32xbf16>
        %sub3A_630 = arith.subf %bitcast3A_629, %bitcast3A_195 : vector<32xbf16>
        %abs3A_631 = math.absf %sub3A_630 : vector<32xbf16>
        %add3A_632 = arith.addf %add3A_625, %abs3A_631 : vector<32xbf16>
        %get3A_633 = arith.index_cast %add3A_612 : i32 to index
        %get3A_634 = arith.constant 48 : index
        %get3A_635 = tpu.vector_load %arg11[%get3A_633, %get3A_634] {strides = array<i32>} : memref<208x64xf32, #tpu.memory_space<vmem>>, vector<16xf32>,
        %bitcast3A_636 = vector.bitcast %get3A_635 : vector<16xf32> to vector<32xbf16>
        %sub3A_637 = arith.subf %bitcast3A_636, %bitcast3A_199 : vector<32xbf16>
        %abs3A_638 = math.absf %sub3A_637 : vector<32xbf16>
        %add3A_639 = arith.addf %add3A_632, %abs3A_638 : vector<32xbf16>
        %unpack3A_640 = tpu.unpack_subelements %add3A_639, 0 {pack_format = #tpu.pack_format<interleaved>} : vector<32xbf16> -> vector<16xf32>
        %unpack3A_641 = tpu.unpack_subelements %add3A_639, 1 {pack_format = #tpu.pack_format<interleaved>} : vector<32xbf16> -> vector<16xf32>
        %add3A_642 = arith.addf %unpack3A_640, %unpack3A_641 : vector<16xf32>
        %swap3A_643 = arith.constant 176 : index
        %swap3A_644 = tpu.vector_load %arg14[%swap3A_643] {strides = array<i32>} : memref<256xf32, #tpu.memory_space<vmem>>, vector<16xf32>,
        tpu.vector_store %arg14[%swap3A_643], %add3A_642 {strides = array<i32>} : memref<256xf32, #tpu.memory_space<vmem>>, vector<16xf32>,
        %mul3A_645 = arith.constant 16 : i32
        %mul3A_646 = arith.muli %scan3A_215, %mul3A_645 : i32
        %add3A_647 = arith.constant 12 : i32
        %add3A_648 = arith.addi %mul3A_646, %add3A_647 : i32
        %get3A_649 = arith.index_cast %add3A_648 : i32 to index
        %get3A_650 = arith.constant 0 : index
        %get3A_651 = tpu.vector_load %arg11[%get3A_649, %get3A_650] {strides = array<i32>} : memref<208x64xf32, #tpu.memory_space<vmem>>, vector<16xf32>,
        %bitcast3A_652 = vector.bitcast %get3A_651 : vector<16xf32> to vector<32xbf16>
        %sub3A_653 = arith.subf %bitcast3A_652, %bitcast3A_187 : vector<32xbf16>
        %abs3A_654 = math.absf %sub3A_653 : vector<32xbf16>
        %get3A_655 = arith.index_cast %add3A_648 : i32 to index
        %get3A_656 = arith.constant 16 : index
        %get3A_657 = tpu.vector_load %arg11[%get3A_655, %get3A_656] {strides = array<i32>} : memref<208x64xf32, #tpu.memory_space<vmem>>, vector<16xf32>,
        %bitcast3A_658 = vector.bitcast %get3A_657 : vector<16xf32> to vector<32xbf16>
        %sub3A_659 = arith.subf %bitcast3A_658, %bitcast3A_191 : vector<32xbf16>
        %abs3A_660 = math.absf %sub3A_659 : vector<32xbf16>
        %add3A_661 = arith.addf %abs3A_654, %abs3A_660 : vector<32xbf16>
        %get3A_662 = arith.index_cast %add3A_648 : i32 to index
        %get3A_663 = arith.constant 32 : index
        %get3A_664 = tpu.vector_load %arg11[%get3A_662, %get3A_663] {strides = array<i32>} : memref<208x64xf32, #tpu.memory_space<vmem>>, vector<16xf32>,
        %bitcast3A_665 = vector.bitcast %get3A_664 : vector<16xf32> to vector<32xbf16>
        %sub3A_666 = arith.subf %bitcast3A_665, %bitcast3A_195 : vector<32xbf16>
        %abs3A_667 = math.absf %sub3A_666 : vector<32xbf16>
        %add3A_668 = arith.addf %add3A_661, %abs3A_667 : vector<32xbf16>
        %get3A_669 = arith.index_cast %add3A_648 : i32 to index
        %get3A_670 = arith.constant 48 : index
        %get3A_671 = tpu.vector_load %arg11[%get3A_669, %get3A_670] {strides = array<i32>} : memref<208x64xf32, #tpu.memory_space<vmem>>, vector<16xf32>,
        %bitcast3A_672 = vector.bitcast %get3A_671 : vector<16xf32> to vector<32xbf16>
        %sub3A_673 = arith.subf %bitcast3A_672, %bitcast3A_199 : vector<32xbf16>
        %abs3A_674 = math.absf %sub3A_673 : vector<32xbf16>
        %add3A_675 = arith.addf %add3A_668, %abs3A_674 : vector<32xbf16>
        %unpack3A_676 = tpu.unpack_subelements %add3A_675, 0 {pack_format = #tpu.pack_format<interleaved>} : vector<32xbf16> -> vector<16xf32>
        %unpack3A_677 = tpu.unpack_subelements %add3A_675, 1 {pack_format = #tpu.pack_format<interleaved>} : vector<32xbf16> -> vector<16xf32>
        %add3A_678 = arith.addf %unpack3A_676, %unpack3A_677 : vector<16xf32>
        %swap3A_679 = arith.constant 192 : index
        %swap3A_680 = tpu.vector_load %arg14[%swap3A_679] {strides = array<i32>} : memref<256xf32, #tpu.memory_space<vmem>>, vector<16xf32>,
        tpu.vector_store %arg14[%swap3A_679], %add3A_678 {strides = array<i32>} : memref<256xf32, #tpu.memory_space<vmem>>, vector<16xf32>,
        %mul3A_681 = arith.constant 16 : i32
        %mul3A_682 = arith.muli %scan3A_215, %mul3A_681 : i32
        %add3A_683 = arith.constant 13 : i32
        %add3A_684 = arith.addi %mul3A_682, %add3A_683 : i32
        %get3A_685 = arith.index_cast %add3A_684 : i32 to index
        %get3A_686 = arith.constant 0 : index
        %get3A_687 = tpu.vector_load %arg11[%get3A_685, %get3A_686] {strides = array<i32>} : memref<208x64xf32, #tpu.memory_space<vmem>>, vector<16xf32>,
        %bitcast3A_688 = vector.bitcast %get3A_687 : vector<16xf32> to vector<32xbf16>
        %sub3A_689 = arith.subf %bitcast3A_688, %bitcast3A_187 : vector<32xbf16>
        %abs3A_690 = math.absf %sub3A_689 : vector<32xbf16>
        %get3A_691 = arith.index_cast %add3A_684 : i32 to index
        %get3A_692 = arith.constant 16 : index
        %get3A_693 = tpu.vector_load %arg11[%get3A_691, %get3A_692] {strides = array<i32>} : memref<208x64xf32, #tpu.memory_space<vmem>>, vector<16xf32>,
        %bitcast3A_694 = vector.bitcast %get3A_693 : vector<16xf32> to vector<32xbf16>
        %sub3A_695 = arith.subf %bitcast3A_694, %bitcast3A_191 : vector<32xbf16>
        %abs3A_696 = math.absf %sub3A_695 : vector<32xbf16>
        %add3A_697 = arith.addf %abs3A_690, %abs3A_696 : vector<32xbf16>
        %get3A_698 = arith.index_cast %add3A_684 : i32 to index
        %get3A_699 = arith.constant 32 : index
        %get3A_700 = tpu.vector_load %arg11[%get3A_698, %get3A_699] {strides = array<i32>} : memref<208x64xf32, #tpu.memory_space<vmem>>, vector<16xf32>,
        %bitcast3A_701 = vector.bitcast %get3A_700 : vector<16xf32> to vector<32xbf16>
        %sub3A_702 = arith.subf %bitcast3A_701, %bitcast3A_195 : vector<32xbf16>
        %abs3A_703 = math.absf %sub3A_702 : vector<32xbf16>
        %add3A_704 = arith.addf %add3A_697, %abs3A_703 : vector<32xbf16>
        %get3A_705 = arith.index_cast %add3A_684 : i32 to index
        %get3A_706 = arith.constant 48 : index
        %get3A_707 = tpu.vector_load %arg11[%get3A_705, %get3A_706] {strides = array<i32>} : memref<208x64xf32, #tpu.memory_space<vmem>>, vector<16xf32>,
        %bitcast3A_708 = vector.bitcast %get3A_707 : vector<16xf32> to vector<32xbf16>
        %sub3A_709 = arith.subf %bitcast3A_708, %bitcast3A_199 : vector<32xbf16>
        %abs3A_710 = math.absf %sub3A_709 : vector<32xbf16>
        %add3A_711 = arith.addf %add3A_704, %abs3A_710 : vector<32xbf16>
        %unpack3A_712 = tpu.unpack_subelements %add3A_711, 0 {pack_format = #tpu.pack_format<interleaved>} : vector<32xbf16> -> vector<16xf32>
        %unpack3A_713 = tpu.unpack_subelements %add3A_711, 1 {pack_format = #tpu.pack_format<interleaved>} : vector<32xbf16> -> vector<16xf32>
        %add3A_714 = arith.addf %unpack3A_712, %unpack3A_713 : vector<16xf32>
        %swap3A_715 = arith.constant 208 : index
        %swap3A_716 = tpu.vector_load %arg14[%swap3A_715] {strides = array<i32>} : memref<256xf32, #tpu.memory_space<vmem>>, vector<16xf32>,
        tpu.vector_store %arg14[%swap3A_715], %add3A_714 {strides = array<i32>} : memref<256xf32, #tpu.memory_space<vmem>>, vector<16xf32>,
        %mul3A_717 = arith.constant 16 : i32
        %mul3A_718 = arith.muli %scan3A_215, %mul3A_717 : i32
        %add3A_719 = arith.constant 14 : i32
        %add3A_720 = arith.addi %mul3A_718, %add3A_719 : i32
        %get3A_721 = arith.index_cast %add3A_720 : i32 to index
        %get3A_722 = arith.constant 0 : index
        %get3A_723 = tpu.vector_load %arg11[%get3A_721, %get3A_722] {strides = array<i32>} : memref<208x64xf32, #tpu.memory_space<vmem>>, vector<16xf32>,
        %bitcast3A_724 = vector.bitcast %get3A_723 : vector<16xf32> to vector<32xbf16>
        %sub3A_725 = arith.subf %bitcast3A_724, %bitcast3A_187 : vector<32xbf16>
        %abs3A_726 = math.absf %sub3A_725 : vector<32xbf16>
        %get3A_727 = arith.index_cast %add3A_720 : i32 to index
        %get3A_728 = arith.constant 16 : index
        %get3A_729 = tpu.vector_load %arg11[%get3A_727, %get3A_728] {strides = array<i32>} : memref<208x64xf32, #tpu.memory_space<vmem>>, vector<16xf32>,
        %bitcast3A_730 = vector.bitcast %get3A_729 : vector<16xf32> to vector<32xbf16>
        %sub3A_731 = arith.subf %bitcast3A_730, %bitcast3A_191 : vector<32xbf16>
        %abs3A_732 = math.absf %sub3A_731 : vector<32xbf16>
        %add3A_733 = arith.addf %abs3A_726, %abs3A_732 : vector<32xbf16>
        %get3A_734 = arith.index_cast %add3A_720 : i32 to index
        %get3A_735 = arith.constant 32 : index
        %get3A_736 = tpu.vector_load %arg11[%get3A_734, %get3A_735] {strides = array<i32>} : memref<208x64xf32, #tpu.memory_space<vmem>>, vector<16xf32>,
        %bitcast3A_737 = vector.bitcast %get3A_736 : vector<16xf32> to vector<32xbf16>
        %sub3A_738 = arith.subf %bitcast3A_737, %bitcast3A_195 : vector<32xbf16>
        %abs3A_739 = math.absf %sub3A_738 : vector<32xbf16>
        %add3A_740 = arith.addf %add3A_733, %abs3A_739 : vector<32xbf16>
        %get3A_741 = arith.index_cast %add3A_720 : i32 to index
        %get3A_742 = arith.constant 48 : index
        %get3A_743 = tpu.vector_load %arg11[%get3A_741, %get3A_742] {strides = array<i32>} : memref<208x64xf32, #tpu.memory_space<vmem>>, vector<16xf32>,
        %bitcast3A_744 = vector.bitcast %get3A_743 : vector<16xf32> to vector<32xbf16>
        %sub3A_745 = arith.subf %bitcast3A_744, %bitcast3A_199 : vector<32xbf16>
        %abs3A_746 = math.absf %sub3A_745 : vector<32xbf16>
        %add3A_747 = arith.addf %add3A_740, %abs3A_746 : vector<32xbf16>
        %unpack3A_748 = tpu.unpack_subelements %add3A_747, 0 {pack_format = #tpu.pack_format<interleaved>} : vector<32xbf16> -> vector<16xf32>
        %unpack3A_749 = tpu.unpack_subelements %add3A_747, 1 {pack_format = #tpu.pack_format<interleaved>} : vector<32xbf16> -> vector<16xf32>
        %add3A_750 = arith.addf %unpack3A_748, %unpack3A_749 : vector<16xf32>
        %swap3A_751 = arith.constant 224 : index
        %swap3A_752 = tpu.vector_load %arg14[%swap3A_751] {strides = array<i32>} : memref<256xf32, #tpu.memory_space<vmem>>, vector<16xf32>,
        tpu.vector_store %arg14[%swap3A_751], %add3A_750 {strides = array<i32>} : memref<256xf32, #tpu.memory_space<vmem>>, vector<16xf32>,
        %mul3A_753 = arith.constant 16 : i32
        %mul3A_754 = arith.muli %scan3A_215, %mul3A_753 : i32
        %add3A_755 = arith.constant 15 : i32
        %add3A_756 = arith.addi %mul3A_754, %add3A_755 : i32
        %get3A_757 = arith.index_cast %add3A_756 : i32 to index
        %get3A_758 = arith.constant 0 : index
        %get3A_759 = tpu.vector_load %arg11[%get3A_757, %get3A_758] {strides = array<i32>} : memref<208x64xf32, #tpu.memory_space<vmem>>, vector<16xf32>,
        %bitcast3A_760 = vector.bitcast %get3A_759 : vector<16xf32> to vector<32xbf16>
        %sub3A_761 = arith.subf %bitcast3A_760, %bitcast3A_187 : vector<32xbf16>
        %abs3A_762 = math.absf %sub3A_761 : vector<32xbf16>
        %get3A_763 = arith.index_cast %add3A_756 : i32 to index
        %get3A_764 = arith.constant 16 : index
        %get3A_765 = tpu.vector_load %arg11[%get3A_763, %get3A_764] {strides = array<i32>} : memref<208x64xf32, #tpu.memory_space<vmem>>, vector<16xf32>,
        %bitcast3A_766 = vector.bitcast %get3A_765 : vector<16xf32> to vector<32xbf16>
        %sub3A_767 = arith.subf %bitcast3A_766, %bitcast3A_191 : vector<32xbf16>
        %abs3A_768 = math.absf %sub3A_767 : vector<32xbf16>
        %add3A_769 = arith.addf %abs3A_762, %abs3A_768 : vector<32xbf16>
        %get3A_770 = arith.index_cast %add3A_756 : i32 to index
        %get3A_771 = arith.constant 32 : index
        %get3A_772 = tpu.vector_load %arg11[%get3A_770, %get3A_771] {strides = array<i32>} : memref<208x64xf32, #tpu.memory_space<vmem>>, vector<16xf32>,
        %bitcast3A_773 = vector.bitcast %get3A_772 : vector<16xf32> to vector<32xbf16>
        %sub3A_774 = arith.subf %bitcast3A_773, %bitcast3A_195 : vector<32xbf16>
        %abs3A_775 = math.absf %sub3A_774 : vector<32xbf16>
        %add3A_776 = arith.addf %add3A_769, %abs3A_775 : vector<32xbf16>
        %get3A_777 = arith.index_cast %add3A_756 : i32 to index
        %get3A_778 = arith.constant 48 : index
        %get3A_779 = tpu.vector_load %arg11[%get3A_777, %get3A_778] {strides = array<i32>} : memref<208x64xf32, #tpu.memory_space<vmem>>, vector<16xf32>,
        %bitcast3A_780 = vector.bitcast %get3A_779 : vector<16xf32> to vector<32xbf16>
        %sub3A_781 = arith.subf %bitcast3A_780, %bitcast3A_199 : vector<32xbf16>
        %abs3A_782 = math.absf %sub3A_781 : vector<32xbf16>
        %add3A_783 = arith.addf %add3A_776, %abs3A_782 : vector<32xbf16>
        %unpack3A_784 = tpu.unpack_subelements %add3A_783, 0 {pack_format = #tpu.pack_format<interleaved>} : vector<32xbf16> -> vector<16xf32>
        %unpack3A_785 = tpu.unpack_subelements %add3A_783, 1 {pack_format = #tpu.pack_format<interleaved>} : vector<32xbf16> -> vector<16xf32>
        %add3A_786 = arith.addf %unpack3A_784, %unpack3A_785 : vector<16xf32>
        %swap3A_787 = arith.constant 240 : index
        %swap3A_788 = tpu.vector_load %arg14[%swap3A_787] {strides = array<i32>} : memref<256xf32, #tpu.memory_space<vmem>>, vector<16xf32>,
        tpu.vector_store %arg14[%swap3A_787], %add3A_786 {strides = array<i32>} : memref<256xf32, #tpu.memory_space<vmem>>, vector<16xf32>,
        %gather3A = tpu.vector_load_idx %arg14[%mul3A_32] : memref<256xf32, #tpu.memory_space<vmem>>[vector<16xi32>], vector<16xf32>,
        %add3A_789 = arith.constant 1 : i32
        %add3A_790 = vector.broadcast %add3A_789 : i32 to vector<16xi32>
        %add3A_791 = arith.addi %mul3A_32, %add3A_790 : vector<16xi32>
        %gather3A_792 = tpu.vector_load_idx %arg14[%add3A_791] : memref<256xf32, #tpu.memory_space<vmem>>[vector<16xi32>], vector<16xf32>,
        %add3A_793 = arith.addf %gather3A, %gather3A_792 : vector<16xf32>
        %add3A_794 = arith.constant 2 : i32
        %add3A_795 = vector.broadcast %add3A_794 : i32 to vector<16xi32>
        %add3A_796 = arith.addi %mul3A_32, %add3A_795 : vector<16xi32>
        %gather3A_797 = tpu.vector_load_idx %arg14[%add3A_796] : memref<256xf32, #tpu.memory_space<vmem>>[vector<16xi32>], vector<16xf32>,
        %add3A_798 = arith.addf %add3A_793, %gather3A_797 : vector<16xf32>
        %add3A_799 = arith.constant 3 : i32
        %add3A_800 = vector.broadcast %add3A_799 : i32 to vector<16xi32>
        %add3A_801 = arith.addi %mul3A_32, %add3A_800 : vector<16xi32>
        %gather3A_802 = tpu.vector_load_idx %arg14[%add3A_801] : memref<256xf32, #tpu.memory_space<vmem>>[vector<16xi32>], vector<16xf32>,
        %add3A_803 = arith.addf %add3A_798, %gather3A_802 : vector<16xf32>
        %add3A_804 = arith.constant 4 : i32
        %add3A_805 = vector.broadcast %add3A_804 : i32 to vector<16xi32>
        %add3A_806 = arith.addi %mul3A_32, %add3A_805 : vector<16xi32>
        %gather3A_807 = tpu.vector_load_idx %arg14[%add3A_806] : memref<256xf32, #tpu.memory_space<vmem>>[vector<16xi32>], vector<16xf32>,
        %add3A_808 = arith.addf %add3A_803, %gather3A_807 : vector<16xf32>
        %add3A_809 = arith.constant 5 : i32
        %add3A_810 = vector.broadcast %add3A_809 : i32 to vector<16xi32>
        %add3A_811 = arith.addi %mul3A_32, %add3A_810 : vector<16xi32>
        %gather3A_812 = tpu.vector_load_idx %arg14[%add3A_811] : memref<256xf32, #tpu.memory_space<vmem>>[vector<16xi32>], vector<16xf32>,
        %add3A_813 = arith.addf %add3A_808, %gather3A_812 : vector<16xf32>
        %add3A_814 = arith.constant 6 : i32
        %add3A_815 = vector.broadcast %add3A_814 : i32 to vector<16xi32>
        %add3A_816 = arith.addi %mul3A_32, %add3A_815 : vector<16xi32>
        %gather3A_817 = tpu.vector_load_idx %arg14[%add3A_816] : memref<256xf32, #tpu.memory_space<vmem>>[vector<16xi32>], vector<16xf32>,
        %add3A_818 = arith.addf %add3A_813, %gather3A_817 : vector<16xf32>
        %add3A_819 = arith.constant 7 : i32
        %add3A_820 = vector.broadcast %add3A_819 : i32 to vector<16xi32>
        %add3A_821 = arith.addi %mul3A_32, %add3A_820 : vector<16xi32>
        %gather3A_822 = tpu.vector_load_idx %arg14[%add3A_821] : memref<256xf32, #tpu.memory_space<vmem>>[vector<16xi32>], vector<16xf32>,
        %add3A_823 = arith.addf %add3A_818, %gather3A_822 : vector<16xf32>
        %add3A_824 = arith.constant 8 : i32
        %add3A_825 = vector.broadcast %add3A_824 : i32 to vector<16xi32>
        %add3A_826 = arith.addi %mul3A_32, %add3A_825 : vector<16xi32>
        %gather3A_827 = tpu.vector_load_idx %arg14[%add3A_826] : memref<256xf32, #tpu.memory_space<vmem>>[vector<16xi32>], vector<16xf32>,
        %add3A_828 = arith.addf %add3A_823, %gather3A_827 : vector<16xf32>
        %add3A_829 = arith.constant 9 : i32
        %add3A_830 = vector.broadcast %add3A_829 : i32 to vector<16xi32>
        %add3A_831 = arith.addi %mul3A_32, %add3A_830 : vector<16xi32>
        %gather3A_832 = tpu.vector_load_idx %arg14[%add3A_831] : memref<256xf32, #tpu.memory_space<vmem>>[vector<16xi32>], vector<16xf32>,
        %add3A_833 = arith.addf %add3A_828, %gather3A_832 : vector<16xf32>
        %add3A_834 = arith.constant 10 : i32
        %add3A_835 = vector.broadcast %add3A_834 : i32 to vector<16xi32>
        %add3A_836 = arith.addi %mul3A_32, %add3A_835 : vector<16xi32>
        %gather3A_837 = tpu.vector_load_idx %arg14[%add3A_836] : memref<256xf32, #tpu.memory_space<vmem>>[vector<16xi32>], vector<16xf32>,
        %add3A_838 = arith.addf %add3A_833, %gather3A_837 : vector<16xf32>
        %add3A_839 = arith.constant 11 : i32
        %add3A_840 = vector.broadcast %add3A_839 : i32 to vector<16xi32>
        %add3A_841 = arith.addi %mul3A_32, %add3A_840 : vector<16xi32>
        %gather3A_842 = tpu.vector_load_idx %arg14[%add3A_841] : memref<256xf32, #tpu.memory_space<vmem>>[vector<16xi32>], vector<16xf32>,
        %add3A_843 = arith.addf %add3A_838, %gather3A_842 : vector<16xf32>
        %add3A_844 = arith.constant 12 : i32
        %add3A_845 = vector.broadcast %add3A_844 : i32 to vector<16xi32>
        %add3A_846 = arith.addi %mul3A_32, %add3A_845 : vector<16xi32>
        %gather3A_847 = tpu.vector_load_idx %arg14[%add3A_846] : memref<256xf32, #tpu.memory_space<vmem>>[vector<16xi32>], vector<16xf32>,
        %add3A_848 = arith.addf %add3A_843, %gather3A_847 : vector<16xf32>
        %add3A_849 = arith.constant 13 : i32
        %add3A_850 = vector.broadcast %add3A_849 : i32 to vector<16xi32>
        %add3A_851 = arith.addi %mul3A_32, %add3A_850 : vector<16xi32>
        %gather3A_852 = tpu.vector_load_idx %arg14[%add3A_851] : memref<256xf32, #tpu.memory_space<vmem>>[vector<16xi32>], vector<16xf32>,
        %add3A_853 = arith.addf %add3A_848, %gather3A_852 : vector<16xf32>
        %add3A_854 = arith.constant 14 : i32
        %add3A_855 = vector.broadcast %add3A_854 : i32 to vector<16xi32>
        %add3A_856 = arith.addi %mul3A_32, %add3A_855 : vector<16xi32>
        %gather3A_857 = tpu.vector_load_idx %arg14[%add3A_856] : memref<256xf32, #tpu.memory_space<vmem>>[vector<16xi32>], vector<16xf32>,
        %add3A_858 = arith.addf %add3A_853, %gather3A_857 : vector<16xf32>
        %add3A_859 = arith.constant 15 : i32
        %add3A_860 = vector.broadcast %add3A_859 : i32 to vector<16xi32>
        %add3A_861 = arith.addi %mul3A_32, %add3A_860 : vector<16xi32>
        %gather3A_862 = tpu.vector_load_idx %arg14[%add3A_861] : memref<256xf32, #tpu.memory_space<vmem>>[vector<16xi32>], vector<16xf32>,
        %add3A_863 = arith.addf %add3A_858, %gather3A_862 : vector<16xf32>
        %sub3A_864 = arith.constant 1.200000e+01 : f32
        %sub3A_865 = vector.broadcast %sub3A_864 : f32 to vector<16xf32>
        %sub3A_866 = arith.subf %sub3A_865, %add3A_863 : vector<16xf32>
        %mul3A_867 = arith.constant 16 : i32
        %mul3A_868 = arith.muli %scan3A_215, %mul3A_867 : i32
        %swap3A_869 = arith.index_cast %mul3A_868 : i32 to index
        %swap3A_870 = tpu.vector_load %arg13[%swap3A_869] {strides = array<i32>} : memref<208xf32, #tpu.memory_space<vmem>>, vector<16xf32>,
        tpu.vector_store %arg13[%swap3A_869], %sub3A_866 {strides = array<i32>} : memref<208xf32, #tpu.memory_space<vmem>>, vector<16xf32>,
      }
      %scan3A_205 = arith.constant 13 : i32
      %add3A_206 = arith.addi %mul3A_2, %mul3A_82 : i32
      %add3A_207 = arith.constant 1 : i32
      %add3A_208 = arith.addi %add3A_206, %add3A_207 : i32
      %dma_start3A_209 = arith.constant 0 : i32
      %dma_start3A_210 = tpu.memref_slice %arg7[%add3A_208, %dma_start3A_209] : memref<4096x208xf32, #tpu.memory_space<hbm>> -> memref<1x208xf32, #tpu.memory_space<hbm>>
      %dma_start3A_211 = tpu.memref_squeeze %dma_start3A_210 : memref<1x208xf32, #tpu.memory_space<hbm>> -> memref<208xf32, #tpu.memory_space<hbm>>
      %dma_start3A_212 = arith.constant 0 : i32
      %dma_start3A_213 = tpu.memref_slice %arg7[%add3A_208, %dma_start3A_212] : memref<4096x208xf32, #tpu.memory_space<hbm>> -> memref<1x208xf32, #tpu.memory_space<hbm>>
      %dma_start3A_214 = tpu.memref_squeeze %dma_start3A_213 : memref<1x208xf32, #tpu.memory_space<hbm>> -> memref<208xf32, #tpu.memory_space<hbm>>
      tpu.enqueue_dma source(%arg13 : memref<208xf32, #tpu.memory_space<vmem>>) target(%dma_start3A_214 : memref<208xf32, #tpu.memory_space<hbm>>) target_semaphore(%arg19 : memref<!tpu.dma_semaphore, #tpu.memory_space<semaphore_mem>>)
    }
    %scan3A_60 = arith.constant 64 : i32
    %add3A_61 = arith.constant 128 : i32
    %add3A_62 = arith.addi %mul3A_2, %add3A_61 : i32
    %sub3A = arith.constant 2 : i32
    %sub3A_63 = arith.subi %add3A_62, %sub3A : i32
    %dma_wait3A_64 = arith.constant 0 : i32
    %dma_wait3A_65 = tpu.memref_slice %arg7[%sub3A_63, %dma_wait3A_64] : memref<4096x208xf32, #tpu.memory_space<hbm>> -> memref<1x208xf32, #tpu.memory_space<hbm>>
    %dma_wait3A_66 = tpu.memref_squeeze %dma_wait3A_65 : memref<1x208xf32, #tpu.memory_space<hbm>> -> memref<208xf32, #tpu.memory_space<hbm>>
    %dma_wait3A_67 = arith.constant 0 : i32
    %dma_wait3A_68 = tpu.memref_slice %arg7[%sub3A_63, %dma_wait3A_67] : memref<4096x208xf32, #tpu.memory_space<hbm>> -> memref<1x208xf32, #tpu.memory_space<hbm>>
    %dma_wait3A_69 = tpu.memref_squeeze %dma_wait3A_68 : memref<1x208xf32, #tpu.memory_space<hbm>> -> memref<208xf32, #tpu.memory_space<hbm>>
    tpu.wait_dma2 semaphore(%arg19 : memref<!tpu.dma_semaphore, #tpu.memory_space<semaphore_mem>>) src(%arg12 : memref<208xf32, #tpu.memory_space<vmem>>) dst(%dma_wait3A_69 : memref<208xf32, #tpu.memory_space<hbm>>)
    %add3A_70 = arith.constant 128 : i32
    %add3A_71 = arith.addi %mul3A_2, %add3A_70 : i32
    %sub3A_72 = arith.constant 1 : i32
    %sub3A_73 = arith.subi %add3A_71, %sub3A_72 : i32
    %dma_wait3A_74 = arith.constant 0 : i32
    %dma_wait3A_75 = tpu.memref_slice %arg7[%sub3A_73, %dma_wait3A_74] : memref<4096x208xf32, #tpu.memory_space<hbm>> -> memref<1x208xf32, #tpu.memory_space<hbm>>
    %dma_wait3A_76 = tpu.memref_squeeze %dma_wait3A_75 : memref<1x208xf32, #tpu.memory_space<hbm>> -> memref<208xf32, #tpu.memory_space<hbm>>
    %dma_wait3A_77 = arith.constant 0 : i32
    %dma_wait3A_78 = tpu.memref_slice %arg7[%sub3A_73, %dma_wait3A_77] : memref<4096x208xf32, #tpu.memory_space<hbm>> -> memref<1x208xf32, #tpu.memory_space<hbm>>
    %dma_wait3A_79 = tpu.memref_squeeze %dma_wait3A_78 : memref<1x208xf32, #tpu.memory_space<hbm>> -> memref<208xf32, #tpu.memory_space<hbm>>
    tpu.wait_dma2 semaphore(%arg19 : memref<!tpu.dma_semaphore, #tpu.memory_space<semaphore_mem>>) src(%arg13 : memref<208xf32, #tpu.memory_space<vmem>>) dst(%dma_wait3A_79 : memref<208xf32, #tpu.memory_space<hbm>>)
    return
  }
}

module attributes {stable_mosaic.version = 14 : i64} {
  func.func @_combine_body(%arg0: i32, %arg1: memref<2000x128xf32, #tpu.memory_space<vmem>>, %arg2: memref<2000x128xf32, #tpu.memory_space<vmem>>, %arg3: memref<2000x64xf32, #tpu.memory_space<vmem>>) attributes {dimension_semantics = [#tpu.dimension_semantics<arbitrary>], iteration_bounds = array<i64: 50>, scalar_prefetch = 0 : i64, scratch_operands = 0 : i64, tpu.core_type = #tpu.core_type<tc>, window_params = [{transform_indices = @transform_0, window_bounds = array<i64: 2000, 128>}, {transform_indices = @transform_1, window_bounds = array<i64: 2000, 128>}, {transform_indices = @transform_2, window_bounds = array<i64: 2000, 64>}]} {
    %get3A = arith.constant 0 : index
    %get3A_0 = arith.constant 0 : index
    %get3A_1 = vector.load %arg1[%get3A, %get3A_0] : memref<2000x128xf32, #tpu.memory_space<vmem>>, vector<2000x128xf32>
    %get3A_2 = arith.constant 0 : index
    %get3A_3 = arith.constant 0 : index
    %get3A_4 = vector.load %arg2[%get3A_2, %get3A_3] : memref<2000x128xf32, #tpu.memory_space<vmem>>, vector<2000x128xf32>
    %add3A = arith.addf %get3A_1, %get3A_4 : vector<2000x128xf32>
    %bitcast_convert_type3A = tpu.bitcast %add3A : vector<2000x128xf32> -> vector<2000x128xi32>
    %slice3A = vector.extract_strided_slice %bitcast_convert_type3A {offsets = [0, 0], sizes = [2000, 64], strides = [1, 1]} : vector<2000x128xi32> to vector<2000x64xi32>
    %add3A_5 = arith.constant 32768 : i32
    %add3A_6 = vector.broadcast %add3A_5 : i32 to vector<2000x64xi32>
    %add3A_7 = arith.addi %slice3A, %add3A_6 : vector<2000x64xi32>
    %shift_right_logical3A = arith.constant 16 : i32
    %shift_right_logical3A_8 = vector.broadcast %shift_right_logical3A : i32 to vector<2000x64xi32>
    %shift_right_logical3A_9 = arith.shrui %add3A_7, %shift_right_logical3A_8 : vector<2000x64xi32>
    %slice3A_10 = vector.extract_strided_slice %bitcast_convert_type3A {offsets = [0, 64], sizes = [2000, 64], strides = [1, 1]} : vector<2000x128xi32> to vector<2000x64xi32>
    %add3A_11 = arith.constant 32768 : i32
    %add3A_12 = vector.broadcast %add3A_11 : i32 to vector<2000x64xi32>
    %add3A_13 = arith.addi %slice3A_10, %add3A_12 : vector<2000x64xi32>
    %and3A = arith.constant -65536 : i32
    %and3A_14 = vector.broadcast %and3A : i32 to vector<2000x64xi32>
    %and3A_15 = arith.andi %add3A_13, %and3A_14 : vector<2000x64xi32>
    %or3A = arith.ori %and3A_15, %shift_right_logical3A_9 : vector<2000x64xi32>
    %bitcast_convert_type3A_16 = tpu.bitcast %or3A : vector<2000x64xi32> -> vector<2000x64xf32>
    %swap3A = arith.constant 0 : index
    %swap3A_17 = arith.constant 0 : index
    %swap3A_18 = vector.load %arg3[%swap3A, %swap3A_17] : memref<2000x64xf32, #tpu.memory_space<vmem>>, vector<2000x64xf32>
    tpu.vector_store %arg3[%swap3A, %swap3A_17], %bitcast_convert_type3A_16 {strides = array<i32>} : memref<2000x64xf32, #tpu.memory_space<vmem>>, vector<2000x64xf32>,
    return
  }
  func.func @transform_0(%arg0: i32) -> (i32, i32) {
    %c0_i32 = arith.constant 0 : i32
    %c0_i32_0 = arith.constant 0 : i32
    return %arg0, %c0_i32 : i32, i32
  }
  func.func @transform_1(%arg0: i32) -> (i32, i32) {
    %c0_i32 = arith.constant 0 : i32
    %c0_i32_0 = arith.constant 0 : i32
    return %arg0, %c0_i32 : i32, i32
  }
  func.func @transform_2(%arg0: i32) -> (i32, i32) {
    %c0_i32 = arith.constant 0 : i32
    %c0_i32_0 = arith.constant 0 : i32
    return %arg0, %c0_i32 : i32, i32
  }
}

module attributes {stable_mosaic.version = 14 : i64} {
  func.func @_cast_body(%arg0: i32, %arg1: memref<1000x128xf32, #tpu.memory_space<vmem>>, %arg2: memref<1000x64xf32, #tpu.memory_space<vmem>>) attributes {dimension_semantics = [#tpu.dimension_semantics<arbitrary>], iteration_bounds = array<i64: 1>, scalar_prefetch = 0 : i64, scratch_operands = 0 : i64, tpu.core_type = #tpu.core_type<tc>, window_params = [{pipeline_mode = #tpu.pipeline_mode<synchronous>, transform_indices = @transform_0, window_bounds = array<i64: 1000, 128>}, {pipeline_mode = #tpu.pipeline_mode<synchronous>, transform_indices = @transform_1, window_bounds = array<i64: 1000, 64>}]} {
    %get3A = arith.constant 0 : index
    %get3A_0 = arith.constant 0 : index
    %get3A_1 = vector.load %arg1[%get3A, %get3A_0] : memref<1000x128xf32, #tpu.memory_space<vmem>>, vector<1000x128xf32>
    %bitcast_convert_type3A = tpu.bitcast %get3A_1 : vector<1000x128xf32> -> vector<1000x128xi32>
    %slice3A = vector.extract_strided_slice %bitcast_convert_type3A {offsets = [0, 0], sizes = [1000, 64], strides = [1, 1]} : vector<1000x128xi32> to vector<1000x64xi32>
    %add3A = arith.constant 32768 : i32
    %add3A_2 = vector.broadcast %add3A : i32 to vector<1000x64xi32>
    %add3A_3 = arith.addi %slice3A, %add3A_2 : vector<1000x64xi32>
    %shift_right_logical3A = arith.constant 16 : i32
    %shift_right_logical3A_4 = vector.broadcast %shift_right_logical3A : i32 to vector<1000x64xi32>
    %shift_right_logical3A_5 = arith.shrui %add3A_3, %shift_right_logical3A_4 : vector<1000x64xi32>
    %slice3A_6 = vector.extract_strided_slice %bitcast_convert_type3A {offsets = [0, 64], sizes = [1000, 64], strides = [1, 1]} : vector<1000x128xi32> to vector<1000x64xi32>
    %add3A_7 = arith.constant 32768 : i32
    %add3A_8 = vector.broadcast %add3A_7 : i32 to vector<1000x64xi32>
    %add3A_9 = arith.addi %slice3A_6, %add3A_8 : vector<1000x64xi32>
    %and3A = arith.constant -65536 : i32
    %and3A_10 = vector.broadcast %and3A : i32 to vector<1000x64xi32>
    %and3A_11 = arith.andi %add3A_9, %and3A_10 : vector<1000x64xi32>
    %or3A = arith.ori %and3A_11, %shift_right_logical3A_5 : vector<1000x64xi32>
    %bitcast_convert_type3A_12 = tpu.bitcast %or3A : vector<1000x64xi32> -> vector<1000x64xf32>
    %swap3A = arith.constant 0 : index
    %swap3A_13 = arith.constant 0 : index
    %swap3A_14 = vector.load %arg2[%swap3A, %swap3A_13] : memref<1000x64xf32, #tpu.memory_space<vmem>>, vector<1000x64xf32>
    tpu.vector_store %arg2[%swap3A, %swap3A_13], %bitcast_convert_type3A_12 {strides = array<i32>} : memref<1000x64xf32, #tpu.memory_space<vmem>>, vector<1000x64xf32>,
    return
  }
  func.func @transform_0(%arg0: i32) -> (i32, i32) {
    %c0_i32 = arith.constant 0 : i32
    %c0_i32_0 = arith.constant 0 : i32
    %c0_i32_1 = arith.constant 0 : i32
    return %c0_i32, %c0_i32_0 : i32, i32
  }
  func.func @transform_1(%arg0: i32) -> (i32, i32) {
    %c0_i32 = arith.constant 0 : i32
    %c0_i32_0 = arith.constant 0 : i32
    %c0_i32_1 = arith.constant 0 : i32
    return %c0_i32, %c0_i32_0 : i32, i32
  }
}

</mosaic_0001>

<sc_bundles>
// kernel: kernel.5.cloned.1.call-start
scs
__scs_entry_jumppad:
0x0: {  	(pc) =	sbr.rel $0x88, $3  }
0x1: {  	(tag) =	ssettag $0x0;
	lr =	simm.s32 $0x1  }
0x2: {  	[smem:$0x3F9C] =	sst lr;
	_ =	strace $0xD0000000  }
0x3: {  	_ = 	snop  }
0x4: {  	_ = 	snop  }
0x5: {  	_ = 	snop  }
0x6: {  	_ = 	snop  }
0x7: {  	_ = 	snop  }
__scs_overlays_trampoline_lowered:
0x8: {  	[smem:$0x3FAB] =	sst s0  }
0x9: {  	[smem:$0x3FAC] =	sst s1  }
0xa: {  	[smem:$0x3FAD] =	sst s2  }
0xb: {  	[smem:$0x3FAE] =	sst s3  }
0xc: {  	[smem:$0x3FAF] =	sst s4  }
0xd: {  	[smem:$0x3FB0] =	sst s5  }
0xe: {  	[smem:$0x3FB1] =	sst s6  }
0xf: {  	[smem:$0x3FB2] =	sst s7  }
0x10: {  	[smem:$0x3FB3] =	sst s8  }
0x11: {  	[smem:$0x3FB4] =	sst s9;
	s0 =	simm.s32 @!p0 $0x0  }
0x12: {  	s1 =	sld [smem:$0x3F9A];
	s0 =	simm.s32 @p0 $0x1  }
0x13: {  	[smem:$0x3FB5] =	sst s0;
	s0 =	simm.s32 @!p1 $0x0  }
0x14: {  	s2 =	sld [smem:$0x3F99];
	s0 =	simm.s32 @p1 $0x1  }
0x15: {  	[smem:$0x3FB6] =	sst s0;
	s0 =	simm.s32 @!p2 $0x0  }
0x16: {  	s3 =	sld [smem:$0x3FDB];
	s0 =	simm.s32 @p2 $0x1  }
0x17: {  	s4 =	simm.s32 $0x1BF5;
	[smem:$0x3FB8] =	sst s0  }
0x18: {  	s0 =	sld [smem:$0x3F9B];
	_ =	swait.ge [sflag:s4], $0x0  }
0x19: {  	s7 =	sld [smem:$0x3F9C]  }
0x1a: {  	s8 =	sadd.s32 $0xFFFFE003, lr  }
0x1b: {  	s9 =	sadd.s32 $0xFFFFFEF7, lr;
	s5 =	simm.s32 $0xFFFFFFFF;
	p2 =	slt.u32 s8, $0xFFFFF086  }
0x1c: {  	p1 =	slt.u32 s9, $0xF7A;
	s5 =	simm.s32 @!p2 $0x0  }
0x1d: {  	s5 =	simm.s32 @p1 $0x1;
	p0 =	seq.s32 s7, s2  }
0x1e: {  	s7 =	smul.u32 @!p0 $0xF7A, s2;
	p2 =	seq.s32 @!p0 s5, $0x0  }
0x1f: {  	s9 =	smul.u32 $0xF7A, s1;
	s8 =	simm.s32 @!p0 $0x1BF5;
	p2 =	por !p2, p0  }
0x20: {  	[sflag:s8] =	ssyncset.s32 @!p0 $0xFFFFF086;
	s6 =	sadd.s32 @!p0 s3, s7;
	s7 =	simm.s32 @!p0 $0x108  }
0x21: {  	s3 =	sadd.s32 s3, s9;
	s6 =	sadd.s32 @!p0 $0x88, s6;
	s7 =	simm.s32 @p2 $0x1082  }
0x22: {  	[simem:s7], [sflag:s8] =	dma.local @!p0 [hbm:s6], $0xF7A  }
0x23: {  	s9 =	sor.u32 $0xD0000000, s2;
	s6 =	simm.s32 $0x108;
	_ =	swait.ge @!p0 [sflag:s8], $0x0  }
0x24: {  	s3 =	sadd.s32 $0x88, s3;
	s6 =	simm.s32 @!p1 $0x1082;
	[sflag:s4] =	ssyncset.s32 $0xFFFFF086  }
0x25: {  	[simem:s6], [sflag:s4] =	dma.local [hbm:s3], $0xF7A  }
0x26: {  	[smem:$0x3F9C] =	sst s1;
	(tag) =	ssettag s2;
	_ =	strace s9  }
0x27: {  	s1 =	sld [smem:$0x3FAC]  }
0x28: {  	s2 =	sld [smem:$0x3FAD]  }
0x29: {  	s4 =	sld [smem:$0x3FAF]  }
0x2a: {  	p0 =	seq.s32 s5, $0x0;
	s5 =	sld [smem:$0x3FB0]  }
0x2b: {  	s6 =	sld [smem:$0x3FB1]  }
0x2c: {  	s7 =	sld [smem:$0x3FB2]  }
0x2d: {  	s3 =	simm.s32 $0x108;
	s8 =	sld [smem:$0x3FB3]  }
0x2e: {  	s3 =	simm.s32 @!p0 $0x1082;
	s9 =	sld [smem:$0x3FB4]  }
0x2f: {  	lr =	sadd.s32 s0, s3;
	s0 =	sld [smem:$0x3FAB]  }
0x30: {  	s3 =	sld [smem:$0x3FAE]  }
0x31: {  	[smem:$0x3FB7] =	sst s10  }
0x32: {  	s10 =	sld [smem:$0x3FB5];
	_ =	sdelay $0x3  }
0x33: {  	p0 =	seq.s32 s10, $0x1;
	s10 =	sld [smem:$0x3FB7];
	_ =	sdelay $0x3  }
0x34: {  	[smem:$0x3FB7] =	sst s10  }
0x35: {  	s10 =	sld [smem:$0x3FB6];
	_ =	sdelay $0x3  }
0x36: {  	p1 =	seq.s32 s10, $0x1;
	s10 =	sld [smem:$0x3FB7];
	_ =	sdelay $0x3  }
0x37: {  	[smem:$0x3FB7] =	sst s10  }
0x38: {  	s10 =	sld [smem:$0x3FB8]  }
0x39: {  	_ = 	snop;
	(pc) =	sbr.ind lr, $3  }
0x3a: {  	_ = 	snop  }
0x3b: {  	_ = 	snop  }
0x3c: {  	p2 =	seq.s32 s10, $0x1;
	s10 =	sld [smem:$0x3FB7]  }
0x3d: {  	_ =	shalt  }
0x3e: {  	_ =	shalt  }
0x3f: {  	_ =	shalt  }
0x40: {  	_ =	shalt  }
0x41: {  	_ =	shalt  }
0x42: {  	_ =	shalt  }
0x43: {  	_ =	shalt  }
0x44: {  	_ =	shalt  }
0x45: {  	_ =	shalt  }
0x46: {  	_ =	shalt  }
0x47: {  	_ =	shalt  }
0x48: {  	_ =	shalt  }
0x49: {  	_ =	shalt  }
0x4a: {  	_ =	shalt  }
0x4b: {  	_ =	shalt  }
0x4c: {  	_ =	shalt  }
0x4d: {  	_ =	shalt  }
0x4e: {  	_ =	shalt  }
0x4f: {  	_ =	shalt  }
0x50: {  	_ =	shalt  }
0x51: {  	_ =	shalt  }
0x52: {  	_ =	shalt  }
0x53: {  	_ =	shalt  }
0x54: {  	_ =	shalt  }
0x55: {  	_ =	shalt  }
0x56: {  	_ =	shalt  }
0x57: {  	_ =	shalt  }
0x58: {  	_ =	shalt  }
0x59: {  	_ =	shalt  }
0x5a: {  	_ =	shalt  }
0x5b: {  	_ =	shalt  }
0x5c: {  	_ =	shalt  }
0x5d: {  	_ =	shalt  }
0x5e: {  	_ =	shalt  }
0x5f: {  	_ =	shalt  }
0x60: {  	_ =	shalt  }
0x61: {  	_ =	shalt  }
0x62: {  	_ =	shalt  }
0x63: {  	_ =	shalt  }
0x64: {  	_ =	shalt  }
0x65: {  	_ =	shalt  }
0x66: {  	_ =	shalt  }
0x67: {  	_ =	shalt  }
0x68: {  	_ =	shalt  }
0x69: {  	_ =	shalt  }
0x6a: {  	_ =	shalt  }
0x6b: {  	_ =	shalt  }
0x6c: {  	_ =	shalt  }
0x6d: {  	_ =	shalt  }
0x6e: {  	_ =	shalt  }
0x6f: {  	_ =	shalt  }
0x70: {  	_ =	shalt  }
0x71: {  	_ =	shalt  }
0x72: {  	_ =	shalt  }
0x73: {  	_ =	shalt  }
0x74: {  	_ =	shalt  }
0x75: {  	_ =	shalt  }
0x76: {  	_ =	shalt  }
0x77: {  	_ =	shalt  }
0x78: {  	_ =	shalt  }
0x79: {  	_ =	shalt  }
0x7a: {  	_ =	shalt  }
0x7b: {  	_ =	shalt  }
0x7c: {  	_ =	shalt  }
0x7d: {  	_ =	shalt  }
0x7e: {  	_ =	shalt  }
0x7f: {  	_ =	shalt  }
0x80: {  	_ =	shalt  }
0x81: {  	_ =	shalt  }
0x82: {  	_ =	shalt  }
0x83: {  	_ =	shalt  }
0x84: {  	_ =	shalt  }
0x85: {  	_ =	shalt  }
0x86: {  	_ =	shalt  }
0x87: {  	_ =	shalt  }
.Lfunc_end0:
.L_simem_size_0:
called_computation_lowered:
.L_overlay_start_0:
0x88: {  	s2 =	sld [smem:$0x3FD9]  }
0x89: {  	s3 =	sld [smem:$0x3FFE];
	_ =	sdelay $0x1  }
0x8a: {  	s1 =	srdreg.scid  }
0x8b: {  	s0 =	sand.u32 $0x1, s1  }
0x8c: {  	s17 =	sshll.u32 s0, $0xA;
	s2 =	sadd.s32 s3, s2  }
0x8d: {  	s2 =	sadd.s32 s2, s17  }
0x8e: {  	[smem:$0x3FC3] =	sst s2  }
0x8f: {  	_ = 	snop  }
0x90: {  	s2 =	sld [smem:$0x3FD0];
	(tm) =	ssettm $0x1  }
0x91: {  	s18 =	sld [smem:$0x3FFB];
	_ =	sdelay $0x3  }
0x92: {  	_ =	strace s18  }
0x93: {  	s3 =	sld [smem:$0x3FFC];
	_ =	sdelay $0x3  }
0x94: {  	_ =	strace s3  }
0x95: {  	s3 =	sld [smem:$0x3FFD];
	_ =	sdelay $0x3  }
0x96: {  	_ =	strace s3  }
0x97: {  	_ =	strace $0x8FFFFFFF  }
0x98: {  	s19 =	sld [smem:$0x3FDB];
	_ =	sdelay $0x1  }
0x99: {  	s4 =	simm.s32 $_scs_section_size  }
0x9a: {  	s5 =	simm.s32 $_size__tile_overlayer_lowered;
	s6 =	simm.s32 $_tile_overlayer_lowered  }
0x9b: {  	s22 =	simm.s32 $0x1BFF;
	s21 =	sshll.u32 s6, $0x1;
	s3 =	sadd.s32 s4, s19  }
0x9c: {  	s7 =	simm.s32 $0x0;
	s20 =	sshll.u32 s5, $0x1;
	s5 =	sadd.s32 s21, s3  }
0x9d: {  	[timem:s7], [sflag:s22] =	dma.local [hbm:s5], s20  }
0x9e: {  	_ =	swait.ge [sflag:s22], s20  }
0x9f: {  	s4 =	ssub.s32 $0x0, s20;
	[sflag:s22] =	ssyncset.done $0x0  }
0xa0: {  	[sflag:s22] =	ssyncadd.s32 s4;
	_ =	sdelay $0x1  }
0xa1: {  	s23 =	simm.s32 $0x1B8B  }
0xa2: {  	_ =	swait.ge [sflag:s23], $0x1  }
0xa3: {  	[sflag:s23] =	ssyncset.done $0x0  }
0xa4: {  	s25 =	simm.s32 $0x1B8E;
	s24 =	sld [smem:$0x3FFE];
	[sflag:s23] =	ssyncadd.s32 $0xFFFFFFFF  }
0xa5: {  	s26 =	simm.s32 $execute0_lowered;
	[smem:$0x3FD2] =	sst s25  }
0xa6: {  	s5 =	sshll.u32 s26, $0x1;
	_ =	strace $0x80000046;
	[dreg:$0x1] =	wrdreg $0xFFFFFFFF  }
0xa7: {  	s28 =	simm.s32 $_size_execute0_lowered;
	s3 =	sadd.s32 s3, s5;
	[dreg:$0x0] =	wrdreg $0x0  }
0xa8: {  	s5 =	sshll.u32 s28, $0x1;
	[dreg:$0x2] =	wrdreg s3  }
0xa9: {  	[dreg:$0x3] =	wrdreg s5  }
0xaa: {  	[dreg:$0x4] =	wrdreg $0xC0  }
0xab: {  	_ =	task [dreg:s7], $0x5FFFF  }
0xac: {  	[dreg:$0x1] =	wrdreg $0xFFFFFFFF  }
0xad: {  	[dreg:$0x0] =	wrdreg $0x60  }
0xae: {  	[dreg:$0x2] =	wrdreg s24  }
0xaf: {  	[dreg:$0x3] =	wrdreg s2  }
0xb0: {  	[dreg:$0x4] =	wrdreg $0x9  }
0xb1: {  	_ =	task.clear_ibuf [dreg:s7], $0x5FFFF;
	_ =	strace $0x90000046  }
0xb2: {  	s29 =	simm.s32 $0x9;
	_ =	strace $0x80000048  }
0xb3: {  	_ =	swait.ge [sflag:s29], $0x1  }
0xb4: {  	[sflag:s29] =	ssyncadd.s32 $0xFFFFFFFF  }
0xb5: {  	_ =	strace $0x90000048  }
0xb6: {  	_ =	sfence  }
0xb7: {  	s30 =	sld [smem:$0x0];
	_ =	sdelay $0x2  }
0xb8: {  	s31 =	sshll.u32 s1, $0xD;
	s1 =	sshrl.u32 s1, $0x2  }
0xb9: {  	s3 =	sand.u32 $0x4000, s31;
	s1 =	sadd.s32 s1, s30  }
0xba: {  	s0 =	sor.u32 s3, s0;
	s1 =	sshll.u32 s1, $0x11  }
0xbb: {  	s0 =	sor.u32 s1, s0  }
0xbc: {  	s0 =	sadd.s32 $0x8F2B, s0  }
0xbd: {  	[sflag:s0] =	ssyncadd.remote.s32 $0x1  }
0xbe: {  	_ =	sfence.sel $0xFFFF  }
0xbf: {  	[dreg:$0x0] =	wrdreg $0xFFFFFFFF;
	(pc) =	sbr.abs _section_cstart, $3  }
0xc0: {  	[dreg:$0x1] =	wrdreg $0xFFFFFFFF  }
0xc1: {  	_ =	task.clear_ibuf [dreg:s7], $0x2FFFF;
	_ =	strace $0x9FFFFFFF  }
0xc2: {  	(tm) =	ssettm $0x7FFFFFFF  }
0xc3: {  	_ =	shalt  }
tec
execute0_lowered:
.L_overlay_start_1:
0x0: {  	(tag) =	ssettag $0x1  }
0x1: {  	s1 =	srdreg.scid  }
0x2: {  	s6 =	rddreg [dreg:$0x0];
	s0 =	stileid.u32  }
0x3: {  	s3 =	simm.s32 $0x0;
	s11 =	simm.s32 $0xF2A0;
	s12 =	simm.s32 $0x4  }
0x4: {  	s13 =	simm.s32 $0xF320;
	s14 =	simm.s32 $0x80;
	s15 =	simm.s32 $0x8800  }
0x5: {  	s16 =	simm.s32 $0x1;
	s17 =	simm.s32 $0xBC00;
	s18 =	simm.s32 $0x68  }
0x6: {  	s19 =	simm.s32 $0xA200;
	s20 =	simm.s32 $0xD600;
	s21 =	simm.s32 $0xF1A0  }
0x7: {  	v0 =	vlaneseq.u32;
	s22 =	simm.s32 $0xF000;
	s23 =	simm.s32 $0x2;
	s24 =	simm.s32 $0xF0D0  }
0x8: {  	s25 =	simm.s32 $0x3;
	s26 =	simm.s32 $0x0;
	s1 =	sand.u32 $0x1, s1;
	v0 =	vmul.u32 $0x10, v0  }
0x9: {  	s4 =	sshll.u32 s0, $0x8;
	s5 =	sshll.u32 s1, $0x7;
	s1 =	ssub.s32 $0x2, s1  }
0xa: {  	[smem:$0x7FF] =	sst s3;
	s4 =	sor.u32 s5, s4;
	s31 =	sshrl.u32 s1, $0x1;
	v1 =	vor.u32 $0x1, v0;
	v2 =	vor.u32 $0x2, v0;
	v3 =	vor.u32 $0x3, v0  }
0xb: {  	v4 =	vor.u32 $0x4, v0;
	v5 =	vor.u32 $0x5, v0;
	v6 =	vor.u32 $0x6, v0;
	s5 =	smul.u32 $0x1A, s4;
	s7 =	sshrl.u32 s4, $0x3;
	s1 =	ssub.s32 s1, s31  }
0xc: {  	_ =	strace $0x80000047;
	v7 =	vor.u32 $0x7, v0;
	v8 =	vor.u32 $0x8, v0;
	v9 =	vor.u32 $0x9, v0;
	s8 =	sadd.s32 s7, s6;
	s10 =	smax.u32 s1, $0x1  }
0xd: {  	v10 =	vor.u32 $0xA, v0;
	v11 =	vor.u32 $0xB, v0;
	v12 =	vor.u32 $0xC, v0;
	s9 =	sadd.s32 s5, s6;
	s5 =	sadd.s32 $0x187800, s6;
	s6 =	sadd.s32 $0x1AE00, s6  }
0xe: {  	v13 =	vor.u32 $0xD, v0;
	v14 =	vor.u32 $0xE, v0;
	v15 =	vor.u32 $0xF, v0;
	s7 =	sadd.s32 $0xC00, s8;
	s8 =	sadd.s32 $0xA00, s8;
	s9 =	sadd.s32 $0xE00, s9  }
.LBB2_1:
0xf: {  	[tilespmem:s11], [sflag:$0x4] =	stream.linear.gather [hbm4b:s7+s3], $0x80, $0x38;
	[tilespmem:$0xF3A0] =	vst v63  }
0x10: {  	_ =	swait.ge [sflag:s12], $0x80  }
0x11: {  	[sflag:s12] =	ssyncset.done $0x0  }
0x12: {  	[sflag:s12] =	ssyncadd.s32 $0xFFFFFF80  }
0x13: {  	[tilespmem:s13], [sflag:$0x4] =	stream.linear.gather [hbm4b:s8+s3], $0x80, $0x38;
	[tilespmem:$0xF3A0] =	vst v63  }
0x14: {  	_ =	swait.ge [sflag:s12], $0x80  }
0x15: {  	[sflag:s12] =	ssyncset.done $0x0  }
0x16: {  	[sflag:s12] =	ssyncadd.s32 $0xFFFFFF80  }
0x17: {  	[tilespmem:s15], [sflag:$0x1] =	stream.indirect.gather [hbm4b:s5+s14], $0x40, s11, s14, $0xb8;
	[tilespmem:$0xF3A0] =	vst v63  }
0x18: {  	_ =	swait.ge [sflag:s16], $0x2000  }
0x19: {  	[sflag:s16] =	ssyncset.done $0x0  }
0x1a: {  	[sflag:s16] =	ssyncadd.s32 $0xFFFFE000  }
0x1b: {  	s0 =	rddreg [dreg:$0x1]  }
0x1c: {  	[tilespmem:s17], [sflag:$0x1] =	stream.indirect.gather [hbm4b:s0+s14], $0x40, s13, s14, $0xb8;
	[tilespmem:$0xF3A0] =	vst v63  }
0x1d: {  	_ =	swait.ge [sflag:s16], $0x2000  }
0x1e: {  	[sflag:s16] =	ssyncset.done $0x0  }
0x1f: {  	s1 =	simm.s32 $0x0;
	[sflag:s16] =	ssyncadd.s32 $0xFFFFE000  }
0x20: {  	v18 =	vld [tilespmem:s1+$0x8830]  }
0x21: {  	v20 =	vld [tilespmem:s1+$0xBC30]  }
0x22: {  	v21 =	vld [tilespmem:s1+$0x8800]  }
0x23: {  	v22 =	vld [tilespmem:s1+$0xBC00]  }
0x24: {  	v17 =	vld [tilespmem:s1+$0x8810]  }
0x25: {  	v19 =	vld [tilespmem:s1+$0xBC10]  }
0x26: {  	v16 =	vld [tilespmem:s1+$0x8820];
	v23 =	vadd.bf16 v20, v18  }
0x27: {  	s28 =	simm.s32 $0x40;
	v20 =	vld [tilespmem:s1+$0xBC20]  }
0x28: {  	s29 =	simm.s32 $0x200;
	v18 =	vld [tilespmem:s28+$0x8830];
	v21 =	vadd.bf16 v22, v21;
	[tilespmem:s1+$0x6830] =	vst v23  }
.LBB2_2:
0x29: {  	p0 =	sne.s32 s29, $0x7F00;
	v22 =	vld [tilespmem:s28+$0xBC30]  }
0x2a: {  	v23 =	vld [tilespmem:s28+$0x8800];
	[tilespmem:s1+$0x6800] =	vst v21;
	v19 =	vadd.bf16 v19, v17  }
0x2b: {  	v21 =	vld [tilespmem:s28+$0xBC00]  }
.Ltmp0:
0x2c: {  	v17 =	vld [tilespmem:s28+$0x8810];
	[tilespmem:s1+$0x6810] =	vst v19;
	v20 =	vadd.bf16 v20, v16;
	(pc) =	sbr.rel @p0 .LBB2_2-.Ltmp0, $4  }
0x2d: {  	v19 =	vld [tilespmem:s28+$0xBC10]  }
0x2e: {  	v16 =	vld [tilespmem:s28+$0x8820];
	v22 =	vadd.bf16 v22, v18;
	[tilespmem:s1+$0x6820] =	vst v20;
	s1 =	smov.u32 s28  }
0x2f: {  	s28 =	sshra.s32 s29, $0x2;
	v20 =	vld [tilespmem:s1+$0xBC20]  }
0x30: {  	s29 =	sadd.s32 $0x100, s29;
	v18 =	vld [tilespmem:s28+$0x8830];
	v21 =	vadd.bf16 v21, v23;
	[tilespmem:s1+$0x6830] =	vst v22  }
0x31: {  	v22 =	vld [tilespmem:s28+$0xBC30]  }
0x32: {  	v23 =	vld [tilespmem:s28+$0x8800];
	[tilespmem:s1+$0x6800] =	vst v21;
	v17 =	vadd.bf16 v19, v17  }
0x33: {  	v62 =	vld [tilespmem:s28+$0xBC00]  }
0x34: {  	v21 =	vld [tilespmem:s28+$0x8810];
	[tilespmem:s1+$0x6810] =	vst v17;
	v16 =	vadd.bf16 v20, v16  }
0x35: {  	v17 =	vld [tilespmem:s28+$0xBC10]  }
0x36: {  	v63 =	vld [tilespmem:s28+$0x8820];
	[tilespmem:s1+$0x6820] =	vst v16  }
0x37: {  	v16 =	vld [tilespmem:s28+$0xBC20];
	_ =	sdelay $0x1  }
0x38: {  	v18 =	vadd.bf16 v22, v18  }
0x39: {  	v19 =	vadd.bf16 v62, v23  }
0x3a: {  	[tilespmem:s28+$0x6830] =	vst v18;
	v17 =	vadd.bf16 v17, v21  }
0x3b: {  	[tilespmem:s28+$0x6800] =	vst v19;
	v16 =	vadd.bf16 v16, v63  }
0x3c: {  	[tilespmem:s28+$0x6810] =	vst v17  }
0x3d: {  	[tilespmem:s28+$0x6820] =	vst v16;
	s28 =	simm.s32 $0x0  }
0x3e: {  	[tilespmem:s28], [sflag:$0x4] =	stream.linear.gather [hbm4b:s9+s28], $0x6800, $0x38;
	[tilespmem:$0xF3A0] =	vst v63  }
0x3f: {  	_ =	swait.ge [sflag:s12], $0x6800  }
0x40: {  	[sflag:s12] =	ssyncset.done $0x0  }
0x41: {  	[sflag:s12] =	ssyncadd.s32 $0xFFFF9800  }
0x42: {  	[tilespmem:s15], [sflag:$0x1] =	stream.indirect.gather [hbm4b:s5+s18], $0x40, s28, s18, $0xb8;
	[tilespmem:$0xF3A0] =	vst v63  }
0x43: {  	_ = 	snop  }
0x44: {  	[tilespmem:s19], [sflag:$0x1] =	stream.indirect.gather [hbm4b:s5+s18], $0x40, s18, s18, $0xb8;
	[tilespmem:$0xF3A0] =	vst v63  }
.LBB2_4:
0x45: {  	s29 =	sshllo.u32 s28, $0x1  }
0x46: {  	s1 =	smul.u32 $0x340, s29;
	_ =	sdelay $0x1  }
0x47: {  	s1 =	sshra.s32 s1, $0x2  }
0x48: {  	[tilespmem:s17], [sflag:$0x2] =	stream.indirect.gather [hbm4b:s5+s18], $0x40, s1, s18, $0xb8;
	[tilespmem:$0xF3A0] =	vst v63  }
0x49: {  	s1 =	sadd.s32 $0x68, s1  }
0x4a: {  	[tilespmem:s20], [sflag:$0x2] =	stream.indirect.gather [hbm4b:s5+s18], $0x40, s1, s18, $0xb8;
	[tilespmem:$0xF3A0] =	vst v63  }
0x4b: {  	_ =	swait.ge [sflag:s16], $0x1A00  }
0x4c: {  	[sflag:s16] =	ssyncset.done $0x0  }
0x4d: {  	[sflag:s16] =	ssyncadd.s32 $0xFFFFE600  }
0x4e: {  	_ =	swait.ge [sflag:s16], $0x1A00  }
0x4f: {  	p0 =	seq.s32 s28, $0x0;
	[sflag:s16] =	ssyncset.done $0x0  }
0x50: {  	s1 =	simm.s32 @!p0 $0x3;
	[sflag:s16] =	ssyncadd.s32 $0xFFFFE600  }
0x51: {  	_ =	swait.ge @!p0 [sflag:s1], $0xD0  }
0x52: {  	[sflag:s1] =	ssyncset.done @!p0 $0x0  }
0x53: {  	[sflag:s1] =	ssyncadd.s32 @!p0 $0xFFFFFF30  }
0x54: {  	_ =	swait.ge @!p0 [sflag:s1], $0xD0  }
0x55: {  	s30 =	sshll.u32 s28, $0x7;
	[sflag:s1] =	ssyncset.done @!p0 $0x0  }
0x56: {  	s2 =	sand.u32 $0x3FFFFF80, s30;
	[sflag:s1] =	ssyncadd.s32 @!p0 $0xFFFFFF30  }
0x57: {  	v16 =	vld [tilespmem:s2+$0x6800]  }
0x58: {  	v17 =	vld [tilespmem:s2+$0x6810]  }
0x59: {  	v18 =	vld [tilespmem:s2+$0x6820]  }
0x5a: {  	s31 =	simm.s32 $0x8A00;
	s30 =	sshll.u32 s28, $0x1;
	s1 =	simm.s32 $0x0;
	v19 =	vld [tilespmem:s2+$0x6830]  }
.LBB2_5:
0x5b: {  	v20 =	vld [tilespmem:s31+$0xFFFFFE00]  }
0x5c: {  	v21 =	vld [tilespmem:s31+$0xFFFFFE10];
	_ =	sdelay $0x1  }
0x5d: {  	v22 =	vld [tilespmem:s31+$0xFFFFFE20];
	_ =	sdelay $0x1  }
0x5e: {  	v23 =	vld [tilespmem:s31+$0xFFFFFE30]  }
0x5f: {  	v20 =	vsub.bf16 v20, v16;
	v21 =	vsub.bf16 v21, v17;
	_ =	sdelay $0x1  }
0x60: {  	v22 =	vsub.bf16 v22, v18;
	v20 =	vand.u32 $0x7FFF7FFF, v20;
	v21 =	vand.u32 $0x7FFF7FFF, v21  }
0x61: {  	v20 =	vadd.bf16 v21, v20  }
0x62: {  	v37 =	vsub.bf16 v23, v19;
	v36 =	vand.u32 $0x7FFF7FFF, v22  }
0x63: {  	v20 =	vadd.bf16 v36, v20  }
0x64: {  	v38 =	vand.u32 $0x7FFF7FFF, v37  }
0x65: {  	v20 =	vadd.bf16 v38, v20;
	_ =	sdelay $0x1  }
0x66: {  	v21 =	vunpack.i.u.bf16.f32 v20;
	v20 =	vunpack.i.l.bf16.f32 v20  }
0x67: {  	v20 =	vadd.f32 v20, v21;
	_ =	sdelay $0x1  }
0x68: {  	[tilespmem:$0xF1A0] =	vst v20  }
0x69: {  	v20 =	vld [tilespmem:s31+$0xFFFFFE40]  }
0x6a: {  	v39 =	vld [tilespmem:s31+$0xFFFFFE50];
	_ =	sdelay $0x1  }
0x6b: {  	v40 =	vld [tilespmem:s31+$0xFFFFFE60];
	_ =	sdelay $0x1  }
0x6c: {  	v41 =	vld [tilespmem:s31+$0xFFFFFE70]  }
0x6d: {  	v20 =	vsub.bf16 v20, v16;
	v21 =	vsub.bf16 v39, v17;
	_ =	sdelay $0x1  }
0x6e: {  	v22 =	vsub.bf16 v40, v18;
	v20 =	vand.u32 $0x7FFF7FFF, v20;
	v21 =	vand.u32 $0x7FFF7FFF, v21  }
0x6f: {  	v20 =	vadd.bf16 v21, v20  }
0x70: {  	v43 =	vsub.bf16 v41, v19;
	v42 =	vand.u32 $0x7FFF7FFF, v22  }
0x71: {  	v20 =	vadd.bf16 v42, v20  }
0x72: {  	v44 =	vand.u32 $0x7FFF7FFF, v43  }
0x73: {  	v20 =	vadd.bf16 v44, v20;
	_ =	sdelay $0x1  }
0x74: {  	v21 =	vunpack.i.u.bf16.f32 v20;
	v20 =	vunpack.i.l.bf16.f32 v20  }
0x75: {  	v20 =	vadd.f32 v20, v21;
	_ =	sdelay $0x1  }
0x76: {  	[tilespmem:$0xF1B0] =	vst v20  }
0x77: {  	v20 =	vld [tilespmem:s31+$0xFFFFFE80]  }
0x78: {  	v45 =	vld [tilespmem:s31+$0xFFFFFE90];
	_ =	sdelay $0x1  }
0x79: {  	v46 =	vld [tilespmem:s31+$0xFFFFFEA0];
	_ =	sdelay $0x1  }
0x7a: {  	v47 =	vld [tilespmem:s31+$0xFFFFFEB0]  }
0x7b: {  	v20 =	vsub.bf16 v20, v16;
	v21 =	vsub.bf16 v45, v17;
	_ =	sdelay $0x1  }
0x7c: {  	v22 =	vsub.bf16 v46, v18;
	v20 =	vand.u32 $0x7FFF7FFF, v20;
	v21 =	vand.u32 $0x7FFF7FFF, v21  }
0x7d: {  	v20 =	vadd.bf16 v21, v20  }
0x7e: {  	v49 =	vsub.bf16 v47, v19;
	v48 =	vand.u32 $0x7FFF7FFF, v22  }
0x7f: {  	v20 =	vadd.bf16 v48, v20  }
0x80: {  	v50 =	vand.u32 $0x7FFF7FFF, v49  }
0x81: {  	v20 =	vadd.bf16 v50, v20;
	_ =	sdelay $0x1  }
0x82: {  	v21 =	vunpack.i.u.bf16.f32 v20;
	v20 =	vunpack.i.l.bf16.f32 v20  }
0x83: {  	v20 =	vadd.f32 v20, v21;
	_ =	sdelay $0x1  }
0x84: {  	[tilespmem:$0xF1C0] =	vst v20  }
0x85: {  	v20 =	vld [tilespmem:s31+$0xFFFFFEC0]  }
0x86: {  	v51 =	vld [tilespmem:s31+$0xFFFFFED0];
	_ =	sdelay $0x1  }
0x87: {  	v52 =	vld [tilespmem:s31+$0xFFFFFEE0];
	_ =	sdelay $0x1  }
0x88: {  	v53 =	vld [tilespmem:s31+$0xFFFFFEF0]  }
0x89: {  	v20 =	vsub.bf16 v20, v16;
	v21 =	vsub.bf16 v51, v17;
	_ =	sdelay $0x1  }
0x8a: {  	v22 =	vsub.bf16 v52, v18;
	v20 =	vand.u32 $0x7FFF7FFF, v20;
	v21 =	vand.u32 $0x7FFF7FFF, v21  }
0x8b: {  	v20 =	vadd.bf16 v21, v20  }
0x8c: {  	v55 =	vsub.bf16 v53, v19;
	v54 =	vand.u32 $0x7FFF7FFF, v22  }
0x8d: {  	v20 =	vadd.bf16 v54, v20  }
0x8e: {  	v56 =	vand.u32 $0x7FFF7FFF, v55  }
0x8f: {  	v20 =	vadd.bf16 v56, v20;
	_ =	sdelay $0x1  }
0x90: {  	v21 =	vunpack.i.u.bf16.f32 v20;
	v20 =	vunpack.i.l.bf16.f32 v20  }
0x91: {  	v20 =	vadd.f32 v20, v21;
	_ =	sdelay $0x1  }
0x92: {  	[tilespmem:$0xF1D0] =	vst v20  }
0x93: {  	v20 =	vld [tilespmem:s31+$0xFFFFFF00]  }
0x94: {  	v57 =	vld [tilespmem:s31+$0xFFFFFF10];
	_ =	sdelay $0x1  }
0x95: {  	v58 =	vld [tilespmem:s31+$0xFFFFFF20];
	_ =	sdelay $0x1  }
0x96: {  	v59 =	vld [tilespmem:s31+$0xFFFFFF30]  }
0x97: {  	v20 =	vsub.bf16 v20, v16;
	v21 =	vsub.bf16 v57, v17;
	_ =	sdelay $0x1  }
0x98: {  	v22 =	vsub.bf16 v58, v18;
	v20 =	vand.u32 $0x7FFF7FFF, v20;
	v21 =	vand.u32 $0x7FFF7FFF, v21  }
0x99: {  	v20 =	vadd.bf16 v21, v20  }
0x9a: {  	v61 =	vsub.bf16 v59, v19;
	v60 =	vand.u32 $0x7FFF7FFF, v22  }
0x9b: {  	v20 =	vadd.bf16 v60, v20  }
0x9c: {  	v62 =	vand.u32 $0x7FFF7FFF, v61  }
0x9d: {  	v20 =	vadd.bf16 v62, v20;
	_ =	sdelay $0x1  }
0x9e: {  	v21 =	vunpack.i.u.bf16.f32 v20;
	v20 =	vunpack.i.l.bf16.f32 v20  }
0x9f: {  	v20 =	vadd.f32 v20, v21;
	_ =	sdelay $0x1  }
0xa0: {  	[tilespmem:$0xF1E0] =	vst v20  }
0xa1: {  	v20 =	vld [tilespmem:s31+$0xFFFFFF40]  }
0xa2: {  	v63 =	vld [tilespmem:s31+$0xFFFFFF50];
	_ =	sdelay $0x1  }
0xa3: {  	v24 =	vld [tilespmem:s31+$0xFFFFFF60];
	_ =	sdelay $0x1  }
0xa4: {  	v25 =	vld [tilespmem:s31+$0xFFFFFF70]  }
0xa5: {  	v20 =	vsub.bf16 v20, v16;
	v21 =	vsub.bf16 v63, v17;
	_ =	sdelay $0x1  }
0xa6: {  	v22 =	vsub.bf16 v24, v18;
	v20 =	vand.u32 $0x7FFF7FFF, v20;
	v21 =	vand.u32 $0x7FFF7FFF, v21  }
0xa7: {  	v20 =	vadd.bf16 v21, v20  }
0xa8: {  	v27 =	vsub.bf16 v25, v19;
	v26 =	vand.u32 $0x7FFF7FFF, v22  }
0xa9: {  	v20 =	vadd.bf16 v26, v20  }
0xaa: {  	v28 =	vand.u32 $0x7FFF7FFF, v27  }
0xab: {  	v20 =	vadd.bf16 v28, v20;
	_ =	sdelay $0x1  }
0xac: {  	v21 =	vunpack.i.u.bf16.f32 v20;
	v20 =	vunpack.i.l.bf16.f32 v20  }
0xad: {  	v20 =	vadd.f32 v20, v21;
	_ =	sdelay $0x1  }
0xae: {  	[tilespmem:$0xF1F0] =	vst v20  }
0xaf: {  	v20 =	vld [tilespmem:s31+$0xFFFFFF80]  }
0xb0: {  	v29 =	vld [tilespmem:s31+$0xFFFFFF90];
	_ =	sdelay $0x1  }
0xb1: {  	v30 =	vld [tilespmem:s31+$0xFFFFFFA0];
	_ =	sdelay $0x1  }
0xb2: {  	v31 =	vld [tilespmem:s31+$0xFFFFFFB0]  }
0xb3: {  	v20 =	vsub.bf16 v20, v16;
	v21 =	vsub.bf16 v29, v17;
	_ =	sdelay $0x1  }
0xb4: {  	v22 =	vsub.bf16 v30, v18;
	v20 =	vand.u32 $0x7FFF7FFF, v20;
	v21 =	vand.u32 $0x7FFF7FFF, v21  }
0xb5: {  	v20 =	vadd.bf16 v21, v20  }
0xb6: {  	v33 =	vsub.bf16 v31, v19;
	v32 =	vand.u32 $0x7FFF7FFF, v22  }
0xb7: {  	v20 =	vadd.bf16 v32, v20  }
0xb8: {  	v34 =	vand.u32 $0x7FFF7FFF, v33  }
0xb9: {  	v20 =	vadd.bf16 v34, v20;
	_ =	sdelay $0x1  }
0xba: {  	v21 =	vunpack.i.u.bf16.f32 v20;
	v20 =	vunpack.i.l.bf16.f32 v20  }
0xbb: {  	v20 =	vadd.f32 v20, v21;
	_ =	sdelay $0x1  }
0xbc: {  	[tilespmem:$0xF200] =	vst v20  }
0xbd: {  	v20 =	vld [tilespmem:s31+$0xFFFFFFC0]  }
0xbe: {  	v35 =	vld [tilespmem:s31+$0xFFFFFFD0];
	_ =	sdelay $0x1  }
0xbf: {  	v36 =	vld [tilespmem:s31+$0xFFFFFFE0];
	_ =	sdelay $0x1  }
0xc0: {  	v37 =	vld [tilespmem:s31+$0xFFFFFFF0]  }
0xc1: {  	v20 =	vsub.bf16 v20, v16;
	v21 =	vsub.bf16 v35, v17;
	_ =	sdelay $0x1  }
0xc2: {  	v22 =	vsub.bf16 v36, v18;
	v20 =	vand.u32 $0x7FFF7FFF, v20;
	v21 =	vand.u32 $0x7FFF7FFF, v21  }
0xc3: {  	v20 =	vadd.bf16 v21, v20  }
0xc4: {  	v39 =	vsub.bf16 v37, v19;
	v38 =	vand.u32 $0x7FFF7FFF, v22  }
0xc5: {  	v20 =	vadd.bf16 v38, v20  }
0xc6: {  	v40 =	vand.u32 $0x7FFF7FFF, v39  }
0xc7: {  	v20 =	vadd.bf16 v40, v20;
	_ =	sdelay $0x1  }
0xc8: {  	v21 =	vunpack.i.u.bf16.f32 v20;
	v20 =	vunpack.i.l.bf16.f32 v20  }
0xc9: {  	v20 =	vadd.f32 v20, v21;
	_ =	sdelay $0x1  }
0xca: {  	[tilespmem:$0xF210] =	vst v20  }
0xcb: {  	v20 =	vld [tilespmem:s31+$0x0]  }
0xcc: {  	v41 =	vld [tilespmem:s31+$0x10];
	_ =	sdelay $0x1  }
0xcd: {  	v42 =	vld [tilespmem:s31+$0x20];
	_ =	sdelay $0x1  }
0xce: {  	v43 =	vld [tilespmem:s31+$0x30]  }
0xcf: {  	v20 =	vsub.bf16 v20, v16;
	v21 =	vsub.bf16 v41, v17;
	_ =	sdelay $0x1  }
0xd0: {  	v22 =	vsub.bf16 v42, v18;
	v20 =	vand.u32 $0x7FFF7FFF, v20;
	v21 =	vand.u32 $0x7FFF7FFF, v21  }
0xd1: {  	v20 =	vadd.bf16 v21, v20  }
0xd2: {  	v45 =	vsub.bf16 v43, v19;
	v44 =	vand.u32 $0x7FFF7FFF, v22  }
0xd3: {  	v20 =	vadd.bf16 v44, v20  }
0xd4: {  	v46 =	vand.u32 $0x7FFF7FFF, v45  }
0xd5: {  	v20 =	vadd.bf16 v46, v20;
	_ =	sdelay $0x1  }
0xd6: {  	v21 =	vunpack.i.u.bf16.f32 v20;
	v20 =	vunpack.i.l.bf16.f32 v20  }
0xd7: {  	v20 =	vadd.f32 v20, v21;
	_ =	sdelay $0x1  }
0xd8: {  	[tilespmem:$0xF220] =	vst v20  }
0xd9: {  	v20 =	vld [tilespmem:s31+$0x40]  }
0xda: {  	v47 =	vld [tilespmem:s31+$0x50];
	_ =	sdelay $0x1  }
0xdb: {  	v48 =	vld [tilespmem:s31+$0x60];
	_ =	sdelay $0x1  }
0xdc: {  	v49 =	vld [tilespmem:s31+$0x70]  }
0xdd: {  	v20 =	vsub.bf16 v20, v16;
	v21 =	vsub.bf16 v47, v17;
	_ =	sdelay $0x1  }
0xde: {  	v22 =	vsub.bf16 v48, v18;
	v20 =	vand.u32 $0x7FFF7FFF, v20;
	v21 =	vand.u32 $0x7FFF7FFF, v21  }
0xdf: {  	v20 =	vadd.bf16 v21, v20  }
0xe0: {  	v51 =	vsub.bf16 v49, v19;
	v50 =	vand.u32 $0x7FFF7FFF, v22  }
0xe1: {  	v20 =	vadd.bf16 v50, v20  }
0xe2: {  	v52 =	vand.u32 $0x7FFF7FFF, v51  }
0xe3: {  	v20 =	vadd.bf16 v52, v20;
	_ =	sdelay $0x1  }
0xe4: {  	v21 =	vunpack.i.u.bf16.f32 v20;
	v20 =	vunpack.i.l.bf16.f32 v20  }
0xe5: {  	v20 =	vadd.f32 v20, v21;
	_ =	sdelay $0x1  }
0xe6: {  	[tilespmem:$0xF230] =	vst v20  }
0xe7: {  	v20 =	vld [tilespmem:s31+$0x80]  }
0xe8: {  	v53 =	vld [tilespmem:s31+$0x90];
	_ =	sdelay $0x1  }
0xe9: {  	v54 =	vld [tilespmem:s31+$0xA0];
	_ =	sdelay $0x1  }
0xea: {  	v55 =	vld [tilespmem:s31+$0xB0]  }
0xeb: {  	v20 =	vsub.bf16 v20, v16;
	v21 =	vsub.bf16 v53, v17;
	_ =	sdelay $0x1  }
0xec: {  	v22 =	vsub.bf16 v54, v18;
	v20 =	vand.u32 $0x7FFF7FFF, v20;
	v21 =	vand.u32 $0x7FFF7FFF, v21  }
0xed: {  	v20 =	vadd.bf16 v21, v20  }
0xee: {  	v57 =	vsub.bf16 v55, v19;
	v56 =	vand.u32 $0x7FFF7FFF, v22  }
0xef: {  	v20 =	vadd.bf16 v56, v20  }
0xf0: {  	v58 =	vand.u32 $0x7FFF7FFF, v57  }
0xf1: {  	v20 =	vadd.bf16 v58, v20;
	_ =	sdelay $0x1  }
0xf2: {  	v21 =	vunpack.i.u.bf16.f32 v20;
	v20 =	vunpack.i.l.bf16.f32 v20  }
0xf3: {  	v20 =	vadd.f32 v20, v21;
	_ =	sdelay $0x1  }
0xf4: {  	[tilespmem:$0xF240] =	vst v20  }
0xf5: {  	v20 =	vld [tilespmem:s31+$0xC0]  }
0xf6: {  	v59 =	vld [tilespmem:s31+$0xD0];
	_ =	sdelay $0x1  }
0xf7: {  	v60 =	vld [tilespmem:s31+$0xE0];
	_ =	sdelay $0x1  }
0xf8: {  	v61 =	vld [tilespmem:s31+$0xF0]  }
0xf9: {  	v20 =	vsub.bf16 v20, v16;
	v21 =	vsub.bf16 v59, v17;
	_ =	sdelay $0x1  }
0xfa: {  	v22 =	vsub.bf16 v60, v18;
	v20 =	vand.u32 $0x7FFF7FFF, v20;
	v21 =	vand.u32 $0x7FFF7FFF, v21  }
0xfb: {  	v20 =	vadd.bf16 v21, v20  }
0xfc: {  	v63 =	vsub.bf16 v61, v19;
	v62 =	vand.u32 $0x7FFF7FFF, v22  }
0xfd: {  	v20 =	vadd.bf16 v62, v20  }
0xfe: {  	v24 =	vand.u32 $0x7FFF7FFF, v63  }
0xff: {  	v20 =	vadd.bf16 v24, v20;
	_ =	sdelay $0x1  }
0x100: {  	v21 =	vunpack.i.u.bf16.f32 v20;
	v20 =	vunpack.i.l.bf16.f32 v20  }
0x101: {  	v20 =	vadd.f32 v20, v21;
	_ =	sdelay $0x1  }
0x102: {  	[tilespmem:$0xF250] =	vst v20  }
0x103: {  	v20 =	vld [tilespmem:s31+$0x100]  }
0x104: {  	v25 =	vld [tilespmem:s31+$0x110];
	_ =	sdelay $0x1  }
0x105: {  	v26 =	vld [tilespmem:s31+$0x120];
	_ =	sdelay $0x1  }
0x106: {  	v27 =	vld [tilespmem:s31+$0x130]  }
0x107: {  	v20 =	vsub.bf16 v20, v16;
	v21 =	vsub.bf16 v25, v17;
	_ =	sdelay $0x1  }
0x108: {  	v22 =	vsub.bf16 v26, v18;
	v20 =	vand.u32 $0x7FFF7FFF, v20;
	v21 =	vand.u32 $0x7FFF7FFF, v21  }
0x109: {  	v20 =	vadd.bf16 v21, v20  }
0x10a: {  	v29 =	vsub.bf16 v27, v19;
	v28 =	vand.u32 $0x7FFF7FFF, v22  }
0x10b: {  	v20 =	vadd.bf16 v28, v20  }
0x10c: {  	v30 =	vand.u32 $0x7FFF7FFF, v29  }
0x10d: {  	v20 =	vadd.bf16 v30, v20;
	_ =	sdelay $0x1  }
0x10e: {  	v21 =	vunpack.i.u.bf16.f32 v20;
	v20 =	vunpack.i.l.bf16.f32 v20  }
0x10f: {  	v20 =	vadd.f32 v20, v21;
	_ =	sdelay $0x1  }
0x110: {  	[tilespmem:$0xF260] =	vst v20  }
0x111: {  	v20 =	vld [tilespmem:s31+$0x140]  }
0x112: {  	v31 =	vld [tilespmem:s31+$0x150];
	_ =	sdelay $0x1  }
0x113: {  	v32 =	vld [tilespmem:s31+$0x160];
	_ =	sdelay $0x1  }
0x114: {  	v33 =	vld [tilespmem:s31+$0x170]  }
0x115: {  	v20 =	vsub.bf16 v20, v16;
	v21 =	vsub.bf16 v31, v17;
	_ =	sdelay $0x1  }
0x116: {  	v22 =	vsub.bf16 v32, v18;
	v20 =	vand.u32 $0x7FFF7FFF, v20;
	v21 =	vand.u32 $0x7FFF7FFF, v21  }
0x117: {  	v20 =	vadd.bf16 v21, v20  }
0x118: {  	v35 =	vsub.bf16 v33, v19;
	v34 =	vand.u32 $0x7FFF7FFF, v22  }
0x119: {  	v20 =	vadd.bf16 v34, v20  }
0x11a: {  	v36 =	vand.u32 $0x7FFF7FFF, v35  }
0x11b: {  	v20 =	vadd.bf16 v36, v20;
	_ =	sdelay $0x1  }
0x11c: {  	v21 =	vunpack.i.u.bf16.f32 v20;
	v20 =	vunpack.i.l.bf16.f32 v20  }
0x11d: {  	v20 =	vadd.f32 v20, v21;
	_ =	sdelay $0x1  }
0x11e: {  	[tilespmem:$0xF270] =	vst v20  }
0x11f: {  	v20 =	vld [tilespmem:s31+$0x180]  }
0x120: {  	v37 =	vld [tilespmem:s31+$0x190];
	_ =	sdelay $0x1  }
0x121: {  	v38 =	vld [tilespmem:s31+$0x1A0];
	_ =	sdelay $0x1  }
0x122: {  	v39 =	vld [tilespmem:s31+$0x1B0]  }
0x123: {  	v20 =	vsub.bf16 v20, v16;
	v21 =	vsub.bf16 v37, v17;
	_ =	sdelay $0x1  }
0x124: {  	v22 =	vsub.bf16 v38, v18;
	v20 =	vand.u32 $0x7FFF7FFF, v20;
	v21 =	vand.u32 $0x7FFF7FFF, v21  }
0x125: {  	v20 =	vadd.bf16 v21, v20  }
0x126: {  	v41 =	vsub.bf16 v39, v19;
	v40 =	vand.u32 $0x7FFF7FFF, v22  }
0x127: {  	v20 =	vadd.bf16 v40, v20  }
0x128: {  	v42 =	vand.u32 $0x7FFF7FFF, v41  }
0x129: {  	v20 =	vadd.bf16 v42, v20;
	_ =	sdelay $0x1  }
0x12a: {  	v21 =	vunpack.i.u.bf16.f32 v20;
	v20 =	vunpack.i.l.bf16.f32 v20  }
0x12b: {  	v20 =	vadd.f32 v20, v21;
	_ =	sdelay $0x1  }
0x12c: {  	[tilespmem:$0xF280] =	vst v20  }
0x12d: {  	v20 =	vld [tilespmem:s31+$0x1C0]  }
0x12e: {  	v43 =	vld [tilespmem:s31+$0x1D0];
	_ =	sdelay $0x1  }
0x12f: {  	v44 =	vld [tilespmem:s31+$0x1E0];
	_ =	sdelay $0x1  }
0x130: {  	v45 =	vld [tilespmem:s31+$0x1F0]  }
0x131: {  	v20 =	vsub.bf16 v20, v16;
	v21 =	vsub.bf16 v43, v17;
	_ =	sdelay $0x1  }
0x132: {  	v22 =	vsub.bf16 v44, v18;
	v20 =	vand.u32 $0x7FFF7FFF, v20;
	v21 =	vand.u32 $0x7FFF7FFF, v21  }
0x133: {  	v20 =	vadd.bf16 v21, v20  }
0x134: {  	v47 =	vsub.bf16 v45, v19;
	v46 =	vand.u32 $0x7FFF7FFF, v22  }
0x135: {  	v20 =	vadd.bf16 v46, v20  }
0x136: {  	v48 =	vand.u32 $0x7FFF7FFF, v47  }
0x137: {  	v20 =	vadd.bf16 v48, v20;
	_ =	sdelay $0x1  }
0x138: {  	v21 =	vunpack.i.u.bf16.f32 v20;
	v20 =	vunpack.i.l.bf16.f32 v20  }
0x139: {  	v20 =	vadd.f32 v20, v21;
	_ =	sdelay $0x1  }
0x13a: {  	[tilespmem:$0xF290] =	vst v20  }
0x13b: {  	v20 =	vld.idx.msk [tilespmem:v0+s21+$0x0], $0xffff  }
0x13c: {  	v49 =	vld.idx.msk [tilespmem:v1+s21+$0x0], $0xffff;
	_ =	sdelay $0x1  }
0x13d: {  	v50 =	vld.idx.msk [tilespmem:v2+s21+$0x0], $0xffff;
	_ =	sdelay $0x1  }
0x13e: {  	v51 =	vld.idx.msk [tilespmem:v3+s21+$0x0], $0xffff  }
0x13f: {  	v20 =	vadd.f32 v49, v20  }
0x140: {  	v52 =	vld.idx.msk [tilespmem:v4+s21+$0x0], $0xffff  }
0x141: {  	v20 =	vadd.f32 v50, v20  }
0x142: {  	v53 =	vld.idx.msk [tilespmem:v5+s21+$0x0], $0xffff  }
0x143: {  	v20 =	vadd.f32 v51, v20  }
0x144: {  	v54 =	vld.idx.msk [tilespmem:v6+s21+$0x0], $0xffff  }
0x145: {  	v20 =	vadd.f32 v52, v20  }
0x146: {  	v55 =	vld.idx.msk [tilespmem:v7+s21+$0x0], $0xffff  }
0x147: {  	v20 =	vadd.f32 v53, v20  }
0x148: {  	v56 =	vld.idx.msk [tilespmem:v8+s21+$0x0], $0xffff  }
0x149: {  	v20 =	vadd.f32 v54, v20  }
0x14a: {  	v57 =	vld.idx.msk [tilespmem:v9+s21+$0x0], $0xffff  }
0x14b: {  	v20 =	vadd.f32 v55, v20  }
0x14c: {  	v58 =	vld.idx.msk [tilespmem:v10+s21+$0x0], $0xffff  }
0x14d: {  	v20 =	vadd.f32 v56, v20  }
0x14e: {  	v59 =	vld.idx.msk [tilespmem:v11+s21+$0x0], $0xffff  }
0x14f: {  	v20 =	vadd.f32 v57, v20  }
0x150: {  	v60 =	vld.idx.msk [tilespmem:v12+s21+$0x0], $0xffff  }
0x151: {  	v20 =	vadd.f32 v58, v20  }
0x152: {  	v61 =	vld.idx.msk [tilespmem:v13+s21+$0x0], $0xffff  }
0x153: {  	v20 =	vadd.f32 v59, v20  }
0x154: {  	v62 =	vld.idx.msk [tilespmem:v14+s21+$0x0], $0xffff  }
0x155: {  	v20 =	vadd.f32 v60, v20  }
0x156: {  	v63 =	vld.idx.msk [tilespmem:v15+s21+$0x0], $0xffff  }
0x157: {  	v20 =	vadd.f32 v61, v20;
	_ =	sdelay $0x1  }
0x158: {  	v20 =	vadd.f32 v62, v20  }
0x159: {  	p0 =	sne.s32 s1, $0x300  }
.Ltmp1:
0x15a: {  	v20 =	vadd.f32 v63, v20;
	(pc) =	sbr.rel @p0 .LBB2_5-.Ltmp1, $4  }
0x15b: {  	_ = 	snop  }
0x15c: {  	v20 =	vsub.f32 $1.200000000e+01, v20  }
0x15d: {  	s0 =	sshra.s32 s1, $0x2  }
0x15e: {  	s1 =	sadd.s32 $0x40, s1;
	s31 =	sadd.s32 $0x400, s31;
	[tilespmem:s0+$0xF000] =	vst v20  }
0x15f: {  	s30 =	sor.u32 s4, s30  }
0x160: {  	s0 =	smul.u32 $0x1A, s30  }
0x161: {  	p0 =	seq.s32 s28, $0x3F  }
0x162: {  	s1 =	smul.u32 @!p0 $0x680, s28;
	s0 =	sadd.s32 s6, s0  }
0x163: {  	[hbm4b:s0+s3] =	stream.linear.scatter [tilespmem:s22], [sflag:$0x3], $0xD0, $0x38;
	[tilespmem:$0xF3A0] =	vst v63  }
0x164: {  	s0 =	sshra.s32 @!p0 s1, $0x2  }
0x165: {  	s31 =	simm.s32 @!p0 $0x68;
	s2 =	simm.s32 @!p0 $0x8800;
	s1 =	sadd.s32 @!p0 $0x1A0, s0  }
0x166: {  	[tilespmem:s2], [sflag:$0x1] =	stream.indirect.gather @!p0 [hbm4b:s5+s31], $0x40, s1, s31, $0xb8;
	[tilespmem:$0xF3A0] =	vst v63  }
0x167: {  	s0 =	sadd.s32 @!p0 $0x208, s0;
	s1 =	simm.s32 @!p0 $0xA200  }
0x168: {  	[tilespmem:s1], [sflag:$0x1] =	stream.indirect.gather @!p0 [hbm4b:s5+s31], $0x40, s0, s31, $0xb8;
	[tilespmem:$0xF3A0] =	vst v63  }
0x169: {  	_ =	swait.ge [sflag:s23], $0x1A00  }
0x16a: {  	[sflag:s23] =	ssyncset.done $0x0  }
0x16b: {  	[sflag:s23] =	ssyncadd.s32 $0xFFFFE600  }
0x16c: {  	_ =	swait.ge [sflag:s23], $0x1A00  }
0x16d: {  	s31 =	sshll.u32 s29, $0x6;
	[sflag:s23] =	ssyncset.done $0x0  }
0x16e: {  	s0 =	sand.u32 $0x3FFFFFC0, s31;
	[sflag:s23] =	ssyncadd.s32 $0xFFFFE600  }
0x16f: {  	v16 =	vld [tilespmem:s0+$0x6800]  }
0x170: {  	v17 =	vld [tilespmem:s0+$0x6810]  }
0x171: {  	v18 =	vld [tilespmem:s0+$0x6820]  }
0x172: {  	s29 =	simm.s32 $0x0;
	s1 =	simm.s32 $0xBE00;
	v19 =	vld [tilespmem:s0+$0x6830]  }
.LBB2_7:
0x173: {  	v20 =	vld [tilespmem:s1+$0xFFFFFE00]  }
0x174: {  	v21 =	vld [tilespmem:s1+$0xFFFFFE10];
	_ =	sdelay $0x1  }
0x175: {  	v22 =	vld [tilespmem:s1+$0xFFFFFE20];
	_ =	sdelay $0x1  }
0x176: {  	v23 =	vld [tilespmem:s1+$0xFFFFFE30]  }
0x177: {  	v20 =	vsub.bf16 v20, v16;
	v21 =	vsub.bf16 v21, v17;
	_ =	sdelay $0x1  }
0x178: {  	v22 =	vsub.bf16 v22, v18;
	v20 =	vand.u32 $0x7FFF7FFF, v20;
	v21 =	vand.u32 $0x7FFF7FFF, v21  }
0x179: {  	v20 =	vadd.bf16 v21, v20  }
0x17a: {  	v37 =	vsub.bf16 v23, v19;
	v36 =	vand.u32 $0x7FFF7FFF, v22  }
0x17b: {  	v20 =	vadd.bf16 v36, v20  }
0x17c: {  	v38 =	vand.u32 $0x7FFF7FFF, v37  }
0x17d: {  	v20 =	vadd.bf16 v38, v20;
	_ =	sdelay $0x1  }
0x17e: {  	v21 =	vunpack.i.u.bf16.f32 v20;
	v20 =	vunpack.i.l.bf16.f32 v20  }
0x17f: {  	v20 =	vadd.f32 v20, v21;
	_ =	sdelay $0x1  }
0x180: {  	[tilespmem:$0xF1A0] =	vst v20  }
0x181: {  	v20 =	vld [tilespmem:s1+$0xFFFFFE40]  }
0x182: {  	v39 =	vld [tilespmem:s1+$0xFFFFFE50];
	_ =	sdelay $0x1  }
0x183: {  	v40 =	vld [tilespmem:s1+$0xFFFFFE60];
	_ =	sdelay $0x1  }
0x184: {  	v41 =	vld [tilespmem:s1+$0xFFFFFE70]  }
0x185: {  	v20 =	vsub.bf16 v20, v16;
	v21 =	vsub.bf16 v39, v17;
	_ =	sdelay $0x1  }
0x186: {  	v22 =	vsub.bf16 v40, v18;
	v20 =	vand.u32 $0x7FFF7FFF, v20;
	v21 =	vand.u32 $0x7FFF7FFF, v21  }
0x187: {  	v20 =	vadd.bf16 v21, v20  }
0x188: {  	v43 =	vsub.bf16 v41, v19;
	v42 =	vand.u32 $0x7FFF7FFF, v22  }
0x189: {  	v20 =	vadd.bf16 v42, v20  }
0x18a: {  	v44 =	vand.u32 $0x7FFF7FFF, v43  }
0x18b: {  	v20 =	vadd.bf16 v44, v20;
	_ =	sdelay $0x1  }
0x18c: {  	v21 =	vunpack.i.u.bf16.f32 v20;
	v20 =	vunpack.i.l.bf16.f32 v20  }
0x18d: {  	v20 =	vadd.f32 v20, v21;
	_ =	sdelay $0x1  }
0x18e: {  	[tilespmem:$0xF1B0] =	vst v20  }
0x18f: {  	v20 =	vld [tilespmem:s1+$0xFFFFFE80]  }
0x190: {  	v45 =	vld [tilespmem:s1+$0xFFFFFE90];
	_ =	sdelay $0x1  }
0x191: {  	v46 =	vld [tilespmem:s1+$0xFFFFFEA0];
	_ =	sdelay $0x1  }
0x192: {  	v47 =	vld [tilespmem:s1+$0xFFFFFEB0]  }
0x193: {  	v20 =	vsub.bf16 v20, v16;
	v21 =	vsub.bf16 v45, v17;
	_ =	sdelay $0x1  }
0x194: {  	v22 =	vsub.bf16 v46, v18;
	v20 =	vand.u32 $0x7FFF7FFF, v20;
	v21 =	vand.u32 $0x7FFF7FFF, v21  }
0x195: {  	v20 =	vadd.bf16 v21, v20  }
0x196: {  	v49 =	vsub.bf16 v47, v19;
	v48 =	vand.u32 $0x7FFF7FFF, v22  }
0x197: {  	v20 =	vadd.bf16 v48, v20  }
0x198: {  	v50 =	vand.u32 $0x7FFF7FFF, v49  }
0x199: {  	v20 =	vadd.bf16 v50, v20;
	_ =	sdelay $0x1  }
0x19a: {  	v21 =	vunpack.i.u.bf16.f32 v20;
	v20 =	vunpack.i.l.bf16.f32 v20  }
0x19b: {  	v20 =	vadd.f32 v20, v21;
	_ =	sdelay $0x1  }
0x19c: {  	[tilespmem:$0xF1C0] =	vst v20  }
0x19d: {  	v20 =	vld [tilespmem:s1+$0xFFFFFEC0]  }
0x19e: {  	v51 =	vld [tilespmem:s1+$0xFFFFFED0];
	_ =	sdelay $0x1  }
0x19f: {  	v52 =	vld [tilespmem:s1+$0xFFFFFEE0];
	_ =	sdelay $0x1  }
0x1a0: {  	v53 =	vld [tilespmem:s1+$0xFFFFFEF0]  }
0x1a1: {  	v20 =	vsub.bf16 v20, v16;
	v21 =	vsub.bf16 v51, v17;
	_ =	sdelay $0x1  }
0x1a2: {  	v22 =	vsub.bf16 v52, v18;
	v20 =	vand.u32 $0x7FFF7FFF, v20;
	v21 =	vand.u32 $0x7FFF7FFF, v21  }
0x1a3: {  	v20 =	vadd.bf16 v21, v20  }
0x1a4: {  	v55 =	vsub.bf16 v53, v19;
	v54 =	vand.u32 $0x7FFF7FFF, v22  }
0x1a5: {  	v20 =	vadd.bf16 v54, v20  }
0x1a6: {  	v56 =	vand.u32 $0x7FFF7FFF, v55  }
0x1a7: {  	v20 =	vadd.bf16 v56, v20;
	_ =	sdelay $0x1  }
0x1a8: {  	v21 =	vunpack.i.u.bf16.f32 v20;
	v20 =	vunpack.i.l.bf16.f32 v20  }
0x1a9: {  	v20 =	vadd.f32 v20, v21;
	_ =	sdelay $0x1  }
0x1aa: {  	[tilespmem:$0xF1D0] =	vst v20  }
0x1ab: {  	v20 =	vld [tilespmem:s1+$0xFFFFFF00]  }
0x1ac: {  	v57 =	vld [tilespmem:s1+$0xFFFFFF10];
	_ =	sdelay $0x1  }
0x1ad: {  	v58 =	vld [tilespmem:s1+$0xFFFFFF20];
	_ =	sdelay $0x1  }
0x1ae: {  	v59 =	vld [tilespmem:s1+$0xFFFFFF30]  }
0x1af: {  	v20 =	vsub.bf16 v20, v16;
	v21 =	vsub.bf16 v57, v17;
	_ =	sdelay $0x1  }
0x1b0: {  	v22 =	vsub.bf16 v58, v18;
	v20 =	vand.u32 $0x7FFF7FFF, v20;
	v21 =	vand.u32 $0x7FFF7FFF, v21  }
0x1b1: {  	v20 =	vadd.bf16 v21, v20  }
0x1b2: {  	v61 =	vsub.bf16 v59, v19;
	v60 =	vand.u32 $0x7FFF7FFF, v22  }
0x1b3: {  	v20 =	vadd.bf16 v60, v20  }
0x1b4: {  	v62 =	vand.u32 $0x7FFF7FFF, v61  }
0x1b5: {  	v20 =	vadd.bf16 v62, v20;
	_ =	sdelay $0x1  }
0x1b6: {  	v21 =	vunpack.i.u.bf16.f32 v20;
	v20 =	vunpack.i.l.bf16.f32 v20  }
0x1b7: {  	v20 =	vadd.f32 v20, v21;
	_ =	sdelay $0x1  }
0x1b8: {  	[tilespmem:$0xF1E0] =	vst v20  }
0x1b9: {  	v20 =	vld [tilespmem:s1+$0xFFFFFF40]  }
0x1ba: {  	v63 =	vld [tilespmem:s1+$0xFFFFFF50];
	_ =	sdelay $0x1  }
0x1bb: {  	v24 =	vld [tilespmem:s1+$0xFFFFFF60];
	_ =	sdelay $0x1  }
0x1bc: {  	v25 =	vld [tilespmem:s1+$0xFFFFFF70]  }
0x1bd: {  	v20 =	vsub.bf16 v20, v16;
	v21 =	vsub.bf16 v63, v17;
	_ =	sdelay $0x1  }
0x1be: {  	v22 =	vsub.bf16 v24, v18;
	v20 =	vand.u32 $0x7FFF7FFF, v20;
	v21 =	vand.u32 $0x7FFF7FFF, v21  }
0x1bf: {  	v20 =	vadd.bf16 v21, v20  }
0x1c0: {  	v27 =	vsub.bf16 v25, v19;
	v26 =	vand.u32 $0x7FFF7FFF, v22  }
0x1c1: {  	v20 =	vadd.bf16 v26, v20  }
0x1c2: {  	v28 =	vand.u32 $0x7FFF7FFF, v27  }
0x1c3: {  	v20 =	vadd.bf16 v28, v20;
	_ =	sdelay $0x1  }
0x1c4: {  	v21 =	vunpack.i.u.bf16.f32 v20;
	v20 =	vunpack.i.l.bf16.f32 v20  }
0x1c5: {  	v20 =	vadd.f32 v20, v21;
	_ =	sdelay $0x1  }
0x1c6: {  	[tilespmem:$0xF1F0] =	vst v20  }
0x1c7: {  	v20 =	vld [tilespmem:s1+$0xFFFFFF80]  }
0x1c8: {  	v29 =	vld [tilespmem:s1+$0xFFFFFF90];
	_ =	sdelay $0x1  }
0x1c9: {  	v30 =	vld [tilespmem:s1+$0xFFFFFFA0];
	_ =	sdelay $0x1  }
0x1ca: {  	v31 =	vld [tilespmem:s1+$0xFFFFFFB0]  }
0x1cb: {  	v20 =	vsub.bf16 v20, v16;
	v21 =	vsub.bf16 v29, v17;
	_ =	sdelay $0x1  }
0x1cc: {  	v22 =	vsub.bf16 v30, v18;
	v20 =	vand.u32 $0x7FFF7FFF, v20;
	v21 =	vand.u32 $0x7FFF7FFF, v21  }
0x1cd: {  	v20 =	vadd.bf16 v21, v20  }
0x1ce: {  	v33 =	vsub.bf16 v31, v19;
	v32 =	vand.u32 $0x7FFF7FFF, v22  }
0x1cf: {  	v20 =	vadd.bf16 v32, v20  }
0x1d0: {  	v34 =	vand.u32 $0x7FFF7FFF, v33  }
0x1d1: {  	v20 =	vadd.bf16 v34, v20;
	_ =	sdelay $0x1  }
0x1d2: {  	v21 =	vunpack.i.u.bf16.f32 v20;
	v20 =	vunpack.i.l.bf16.f32 v20  }
0x1d3: {  	v20 =	vadd.f32 v20, v21;
	_ =	sdelay $0x1  }
0x1d4: {  	[tilespmem:$0xF200] =	vst v20  }
0x1d5: {  	v20 =	vld [tilespmem:s1+$0xFFFFFFC0]  }
0x1d6: {  	v35 =	vld [tilespmem:s1+$0xFFFFFFD0];
	_ =	sdelay $0x1  }
0x1d7: {  	v36 =	vld [tilespmem:s1+$0xFFFFFFE0];
	_ =	sdelay $0x1  }
0x1d8: {  	v37 =	vld [tilespmem:s1+$0xFFFFFFF0]  }
0x1d9: {  	v20 =	vsub.bf16 v20, v16;
	v21 =	vsub.bf16 v35, v17;
	_ =	sdelay $0x1  }
0x1da: {  	v22 =	vsub.bf16 v36, v18;
	v20 =	vand.u32 $0x7FFF7FFF, v20;
	v21 =	vand.u32 $0x7FFF7FFF, v21  }
0x1db: {  	v20 =	vadd.bf16 v21, v20  }
0x1dc: {  	v39 =	vsub.bf16 v37, v19;
	v38 =	vand.u32 $0x7FFF7FFF, v22  }
0x1dd: {  	v20 =	vadd.bf16 v38, v20  }
0x1de: {  	v40 =	vand.u32 $0x7FFF7FFF, v39  }
0x1df: {  	v20 =	vadd.bf16 v40, v20;
	_ =	sdelay $0x1  }
0x1e0: {  	v21 =	vunpack.i.u.bf16.f32 v20;
	v20 =	vunpack.i.l.bf16.f32 v20  }
0x1e1: {  	v20 =	vadd.f32 v20, v21;
	_ =	sdelay $0x1  }
0x1e2: {  	[tilespmem:$0xF210] =	vst v20  }
0x1e3: {  	v20 =	vld [tilespmem:s1+$0x0]  }
0x1e4: {  	v41 =	vld [tilespmem:s1+$0x10];
	_ =	sdelay $0x1  }
0x1e5: {  	v42 =	vld [tilespmem:s1+$0x20];
	_ =	sdelay $0x1  }
0x1e6: {  	v43 =	vld [tilespmem:s1+$0x30]  }
0x1e7: {  	v20 =	vsub.bf16 v20, v16;
	v21 =	vsub.bf16 v41, v17;
	_ =	sdelay $0x1  }
0x1e8: {  	v22 =	vsub.bf16 v42, v18;
	v20 =	vand.u32 $0x7FFF7FFF, v20;
	v21 =	vand.u32 $0x7FFF7FFF, v21  }
0x1e9: {  	v20 =	vadd.bf16 v21, v20  }
0x1ea: {  	v45 =	vsub.bf16 v43, v19;
	v44 =	vand.u32 $0x7FFF7FFF, v22  }
0x1eb: {  	v20 =	vadd.bf16 v44, v20  }
0x1ec: {  	v46 =	vand.u32 $0x7FFF7FFF, v45  }
0x1ed: {  	v20 =	vadd.bf16 v46, v20;
	_ =	sdelay $0x1  }
0x1ee: {  	v21 =	vunpack.i.u.bf16.f32 v20;
	v20 =	vunpack.i.l.bf16.f32 v20  }
0x1ef: {  	v20 =	vadd.f32 v20, v21;
	_ =	sdelay $0x1  }
0x1f0: {  	[tilespmem:$0xF220] =	vst v20  }
0x1f1: {  	v20 =	vld [tilespmem:s1+$0x40]  }
0x1f2: {  	v47 =	vld [tilespmem:s1+$0x50];
	_ =	sdelay $0x1  }
0x1f3: {  	v48 =	vld [tilespmem:s1+$0x60];
	_ =	sdelay $0x1  }
0x1f4: {  	v49 =	vld [tilespmem:s1+$0x70]  }
0x1f5: {  	v20 =	vsub.bf16 v20, v16;
	v21 =	vsub.bf16 v47, v17;
	_ =	sdelay $0x1  }
0x1f6: {  	v22 =	vsub.bf16 v48, v18;
	v20 =	vand.u32 $0x7FFF7FFF, v20;
	v21 =	vand.u32 $0x7FFF7FFF, v21  }
0x1f7: {  	v20 =	vadd.bf16 v21, v20  }
0x1f8: {  	v51 =	vsub.bf16 v49, v19;
	v50 =	vand.u32 $0x7FFF7FFF, v22  }
0x1f9: {  	v20 =	vadd.bf16 v50, v20  }
0x1fa: {  	v52 =	vand.u32 $0x7FFF7FFF, v51  }
0x1fb: {  	v20 =	vadd.bf16 v52, v20;
	_ =	sdelay $0x1  }
0x1fc: {  	v21 =	vunpack.i.u.bf16.f32 v20;
	v20 =	vunpack.i.l.bf16.f32 v20  }
0x1fd: {  	v20 =	vadd.f32 v20, v21;
	_ =	sdelay $0x1  }
0x1fe: {  	[tilespmem:$0xF230] =	vst v20  }
0x1ff: {  	v20 =	vld [tilespmem:s1+$0x80]  }
0x200: {  	v53 =	vld [tilespmem:s1+$0x90];
	_ =	sdelay $0x1  }
0x201: {  	v54 =	vld [tilespmem:s1+$0xA0];
	_ =	sdelay $0x1  }
0x202: {  	v55 =	vld [tilespmem:s1+$0xB0]  }
0x203: {  	v20 =	vsub.bf16 v20, v16;
	v21 =	vsub.bf16 v53, v17;
	_ =	sdelay $0x1  }
0x204: {  	v22 =	vsub.bf16 v54, v18;
	v20 =	vand.u32 $0x7FFF7FFF, v20;
	v21 =	vand.u32 $0x7FFF7FFF, v21  }
0x205: {  	v20 =	vadd.bf16 v21, v20  }
0x206: {  	v57 =	vsub.bf16 v55, v19;
	v56 =	vand.u32 $0x7FFF7FFF, v22  }
0x207: {  	v20 =	vadd.bf16 v56, v20  }
0x208: {  	v58 =	vand.u32 $0x7FFF7FFF, v57  }
0x209: {  	v20 =	vadd.bf16 v58, v20;
	_ =	sdelay $0x1  }
0x20a: {  	v21 =	vunpack.i.u.bf16.f32 v20;
	v20 =	vunpack.i.l.bf16.f32 v20  }
0x20b: {  	v20 =	vadd.f32 v20, v21;
	_ =	sdelay $0x1  }
0x20c: {  	[tilespmem:$0xF240] =	vst v20  }
0x20d: {  	v20 =	vld [tilespmem:s1+$0xC0]  }
0x20e: {  	v59 =	vld [tilespmem:s1+$0xD0];
	_ =	sdelay $0x1  }
0x20f: {  	v60 =	vld [tilespmem:s1+$0xE0];
	_ =	sdelay $0x1  }
0x210: {  	v61 =	vld [tilespmem:s1+$0xF0]  }
0x211: {  	v20 =	vsub.bf16 v20, v16;
	v21 =	vsub.bf16 v59, v17;
	_ =	sdelay $0x1  }
0x212: {  	v22 =	vsub.bf16 v60, v18;
	v20 =	vand.u32 $0x7FFF7FFF, v20;
	v21 =	vand.u32 $0x7FFF7FFF, v21  }
0x213: {  	v20 =	vadd.bf16 v21, v20  }
0x214: {  	v63 =	vsub.bf16 v61, v19;
	v62 =	vand.u32 $0x7FFF7FFF, v22  }
0x215: {  	v20 =	vadd.bf16 v62, v20  }
0x216: {  	v24 =	vand.u32 $0x7FFF7FFF, v63  }
0x217: {  	v20 =	vadd.bf16 v24, v20;
	_ =	sdelay $0x1  }
0x218: {  	v21 =	vunpack.i.u.bf16.f32 v20;
	v20 =	vunpack.i.l.bf16.f32 v20  }
0x219: {  	v20 =	vadd.f32 v20, v21;
	_ =	sdelay $0x1  }
0x21a: {  	[tilespmem:$0xF250] =	vst v20  }
0x21b: {  	v20 =	vld [tilespmem:s1+$0x100]  }
0x21c: {  	v25 =	vld [tilespmem:s1+$0x110];
	_ =	sdelay $0x1  }
0x21d: {  	v26 =	vld [tilespmem:s1+$0x120];
	_ =	sdelay $0x1  }
0x21e: {  	v27 =	vld [tilespmem:s1+$0x130]  }
0x21f: {  	v20 =	vsub.bf16 v20, v16;
	v21 =	vsub.bf16 v25, v17;
	_ =	sdelay $0x1  }
0x220: {  	v22 =	vsub.bf16 v26, v18;
	v20 =	vand.u32 $0x7FFF7FFF, v20;
	v21 =	vand.u32 $0x7FFF7FFF, v21  }
0x221: {  	v20 =	vadd.bf16 v21, v20  }
0x222: {  	v29 =	vsub.bf16 v27, v19;
	v28 =	vand.u32 $0x7FFF7FFF, v22  }
0x223: {  	v20 =	vadd.bf16 v28, v20  }
0x224: {  	v30 =	vand.u32 $0x7FFF7FFF, v29  }
0x225: {  	v20 =	vadd.bf16 v30, v20;
	_ =	sdelay $0x1  }
0x226: {  	v21 =	vunpack.i.u.bf16.f32 v20;
	v20 =	vunpack.i.l.bf16.f32 v20  }
0x227: {  	v20 =	vadd.f32 v20, v21;
	_ =	sdelay $0x1  }
0x228: {  	[tilespmem:$0xF260] =	vst v20  }
0x229: {  	v20 =	vld [tilespmem:s1+$0x140]  }
0x22a: {  	v31 =	vld [tilespmem:s1+$0x150];
	_ =	sdelay $0x1  }
0x22b: {  	v32 =	vld [tilespmem:s1+$0x160];
	_ =	sdelay $0x1  }
0x22c: {  	v33 =	vld [tilespmem:s1+$0x170]  }
0x22d: {  	v20 =	vsub.bf16 v20, v16;
	v21 =	vsub.bf16 v31, v17;
	_ =	sdelay $0x1  }
0x22e: {  	v22 =	vsub.bf16 v32, v18;
	v20 =	vand.u32 $0x7FFF7FFF, v20;
	v21 =	vand.u32 $0x7FFF7FFF, v21  }
0x22f: {  	v20 =	vadd.bf16 v21, v20  }
0x230: {  	v35 =	vsub.bf16 v33, v19;
	v34 =	vand.u32 $0x7FFF7FFF, v22  }
0x231: {  	v20 =	vadd.bf16 v34, v20  }
0x232: {  	v36 =	vand.u32 $0x7FFF7FFF, v35  }
0x233: {  	v20 =	vadd.bf16 v36, v20;
	_ =	sdelay $0x1  }
0x234: {  	v21 =	vunpack.i.u.bf16.f32 v20;
	v20 =	vunpack.i.l.bf16.f32 v20  }
0x235: {  	v20 =	vadd.f32 v20, v21;
	_ =	sdelay $0x1  }
0x236: {  	[tilespmem:$0xF270] =	vst v20  }
0x237: {  	v20 =	vld [tilespmem:s1+$0x180]  }
0x238: {  	v37 =	vld [tilespmem:s1+$0x190];
	_ =	sdelay $0x1  }
0x239: {  	v38 =	vld [tilespmem:s1+$0x1A0];
	_ =	sdelay $0x1  }
0x23a: {  	v39 =	vld [tilespmem:s1+$0x1B0]  }
0x23b: {  	v20 =	vsub.bf16 v20, v16;
	v21 =	vsub.bf16 v37, v17;
	_ =	sdelay $0x1  }
0x23c: {  	v22 =	vsub.bf16 v38, v18;
	v20 =	vand.u32 $0x7FFF7FFF, v20;
	v21 =	vand.u32 $0x7FFF7FFF, v21  }
0x23d: {  	v20 =	vadd.bf16 v21, v20  }
0x23e: {  	v41 =	vsub.bf16 v39, v19;
	v40 =	vand.u32 $0x7FFF7FFF, v22  }
0x23f: {  	v20 =	vadd.bf16 v40, v20  }
0x240: {  	v42 =	vand.u32 $0x7FFF7FFF, v41  }
0x241: {  	v20 =	vadd.bf16 v42, v20;
	_ =	sdelay $0x1  }
0x242: {  	v21 =	vunpack.i.u.bf16.f32 v20;
	v20 =	vunpack.i.l.bf16.f32 v20  }
0x243: {  	v20 =	vadd.f32 v20, v21;
	_ =	sdelay $0x1  }
0x244: {  	[tilespmem:$0xF280] =	vst v20  }
0x245: {  	v20 =	vld [tilespmem:s1+$0x1C0]  }
0x246: {  	v43 =	vld [tilespmem:s1+$0x1D0];
	_ =	sdelay $0x1  }
0x247: {  	v44 =	vld [tilespmem:s1+$0x1E0];
	_ =	sdelay $0x1  }
0x248: {  	v45 =	vld [tilespmem:s1+$0x1F0]  }
0x249: {  	v20 =	vsub.bf16 v20, v16;
	v21 =	vsub.bf16 v43, v17;
	_ =	sdelay $0x1  }
0x24a: {  	v22 =	vsub.bf16 v44, v18;
	v20 =	vand.u32 $0x7FFF7FFF, v20;
	v21 =	vand.u32 $0x7FFF7FFF, v21  }
0x24b: {  	v20 =	vadd.bf16 v21, v20  }
0x24c: {  	v47 =	vsub.bf16 v45, v19;
	v46 =	vand.u32 $0x7FFF7FFF, v22  }
0x24d: {  	v20 =	vadd.bf16 v46, v20  }
0x24e: {  	v48 =	vand.u32 $0x7FFF7FFF, v47  }
0x24f: {  	v20 =	vadd.bf16 v48, v20;
	_ =	sdelay $0x1  }
0x250: {  	v21 =	vunpack.i.u.bf16.f32 v20;
	v20 =	vunpack.i.l.bf16.f32 v20  }
0x251: {  	v20 =	vadd.f32 v20, v21;
	_ =	sdelay $0x1  }
0x252: {  	[tilespmem:$0xF290] =	vst v20  }
0x253: {  	v20 =	vld.idx.msk [tilespmem:v0+s21+$0x0], $0xffff  }
0x254: {  	v49 =	vld.idx.msk [tilespmem:v1+s21+$0x0], $0xffff;
	_ =	sdelay $0x1  }
0x255: {  	v50 =	vld.idx.msk [tilespmem:v2+s21+$0x0], $0xffff;
	_ =	sdelay $0x1  }
0x256: {  	v51 =	vld.idx.msk [tilespmem:v3+s21+$0x0], $0xffff  }
0x257: {  	v20 =	vadd.f32 v49, v20  }
0x258: {  	v52 =	vld.idx.msk [tilespmem:v4+s21+$0x0], $0xffff  }
0x259: {  	v20 =	vadd.f32 v50, v20  }
0x25a: {  	v53 =	vld.idx.msk [tilespmem:v5+s21+$0x0], $0xffff  }
0x25b: {  	v20 =	vadd.f32 v51, v20  }
0x25c: {  	v54 =	vld.idx.msk [tilespmem:v6+s21+$0x0], $0xffff  }
0x25d: {  	v20 =	vadd.f32 v52, v20  }
0x25e: {  	v55 =	vld.idx.msk [tilespmem:v7+s21+$0x0], $0xffff  }
0x25f: {  	v20 =	vadd.f32 v53, v20  }
0x260: {  	v56 =	vld.idx.msk [tilespmem:v8+s21+$0x0], $0xffff  }
0x261: {  	v20 =	vadd.f32 v54, v20  }
0x262: {  	v57 =	vld.idx.msk [tilespmem:v9+s21+$0x0], $0xffff  }
0x263: {  	v20 =	vadd.f32 v55, v20  }
0x264: {  	v58 =	vld.idx.msk [tilespmem:v10+s21+$0x0], $0xffff  }
0x265: {  	v20 =	vadd.f32 v56, v20  }
0x266: {  	v59 =	vld.idx.msk [tilespmem:v11+s21+$0x0], $0xffff  }
0x267: {  	v20 =	vadd.f32 v57, v20  }
0x268: {  	v60 =	vld.idx.msk [tilespmem:v12+s21+$0x0], $0xffff  }
0x269: {  	v20 =	vadd.f32 v58, v20  }
0x26a: {  	v61 =	vld.idx.msk [tilespmem:v13+s21+$0x0], $0xffff  }
0x26b: {  	v20 =	vadd.f32 v59, v20  }
0x26c: {  	v62 =	vld.idx.msk [tilespmem:v14+s21+$0x0], $0xffff  }
0x26d: {  	v20 =	vadd.f32 v60, v20  }
0x26e: {  	v63 =	vld.idx.msk [tilespmem:v15+s21+$0x0], $0xffff  }
0x26f: {  	v20 =	vadd.f32 v61, v20;
	_ =	sdelay $0x1  }
0x270: {  	v20 =	vadd.f32 v62, v20  }
0x271: {  	p0 =	sne.s32 s29, $0x300  }
.Ltmp2:
0x272: {  	v20 =	vadd.f32 v63, v20;
	(pc) =	sbr.rel @p0 .LBB2_7-.Ltmp2, $4  }
0x273: {  	_ = 	snop  }
0x274: {  	v20 =	vsub.f32 $1.200000000e+01, v20  }
0x275: {  	s0 =	sshra.s32 s29, $0x2  }
0x276: {  	s29 =	sadd.s32 $0x40, s29;
	s1 =	sadd.s32 $0x400, s1;
	[tilespmem:s0+$0xF0D0] =	vst v20  }
0x277: {  	s28 =	sadd.s32 $0x1, s28  }
0x278: {  	s0 =	smul.u32 $0xD0, s30;
	p0 =	sne.s32 s28, $0x40  }
.Ltmp3:
0x279: {  	_ = 	snop;
	(pc) =	sbr.rel @p0 .LBB2_4-.Ltmp3, $4  }
0x27a: {  	s0 =	sshrl.u32 s0, $0x3  }
0x27b: {  	s0 =	sadd.s32 s6, s0  }
0x27c: {  	s0 =	sadd.s32 $0x1A, s0  }
0x27d: {  	[hbm4b:s0+s3] =	stream.linear.scatter [tilespmem:s24], [sflag:$0x3], $0xD0, $0x38;
	[tilespmem:$0xF3A0] =	vst v63  }
0x27e: {  	s26 =	sadd.s32 $0x1, s26  }
0x27f: {  	_ =	swait.ge [sflag:s25], $0xD0;
	p0 =	sne.s32 s26, s10  }
.Ltmp4:
0x280: {  	[sflag:s25] =	ssyncset.done $0x0;
	(pc) =	sbr.rel @p0 .LBB2_1-.Ltmp4, $4  }
0x281: {  	[sflag:s25] =	ssyncadd.s32 $0xFFFFFF30  }
0x282: {  	_ =	swait.ge [sflag:s25], $0xD0  }
0x283: {  	[sflag:s25] =	ssyncset.done $0x0  }
0x284: {  	[sflag:s25] =	ssyncadd.s32 $0xFFFFFF30  }
0x285: {  	_ =	sfence.sel $0x180000  }
0x286: {  	[bflag:$0x0] =	sbarrier.arrive $0xFFFF  }
0x287: {  	_ =	strace $0x90000047  }
0x288: {  	s0 =	stileid.u32;
	[bflag:$0x2] =	sbarrier.arrive $0xFFFF  }
0x289: {  	p0 =	sne.s32 s0, $0x0;
	s0 =	rddreg [dreg:$0x2]  }
0x28a: {  	s0 =	sadd.s32 @!p0 $0x100000, s0  }
0x28b: {  	[sflag:s0] =	ssyncadd.tile.s32 @!p0 $0x1;
	_ =	shalt  }
.Lfunc_end2:
_tile_overlayer_lowered:
.L_overlay_start_2:
0x28c: {  	(tag) =	ssettag $0x2  }
0x28d: {  	s0 =	rddreg [dreg:$0x0];
	s2 =	stileid.u32  }
0x28e: {  	s1 =	rddreg [dreg:$0x1];
	p0 =	sne.s32 s2, $0x0  }
0x28f: {  	s3 =	rddreg [dreg:$0x2];
	[bflag:$0x3] =	sbarrier.arrive $0xFFFF;
	s2 =	simm.s32 @!p0 $0x1C04  }
0x290: {  	[timem:s3], [sflag:s2] =	dma.local @!p0 [hbm:s0], s1  }
0x291: {  	s0 =	simm.s32 @!p0 $0x4  }
0x292: {  	_ =	swait.ge @!p0 [sflag:s0], s1  }
0x293: {  	s1 =	ssub.s32 @!p0 $0x0, s1;
	[sflag:s0] =	ssyncset.done @!p0 $0x0  }
0x294: {  	[sflag:s0] =	ssyncadd.s32 @!p0 s1  }
0x295: {  	[bflag:$0x3] =	sbarrier.arrive $0xFFFF  }
0x296: {  	_ =	shalt  }

</sc_bundles>
